<compile_context>
chip_gen: v7x
topology: tpu7x:2x2x1
jax: 0.10.2.dev20260603
libtpu: 0.0.44.dev20260713+nightly
codegen_flags: <defaults>
</compile_context>

<pallas_src>
import jax
import jax.numpy as jnp
from jax import lax
from jax.experimental import pallas as pl
from jax.experimental.pallas import tpu as pltpu
from jax.experimental.pallas import tpu_sc as plsc

L = 16
NS = 16
NF = 2048
NE = 2 * NF
FLAT = 3 * NF
NV = 256
TBL = NV * NV
FS = NF // NS
WS = 3 * FS
ES = 2 * FS


def _iota():
    return lax.iota(jnp.int32, L)


def _splat_i(x):
    return jnp.full((L,), x, jnp.int32)


def _rsqrt(v):
    i = plsc.bitcast(v, jnp.int32)
    i = _splat_i(0x5F3759DF) - (i >> 1)
    y = plsc.bitcast(i, jnp.float32)
    for _ in range(3):
        y = y * (1.5 - 0.5 * v * y * y)
    return y


def _sqrt(v):
    return v * _rsqrt(v)


def _splat_at(flat_ref, pos):
    chunk = flat_ref[pl.ds(pos, L)]
    return jnp.full((L,), chunk[0], jnp.int32)


def _first_not_in(flat_ref, xs_v, ys_v):

    def cond(st):
        j, pos = st
        return jnp.logical_and(j < FLAT // L, pos < 0)

    def body(st):
        j, pos = st
        chunk = flat_ref[pl.ds(j * L, L)]
        m = jnp.logical_and(chunk != xs_v, chunk != ys_v)
        c = lax.reduce_min(jnp.where(m, _iota(), _splat_i(L)), axes=(0,))
        pos2 = jnp.where(c < L, j * L + c, -1)
        return j + 1, pos2

    _, pos = lax.while_loop(cond, body, (jnp.int32(0), jnp.int32(-1)))
    pos = jnp.maximum(pos, 0)
    return _splat_at(flat_ref, pos)


def _sc_body(verts_hbm, faces_hbm, eps_hbm, out_hbm,
             sh_table, sh_pres, sh_xyz,
             f0slice, presidx1, myslice, verts_v,
             keyidx, v0s, v1s, cntbuf, presfull, xyzbuf,
             flat0_v, flat1_v, zeros_f, ones_f, ones_i, zeros_i, eps_v, acc_v,
             sem, sem1, sem2):
    cid = lax.axis_index("c")
    sid = lax.axis_index("s")

    @pl.when(sid == 0)
    def _():
        pltpu.async_copy(faces_hbm.at[pl.ds(0, FLAT)],
                         flat0_v.at[pl.ds(0, FLAT)], sem2)
        pltpu.async_copy(faces_hbm.at[pl.ds(FLAT, FLAT)],
                         flat1_v.at[pl.ds(0, FLAT)], sem2)

    base0 = sid * WS
    stage = []
    for k in range(3):
        stage.append(pltpu.async_copy(
            faces_hbm.at[pl.ds(0 * FLAT + base0 + k * FS, FS)], f0slice.at[k], sem))
        stage.append(pltpu.async_copy(
            faces_hbm.at[pl.ds(1 * FLAT + base0 + k * FS, FS)], presidx1.at[k], sem))
    stage.append(pltpu.async_copy(
        faces_hbm.at[pl.ds(cid * FLAT + base0, WS)], myslice, sem))
    stage.append(pltpu.async_copy(verts_hbm.at[cid], verts_v, sem))
    stage.append(pltpu.async_copy(eps_hbm, eps_v, sem))

    zf = jnp.zeros((L,), jnp.float32)
    zi = _splat_i(0)
    oi = _splat_i(1)
    of = jnp.full((L,), 1.0, jnp.float32)

    def fill_body(j, _):
        zeros_f[pl.ds(j * L, L)] = zf
        ones_f[pl.ds(j * L, L)] = of
        ones_i[pl.ds(j * L, L)] = oi
        return 0

    lax.fori_loop(0, FS // L, fill_body, 0)
    for j in range(2 * NV // NS // L):
        zeros_i[pl.ds(j * L, L)] = zi

    zp = pltpu.async_copy(
        zeros_i, sh_pres.at[pl.ds(sid * (2 * NV // NS), 2 * NV // NS)], sem1)
    for cp in stage:
        cp.wait()

    for k in range(3):
        def shift_body(j, _, k=k):
            presidx1[k, pl.ds(j * L, L)] = presidx1[k, pl.ds(j * L, L)] + NV
            return 0

        lax.fori_loop(0, FS // L, shift_body, 0)

    for h in range(2):
        def pa_body(t, _, h=h):
            jj = _iota() + t * L
            base = jj * 3 + h
            a = plsc.load_gather(myslice, [base])
            b = plsc.load_gather(myslice, [base + 1])
            v0 = jnp.minimum(a, b)
            v1 = jnp.maximum(a, b)
            v0s[pl.ds(h * FS + t * L, L)] = v0
            v1s[pl.ds(h * FS + t * L, L)] = v1
            keyidx[h, pl.ds(t * L, L)] = v0 * NV + v1
            return 0

        lax.fori_loop(0, FS // L, pa_body, 0)

    zk = [pltpu.async_copy(zeros_f, sh_table.at[keyidx.at[j]], sem1)
          for j in range(2)]

    @pl.when(sid == 0)
    def _():
        pltpu.make_async_copy(faces_hbm.at[pl.ds(0, FLAT)],
                              flat0_v.at[pl.ds(0, FLAT)], sem2).wait()
        pltpu.make_async_copy(faces_hbm.at[pl.ds(FLAT, FLAT)],
                              flat1_v.at[pl.ds(0, FLAT)], sem2).wait()
        vec = _splat_i(0)
        lanes = _iota()
        for slot, flat_ref in enumerate((flat0_v, flat1_v)):
            xs = _splat_at(flat_ref, 0)
            ys = _first_not_in(flat_ref, xs, xs)
            zs = _first_not_in(flat_ref, xs, ys)
            vec = jnp.where(lanes == 3 * slot, xs, vec)
            vec = jnp.where(lanes == 3 * slot + 1, ys, vec)
            vec = jnp.where(lanes == 3 * slot + 2, zs, vec)
        xyzbuf[...] = vec
        pltpu.sync_copy(xyzbuf, sh_xyz)

    zp.wait()
    for cp in zk:
        cp.wait()
    plsc.subcore_barrier()

    acc_cps = []
    for k in range(3):
        acc_cps.append(pltpu.async_copy(ones_i, sh_pres.at[f0slice.at[k]], sem))
        acc_cps.append(pltpu.async_copy(ones_i, sh_pres.at[presidx1.at[k]], sem))
    for j in range(2):
        acc_cps.append(pltpu.async_copy(ones_f, sh_table.at[keyidx.at[j]],
                                        sem, add=True))
    for cp in acc_cps:
        cp.wait()

    plsc.subcore_barrier()

    rd = [pltpu.async_copy(sh_pres, presfull, sem),
          pltpu.async_copy(sh_xyz, xyzbuf, sem)]
    rd += [pltpu.async_copy(sh_table.at[keyidx.at[j]],
                            cntbuf.at[pl.ds(j * FS, FS)], sem)
           for j in range(2)]
    for cp in rd:
        cp.wait()

    xv = xyzbuf[...]
    x0 = jnp.full((L,), xv[0], jnp.int32)
    y0 = jnp.full((L,), xv[1], jnp.int32)
    z0 = jnp.full((L,), xv[2], jnp.int32)
    x1 = jnp.full((L,), xv[3], jnp.int32)
    y1 = jnp.full((L,), xv[4], jnp.int32)
    z1 = jnp.full((L,), xv[5], jnp.int32)
    eps = eps_v[...]

    def pc_body(tt, acc):
        v0 = v0s[pl.ds(tt * L, L)]
        v1 = v1s[pl.ds(tt * L, L)]
        cnt = cntbuf[pl.ds(tt * L, L)]
        w = 1.0 / cnt

        m0 = jnp.logical_and(plsc.load_gather(presfull, [v0]) > 0,
                             plsc.load_gather(presfull, [v1]) > 0)
        m1 = jnp.logical_and(plsc.load_gather(presfull, [v0 + NV]) > 0,
                             plsc.load_gather(presfull, [v1 + NV]) > 0)
        val0 = jnp.where(jnp.logical_and(v0 != x0, v1 != x0), x0,
                         jnp.where(jnp.logical_and(v0 != y0, v1 != y0), y0, z0))
        val1 = jnp.where(jnp.logical_and(v0 != x1, v1 != x1), x1,
                         jnp.where(jnp.logical_and(v0 != y1, v1 != y1), y1, z1))
        v2 = jnp.where(m0, val0, jnp.where(m1, val1, 0))
        v3 = jnp.where(jnp.logical_and(m0, m1), val1, 0)

        def vert(vidx):
            b3 = vidx * 3
            return (plsc.load_gather(verts_v, [b3]),
                    plsc.load_gather(verts_v, [b3 + 1]),
                    plsc.load_gather(verts_v, [b3 + 2]))

        p0 = vert(v0)
        p1 = vert(v1)
        p2 = vert(v2)
        p3 = vert(v3)
        a1 = tuple(p1[k] - p0[k] for k in range(3))
        b1 = tuple(p2[k] - p0[k] for k in range(3))
        b2 = tuple(p3[k] - p0[k] for k in range(3))

        def dot3(u, v):
            return u[0] * v[0] + u[1] * v[1] + u[2] * v[2]

        a1l2 = dot3(a1, a1)
        b1l2 = dot3(b1, b1)
        b2l2 = dot3(b2, b2)
        ab1 = dot3(a1, b1)
        ab2 = dot3(a1, b2)
        a1l1 = _sqrt(a1l2 + eps)
        b1l1 = _sqrt(b1l2 + eps)
        b2l1 = _sqrt(b2l2 + eps)
        cos1 = ab1 / (a1l1 * b1l1 + eps)
        sin1 = _sqrt(1.0 - cos1 * cos1 + eps)
        cos2 = ab2 / (a1l1 * b2l1 + eps)
        sin2 = _sqrt(1.0 - cos2 * cos2 + eps)
        r1 = ab1 / (a1l2 + eps)
        r2 = ab2 / (a1l2 + eps)
        cb1 = tuple(b1[k] - a1[k] * r1 for k in range(3))
        cb2 = tuple(b2[k] - a1[k] * r2 for k in range(3))
        cosf = dot3(cb1, cb2) / (b1l1 * sin1 * b2l1 * sin2 + eps)
        term = (cosf + 1.0) * (cosf + 1.0)
        return acc + term * w

    acc = lax.fori_loop(0, ES // L, pc_body, jnp.zeros((L,), jnp.float32))
    acc_v[...] = acc
    pltpu.sync_copy(acc_v, out_hbm.at[cid * NS + sid])


def kernel(vertices, faces, eps):
    verts2d = vertices.reshape(2, 3 * NV).astype(jnp.float32)
    faces1d = faces.reshape(2 * FLAT).astype(jnp.int32)
    eps16 = jnp.full((L,), eps, jnp.float32)

    mesh = plsc.VectorSubcoreMesh(core_axis_name="c", subcore_axis_name="s")
    run = pl.kernel(
        _sc_body,
        mesh=mesh,
        out_type=jax.ShapeDtypeStruct((2 * NS, L), jnp.float32),
        compiler_params=pltpu.CompilerParams(needs_layout_passes=False),
        scratch_types=[
            pltpu.VMEM_SHARED((TBL,), jnp.float32),
            pltpu.VMEM_SHARED((2 * NV,), jnp.int32),
            pltpu.VMEM_SHARED((L,), jnp.int32),
            pltpu.VMEM((3, FS), jnp.int32),
            pltpu.VMEM((3, FS), jnp.int32),
            pltpu.VMEM((WS,), jnp.int32),
            pltpu.VMEM((3 * NV,), jnp.float32),
            pltpu.VMEM((2, FS), jnp.int32),
            pltpu.VMEM((ES,), jnp.int32),
            pltpu.VMEM((ES,), jnp.int32),
            pltpu.VMEM((ES,), jnp.float32),
            pltpu.VMEM((2 * NV,), jnp.int32),
            pltpu.VMEM((L,), jnp.int32),
            pltpu.VMEM((FLAT + L,), jnp.int32),
            pltpu.VMEM((FLAT + L,), jnp.int32),
            pltpu.VMEM((FS,), jnp.float32),
            pltpu.VMEM((FS,), jnp.float32),
            pltpu.VMEM((FS,), jnp.int32),
            pltpu.VMEM((2 * NV // NS,), jnp.int32),
            pltpu.VMEM((L,), jnp.float32),
            pltpu.VMEM((L,), jnp.float32),
            pltpu.SemaphoreType.DMA,
            pltpu.SemaphoreType.DMA,
            pltpu.SemaphoreType.DMA,
        ],
    )
    out = run(verts2d, faces1d, eps16)
    return jnp.sum(out)

# --- scband reference (transcript-rebuilt; emitter-appended) ---
"""Pipeline reference for scband-flatten-loss-batch-29686813950547 (READ-ONLY COPY).

The authoritative reference and input builder live on the scoring server;
editing this copy changes nothing except your own understanding.
"""

import jax, jax.numpy as jnp
import numpy as np


def _build_edge_adjacency(faces_np):
    # Faithful replication of the original python/numpy preprocessing:
    # for each mesh i, unique sorted edges from face slices [:,0:2] and [:,1:3];
    # for each edge (v0,v1), scan batches b in order; 'v0 in face and v1 in face'
    # is membership over the WHOLE [F,3] face array of batch b (as in the original),
    # and the picked vertex is the first element of faces[b].ravel() not equal to v0 or v1.
    nb = faces_np.shape[0]
    per_batch = []
    for i in range(nb):
        pairs = np.sort(np.concatenate((faces_np[i, :, 0:2], faces_np[i, :, 1:3]), axis=0), axis=-1)
        vertices_id = list(set(tuple(int(a) for a in v) for v in pairs))
        v0s = np.array([v[0] for v in vertices_id], np.int32)
        v1s = np.array([v[1] for v in vertices_id], np.int32)
        E = v0s.shape[0]
        counts = np.zeros(E, np.int64)
        v2s = np.zeros(E, np.int32)
        v3s = np.zeros(E, np.int32)
        for b in range(nb):
            flat = faces_np[b].reshape(-1)
            match = np.isin(v0s, flat) & np.isin(v1s, flat)
            mask = (flat[None, :] != v0s[:, None]) & (flat[None, :] != v1s[:, None])
            vals = flat[mask.argmax(axis=1)]
            sel0 = match & (counts == 0)
            sel1 = match & (counts == 1)
            v2s[sel0] = vals[sel0]
            v3s[sel1] = vals[sel1]
            counts = counts + match.astype(np.int64)
        per_batch.append((v0s.astype(np.int64), v1s.astype(np.int64), v2s.astype(np.int64), v3s.astype(np.int64)))
    return per_batch


def _flatten_loss(vertices, adj, eps):
    loss = jnp.float32(0.0)
    for i, (v0s, v1s, v2s, v3s) in enumerate(adj):
        v0 = vertices[i, v0s, :]
        v1 = vertices[i, v1s, :]
        v2 = vertices[i, v2s, :]
        v3 = vertices[i, v3s, :]
        a1 = v1 - v0
        b1 = v2 - v0
        a1l2 = jnp.sum(a1 ** 2, axis=-1)
        b1l2 = jnp.sum(b1 ** 2, axis=-1)
        a1l1 = jnp.sqrt(a1l2 + eps)
        b1l1 = jnp.sqrt(b1l2 + eps)
        ab1 = jnp.sum(a1 * b1, axis=-1)
        cos1 = ab1 / (a1l1 * b1l1 + eps)
        sin1 = jnp.sqrt(1 - cos1 ** 2 + eps)
        c1 = a1 * (ab1 / (a1l2 + eps))[:, None]
        cb1 = b1 - c1
        cb1l1 = b1l1 * sin1
        a2 = v1 - v0
        b2 = v3 - v0
        a2l2 = jnp.sum(a2 ** 2, axis=-1)
        b2l2 = jnp.sum(b2 ** 2, axis=-1)
        a2l1 = jnp.sqrt(a2l2 + eps)
        b2l1 = jnp.sqrt(b2l2 + eps)
        ab2 = jnp.sum(a2 * b2, axis=-1)
        cos2 = ab2 / (a2l1 * b2l1 + eps)
        sin2 = jnp.sqrt(1 - cos2 ** 2 + eps)
        c2 = a2 * (ab2 / (a2l2 + eps))[:, None]
        cb2 = b2 - c2
        cb2l1 = b2l1 * sin2
        cos = jnp.sum(cb1 * cb2, axis=-1) / (cb1l1 * cb2l1 + eps)
        # dims = () on a 1-D tensor -> full reduction to scalar (legacy torch behavior)
        loss = loss + jnp.sum((cos + 1) ** 2)
    return loss


def setup_inputs(seed=0):
    key = jax.random.key(seed)
    k1, k2 = jax.random.split(key)
    vertices = jax.random.normal(k1, (2, 256, 3), dtype=jnp.float32)
    faces = jax.random.randint(k2, (2, 2048, 3), 0, 256)
    return {"vertices": vertices, "faces": faces, "eps": jnp.float32(1e-06)}


def reference(vertices, faces, eps=1e-06):
    nb = faces.shape[0]
    N = 2 * faces.shape[1]
    idx = jnp.arange(N)
    loss = jnp.float32(0.0)
    for i in range(nb):
        pairs = jnp.sort(jnp.concatenate((faces[i, :, 0:2], faces[i, :, 1:3]), axis=0), axis=-1)
        v0s = pairs[:, 0]
        v1s = pairs[:, 1]
        eq = (v0s[:, None] == v0s[None, :]) & (v1s[:, None] == v1s[None, :])
        uniq = eq.argmax(axis=1) == idx
        counts = jnp.zeros(N, jnp.int32)
        v2s = jnp.zeros(N, faces.dtype)
        v3s = jnp.zeros(N, faces.dtype)
        for b in range(nb):
            flat = faces[b].reshape(-1)
            match = jnp.isin(v0s, flat) & jnp.isin(v1s, flat)
            mask = (flat[None, :] != v0s[:, None]) & (flat[None, :] != v1s[:, None])
            vals = flat[mask.argmax(axis=1)]
            v2s = jnp.where(match & (counts == 0), vals, v2s)
            v3s = jnp.where(match & (counts == 1), vals, v3s)
            counts = counts + match.astype(jnp.int32)
        v0 = vertices[i, v0s, :]
        v1 = vertices[i, v1s, :]
        v2 = vertices[i, v2s, :]
        v3 = vertices[i, v3s, :]
        a1 = v1 - v0
        b1 = v2 - v0
        a1l2 = jnp.sum(a1 ** 2, axis=-1)
        b1l2 = jnp.sum(b1 ** 2, axis=-1)
        a1l1 = jnp.sqrt(a1l2 + eps)
        b1l1 = jnp.sqrt(b1l2 + eps)
        ab1 = jnp.sum(a1 * b1, axis=-1)
        cos1 = ab1 / (a1l1 * b1l1 + eps)
        sin1 = jnp.sqrt(1 - cos1 ** 2 + eps)
        c1 = a1 * (ab1 / (a1l2 + eps))[:, None]
        cb1 = b1 - c1
        cb1l1 = b1l1 * sin1
        a2 = v1 - v0
        b2 = v3 - v0
        a2l2 = jnp.sum(a2 ** 2, axis=-1)
        b2l2 = jnp.sum(b2 ** 2, axis=-1)
        a2l1 = jnp.sqrt(a2l2 + eps)
        b2l1 = jnp.sqrt(b2l2 + eps)
        ab2 = jnp.sum(a2 * b2, axis=-1)
        cos2 = ab2 / (a2l1 * b2l1 + eps)
        sin2 = jnp.sqrt(1 - cos2 ** 2 + eps)
        c2 = a2 * (ab2 / (a2l2 + eps))[:, None]
        cb2 = b2 - c2
        cb2l1 = b2l1 * sin2
        cos = jnp.sum(cb1 * cb2, axis=-1) / (cb1l1 * cb2l1 + eps)
        # dims = () on a 1-D tensor -> full reduction to scalar (legacy torch behavior)
        loss = loss + jnp.sum(jnp.where(uniq, (cos + 1) ** 2, jnp.float32(0.0)))
    return loss

if __name__ == "__main__":
    import jax
    _d = setup_inputs()
    print(jax.jit(kernel)(*tuple(_d.values())))

</pallas_src>

<mosaic_0001>
#map = affine_map<(d0, d1) -> (0, 0)>
#map1 = affine_map<(d0, d1) -> (0)>
module attributes {stable_mosaic.version = 14 : i64} {
  func.func @_sc_body(%arg0: i32, %arg1: i32, %arg2: memref<2x768xf32, #tpu.memory_space<hbm>>, %arg3: memref<12288xi32, #tpu.memory_space<hbm>>, %arg4: memref<16xf32, #tpu.memory_space<hbm>>, %arg5: memref<32x16xf32, #tpu.memory_space<hbm>>, %arg6: memref<65536xf32, #tpu.memory_space<vmem_shared>>, %arg7: memref<512xi32, #tpu.memory_space<vmem_shared>>, %arg8: memref<16xi32, #tpu.memory_space<vmem_shared>>, %arg9: memref<3x128xi32, #tpu.memory_space<vmem>>, %arg10: memref<3x128xi32, #tpu.memory_space<vmem>>, %arg11: memref<384xi32, #tpu.memory_space<vmem>>, %arg12: memref<768xf32, #tpu.memory_space<vmem>>, %arg13: memref<2x128xi32, #tpu.memory_space<vmem>>, %arg14: memref<256xi32, #tpu.memory_space<vmem>>, %arg15: memref<256xi32, #tpu.memory_space<vmem>>, %arg16: memref<256xf32, #tpu.memory_space<vmem>>, %arg17: memref<512xi32, #tpu.memory_space<vmem>>, %arg18: memref<16xi32, #tpu.memory_space<vmem>>, %arg19: memref<6160xi32, #tpu.memory_space<vmem>>, %arg20: memref<6160xi32, #tpu.memory_space<vmem>>, %arg21: memref<128xf32, #tpu.memory_space<vmem>>, %arg22: memref<128xf32, #tpu.memory_space<vmem>>, %arg23: memref<128xi32, #tpu.memory_space<vmem>>, %arg24: memref<32xi32, #tpu.memory_space<vmem>>, %arg25: memref<16xf32, #tpu.memory_space<vmem>>, %arg26: memref<16xf32, #tpu.memory_space<vmem>>, %arg27: memref<!tpu.dma_semaphore, #tpu.memory_space<semaphore_mem>>, %arg28: memref<!tpu.dma_semaphore, #tpu.memory_space<semaphore_mem>>, %arg29: memref<!tpu.dma_semaphore, #tpu.memory_space<semaphore_mem>>) attributes {dimension_semantics = [#tpu.dimension_semantics<core_parallel>, #tpu.dimension_semantics<subcore_parallel>], iteration_bounds = array<i64: 2, 16>, scalar_prefetch = 0 : i64, scratch_operands = 24 : i64, tpu.core_type = #tpu.core_type<sc_vector_subcore>, window_params = [{transform_indices = #map}, {transform_indices = #map1}, {transform_indices = #map1}, {transform_indices = #map}]} {
    %eq3A = arith.constant 0 : i32
    %eq3A_0 = arith.cmpi eq, %arg1, %eq3A : i32
    %convert_element_type3A = arith.extui %eq3A_0 : i1 to i32
    %cond3A = arith.constant 0 : i32
    %cond3A_1 = arith.cmpi ne, %convert_element_type3A, %cond3A : i32
    scf.if %cond3A_1 {
      %dma_start3A_398 = arith.constant 0 : i32
      %dma_start3A_399 = tpu.memref_slice %arg19[%dma_start3A_398] : memref<6160xi32, #tpu.memory_space<vmem>> -> memref<6144xi32, #tpu.memory_space<vmem>>
      %dma_start3A_400 = arith.constant 0 : i32
      %dma_start3A_401 = tpu.memref_slice %arg3[%dma_start3A_400] : memref<12288xi32, #tpu.memory_space<hbm>> -> memref<6144xi32, #tpu.memory_space<hbm>>
      %dma_start3A_402 = arith.constant 0 : i32
      %dma_start3A_403 = tpu.memref_slice %arg19[%dma_start3A_402] : memref<6160xi32, #tpu.memory_space<vmem>> -> memref<6144xi32, #tpu.memory_space<vmem>>
      %dma_start3A_404 = arith.constant 0 : i32
      %dma_start3A_405 = tpu.memref_slice %arg3[%dma_start3A_404] : memref<12288xi32, #tpu.memory_space<hbm>> -> memref<6144xi32, #tpu.memory_space<hbm>>
      tpu.enqueue_dma source(%dma_start3A_405 : memref<6144xi32, #tpu.memory_space<hbm>>) target(%dma_start3A_403 : memref<6144xi32, #tpu.memory_space<vmem>>) target_semaphore(%arg29 : memref<!tpu.dma_semaphore, #tpu.memory_space<semaphore_mem>>)
      %dma_start3A_406 = arith.constant 0 : i32
      %dma_start3A_407 = tpu.memref_slice %arg20[%dma_start3A_406] : memref<6160xi32, #tpu.memory_space<vmem>> -> memref<6144xi32, #tpu.memory_space<vmem>>
      %dma_start3A_408 = arith.constant 6144 : i32
      %dma_start3A_409 = tpu.memref_slice %arg3[%dma_start3A_408] : memref<12288xi32, #tpu.memory_space<hbm>> -> memref<6144xi32, #tpu.memory_space<hbm>>
      %dma_start3A_410 = arith.constant 0 : i32
      %dma_start3A_411 = tpu.memref_slice %arg20[%dma_start3A_410] : memref<6160xi32, #tpu.memory_space<vmem>> -> memref<6144xi32, #tpu.memory_space<vmem>>
      %dma_start3A_412 = arith.constant 6144 : i32
      %dma_start3A_413 = tpu.memref_slice %arg3[%dma_start3A_412] : memref<12288xi32, #tpu.memory_space<hbm>> -> memref<6144xi32, #tpu.memory_space<hbm>>
      tpu.enqueue_dma source(%dma_start3A_413 : memref<6144xi32, #tpu.memory_space<hbm>>) target(%dma_start3A_411 : memref<6144xi32, #tpu.memory_space<vmem>>) target_semaphore(%arg29 : memref<!tpu.dma_semaphore, #tpu.memory_space<semaphore_mem>>)
    } else {
    }
    %mul3A = arith.constant 384 : i32
    %mul3A_2 = arith.muli %arg1, %mul3A : i32
    %add3A = arith.constant 0 : i32
    %add3A_3 = arith.addi %add3A, %mul3A_2 : i32
    %add3A_4 = arith.constant 0 : i32
    %add3A_5 = arith.addi %add3A_3, %add3A_4 : i32
    %dma_start3A = arith.constant 0 : i32
    %dma_start3A_6 = arith.constant 0 : i32
    %dma_start3A_7 = tpu.memref_slice %arg9[%dma_start3A, %dma_start3A_6] : memref<3x128xi32, #tpu.memory_space<vmem>> -> memref<1x128xi32, #tpu.memory_space<vmem>>
    %dma_start3A_8 = tpu.memref_squeeze %dma_start3A_7 : memref<1x128xi32, #tpu.memory_space<vmem>> -> memref<128xi32, #tpu.memory_space<vmem>>
    %dma_start3A_9 = tpu.memref_slice %arg3[%add3A_5] : memref<12288xi32, #tpu.memory_space<hbm>> -> memref<128xi32, #tpu.memory_space<hbm>>
    %dma_start3A_10 = arith.constant 0 : i32
    %dma_start3A_11 = tpu.memref_slice %arg9[%dma_start3A, %dma_start3A_10] : memref<3x128xi32, #tpu.memory_space<vmem>> -> memref<1x128xi32, #tpu.memory_space<vmem>>
    %dma_start3A_12 = tpu.memref_squeeze %dma_start3A_11 : memref<1x128xi32, #tpu.memory_space<vmem>> -> memref<128xi32, #tpu.memory_space<vmem>>
    %dma_start3A_13 = tpu.memref_slice %arg3[%add3A_5] : memref<12288xi32, #tpu.memory_space<hbm>> -> memref<128xi32, #tpu.memory_space<hbm>>
    tpu.enqueue_dma source(%dma_start3A_13 : memref<128xi32, #tpu.memory_space<hbm>>) target(%dma_start3A_12 : memref<128xi32, #tpu.memory_space<vmem>>) target_semaphore(%arg27 : memref<!tpu.dma_semaphore, #tpu.memory_space<semaphore_mem>>)
    %add3A_14 = arith.constant 6144 : i32
    %add3A_15 = arith.addi %add3A_14, %mul3A_2 : i32
    %add3A_16 = arith.constant 0 : i32
    %add3A_17 = arith.addi %add3A_15, %add3A_16 : i32
    %dma_start3A_18 = arith.constant 0 : i32
    %dma_start3A_19 = arith.constant 0 : i32
    %dma_start3A_20 = tpu.memref_slice %arg10[%dma_start3A_18, %dma_start3A_19] : memref<3x128xi32, #tpu.memory_space<vmem>> -> memref<1x128xi32, #tpu.memory_space<vmem>>
    %dma_start3A_21 = tpu.memref_squeeze %dma_start3A_20 : memref<1x128xi32, #tpu.memory_space<vmem>> -> memref<128xi32, #tpu.memory_space<vmem>>
    %dma_start3A_22 = tpu.memref_slice %arg3[%add3A_17] : memref<12288xi32, #tpu.memory_space<hbm>> -> memref<128xi32, #tpu.memory_space<hbm>>
    %dma_start3A_23 = arith.constant 0 : i32
    %dma_start3A_24 = tpu.memref_slice %arg10[%dma_start3A_18, %dma_start3A_23] : memref<3x128xi32, #tpu.memory_space<vmem>> -> memref<1x128xi32, #tpu.memory_space<vmem>>
    %dma_start3A_25 = tpu.memref_squeeze %dma_start3A_24 : memref<1x128xi32, #tpu.memory_space<vmem>> -> memref<128xi32, #tpu.memory_space<vmem>>
    %dma_start3A_26 = tpu.memref_slice %arg3[%add3A_17] : memref<12288xi32, #tpu.memory_space<hbm>> -> memref<128xi32, #tpu.memory_space<hbm>>
    tpu.enqueue_dma source(%dma_start3A_26 : memref<128xi32, #tpu.memory_space<hbm>>) target(%dma_start3A_25 : memref<128xi32, #tpu.memory_space<vmem>>) target_semaphore(%arg27 : memref<!tpu.dma_semaphore, #tpu.memory_space<semaphore_mem>>)
    %add3A_27 = arith.constant 0 : i32
    %add3A_28 = arith.addi %add3A_27, %mul3A_2 : i32
    %add3A_29 = arith.constant 128 : i32
    %add3A_30 = arith.addi %add3A_28, %add3A_29 : i32
    %dma_start3A_31 = arith.constant 1 : i32
    %dma_start3A_32 = arith.constant 0 : i32
    %dma_start3A_33 = tpu.memref_slice %arg9[%dma_start3A_31, %dma_start3A_32] : memref<3x128xi32, #tpu.memory_space<vmem>> -> memref<1x128xi32, #tpu.memory_space<vmem>>
    %dma_start3A_34 = tpu.memref_squeeze %dma_start3A_33 : memref<1x128xi32, #tpu.memory_space<vmem>> -> memref<128xi32, #tpu.memory_space<vmem>>
    %dma_start3A_35 = tpu.memref_slice %arg3[%add3A_30] : memref<12288xi32, #tpu.memory_space<hbm>> -> memref<128xi32, #tpu.memory_space<hbm>>
    %dma_start3A_36 = arith.constant 0 : i32
    %dma_start3A_37 = tpu.memref_slice %arg9[%dma_start3A_31, %dma_start3A_36] : memref<3x128xi32, #tpu.memory_space<vmem>> -> memref<1x128xi32, #tpu.memory_space<vmem>>
    %dma_start3A_38 = tpu.memref_squeeze %dma_start3A_37 : memref<1x128xi32, #tpu.memory_space<vmem>> -> memref<128xi32, #tpu.memory_space<vmem>>
    %dma_start3A_39 = tpu.memref_slice %arg3[%add3A_30] : memref<12288xi32, #tpu.memory_space<hbm>> -> memref<128xi32, #tpu.memory_space<hbm>>
    tpu.enqueue_dma source(%dma_start3A_39 : memref<128xi32, #tpu.memory_space<hbm>>) target(%dma_start3A_38 : memref<128xi32, #tpu.memory_space<vmem>>) target_semaphore(%arg27 : memref<!tpu.dma_semaphore, #tpu.memory_space<semaphore_mem>>)
    %add3A_40 = arith.constant 6144 : i32
    %add3A_41 = arith.addi %add3A_40, %mul3A_2 : i32
    %add3A_42 = arith.constant 128 : i32
    %add3A_43 = arith.addi %add3A_41, %add3A_42 : i32
    %dma_start3A_44 = arith.constant 1 : i32
    %dma_start3A_45 = arith.constant 0 : i32
    %dma_start3A_46 = tpu.memref_slice %arg10[%dma_start3A_44, %dma_start3A_45] : memref<3x128xi32, #tpu.memory_space<vmem>> -> memref<1x128xi32, #tpu.memory_space<vmem>>
    %dma_start3A_47 = tpu.memref_squeeze %dma_start3A_46 : memref<1x128xi32, #tpu.memory_space<vmem>> -> memref<128xi32, #tpu.memory_space<vmem>>
    %dma_start3A_48 = tpu.memref_slice %arg3[%add3A_43] : memref<12288xi32, #tpu.memory_space<hbm>> -> memref<128xi32, #tpu.memory_space<hbm>>
    %dma_start3A_49 = arith.constant 0 : i32
    %dma_start3A_50 = tpu.memref_slice %arg10[%dma_start3A_44, %dma_start3A_49] : memref<3x128xi32, #tpu.memory_space<vmem>> -> memref<1x128xi32, #tpu.memory_space<vmem>>
    %dma_start3A_51 = tpu.memref_squeeze %dma_start3A_50 : memref<1x128xi32, #tpu.memory_space<vmem>> -> memref<128xi32, #tpu.memory_space<vmem>>
    %dma_start3A_52 = tpu.memref_slice %arg3[%add3A_43] : memref<12288xi32, #tpu.memory_space<hbm>> -> memref<128xi32, #tpu.memory_space<hbm>>
    tpu.enqueue_dma source(%dma_start3A_52 : memref<128xi32, #tpu.memory_space<hbm>>) target(%dma_start3A_51 : memref<128xi32, #tpu.memory_space<vmem>>) target_semaphore(%arg27 : memref<!tpu.dma_semaphore, #tpu.memory_space<semaphore_mem>>)
    %add3A_53 = arith.constant 0 : i32
    %add3A_54 = arith.addi %add3A_53, %mul3A_2 : i32
    %add3A_55 = arith.constant 256 : i32
    %add3A_56 = arith.addi %add3A_54, %add3A_55 : i32
    %dma_start3A_57 = arith.constant 2 : i32
    %dma_start3A_58 = arith.constant 0 : i32
    %dma_start3A_59 = tpu.memref_slice %arg9[%dma_start3A_57, %dma_start3A_58] : memref<3x128xi32, #tpu.memory_space<vmem>> -> memref<1x128xi32, #tpu.memory_space<vmem>>
    %dma_start3A_60 = tpu.memref_squeeze %dma_start3A_59 : memref<1x128xi32, #tpu.memory_space<vmem>> -> memref<128xi32, #tpu.memory_space<vmem>>
    %dma_start3A_61 = tpu.memref_slice %arg3[%add3A_56] : memref<12288xi32, #tpu.memory_space<hbm>> -> memref<128xi32, #tpu.memory_space<hbm>>
    %dma_start3A_62 = arith.constant 0 : i32
    %dma_start3A_63 = tpu.memref_slice %arg9[%dma_start3A_57, %dma_start3A_62] : memref<3x128xi32, #tpu.memory_space<vmem>> -> memref<1x128xi32, #tpu.memory_space<vmem>>
    %dma_start3A_64 = tpu.memref_squeeze %dma_start3A_63 : memref<1x128xi32, #tpu.memory_space<vmem>> -> memref<128xi32, #tpu.memory_space<vmem>>
    %dma_start3A_65 = tpu.memref_slice %arg3[%add3A_56] : memref<12288xi32, #tpu.memory_space<hbm>> -> memref<128xi32, #tpu.memory_space<hbm>>
    tpu.enqueue_dma source(%dma_start3A_65 : memref<128xi32, #tpu.memory_space<hbm>>) target(%dma_start3A_64 : memref<128xi32, #tpu.memory_space<vmem>>) target_semaphore(%arg27 : memref<!tpu.dma_semaphore, #tpu.memory_space<semaphore_mem>>)
    %add3A_66 = arith.constant 6144 : i32
    %add3A_67 = arith.addi %add3A_66, %mul3A_2 : i32
    %add3A_68 = arith.constant 256 : i32
    %add3A_69 = arith.addi %add3A_67, %add3A_68 : i32
    %dma_start3A_70 = arith.constant 2 : i32
    %dma_start3A_71 = arith.constant 0 : i32
    %dma_start3A_72 = tpu.memref_slice %arg10[%dma_start3A_70, %dma_start3A_71] : memref<3x128xi32, #tpu.memory_space<vmem>> -> memref<1x128xi32, #tpu.memory_space<vmem>>
    %dma_start3A_73 = tpu.memref_squeeze %dma_start3A_72 : memref<1x128xi32, #tpu.memory_space<vmem>> -> memref<128xi32, #tpu.memory_space<vmem>>
    %dma_start3A_74 = tpu.memref_slice %arg3[%add3A_69] : memref<12288xi32, #tpu.memory_space<hbm>> -> memref<128xi32, #tpu.memory_space<hbm>>
    %dma_start3A_75 = arith.constant 0 : i32
    %dma_start3A_76 = tpu.memref_slice %arg10[%dma_start3A_70, %dma_start3A_75] : memref<3x128xi32, #tpu.memory_space<vmem>> -> memref<1x128xi32, #tpu.memory_space<vmem>>
    %dma_start3A_77 = tpu.memref_squeeze %dma_start3A_76 : memref<1x128xi32, #tpu.memory_space<vmem>> -> memref<128xi32, #tpu.memory_space<vmem>>
    %dma_start3A_78 = tpu.memref_slice %arg3[%add3A_69] : memref<12288xi32, #tpu.memory_space<hbm>> -> memref<128xi32, #tpu.memory_space<hbm>>
    tpu.enqueue_dma source(%dma_start3A_78 : memref<128xi32, #tpu.memory_space<hbm>>) target(%dma_start3A_77 : memref<128xi32, #tpu.memory_space<vmem>>) target_semaphore(%arg27 : memref<!tpu.dma_semaphore, #tpu.memory_space<semaphore_mem>>)
    %mul3A_79 = arith.constant 6144 : i32
    %mul3A_80 = arith.muli %arg0, %mul3A_79 : i32
    %add3A_81 = arith.addi %mul3A_80, %mul3A_2 : i32
    %dma_start3A_82 = tpu.memref_slice %arg3[%add3A_81] : memref<12288xi32, #tpu.memory_space<hbm>> -> memref<384xi32, #tpu.memory_space<hbm>>
    %dma_start3A_83 = tpu.memref_slice %arg3[%add3A_81] : memref<12288xi32, #tpu.memory_space<hbm>> -> memref<384xi32, #tpu.memory_space<hbm>>
    tpu.enqueue_dma source(%dma_start3A_83 : memref<384xi32, #tpu.memory_space<hbm>>) target(%arg11 : memref<384xi32, #tpu.memory_space<vmem>>) target_semaphore(%arg27 : memref<!tpu.dma_semaphore, #tpu.memory_space<semaphore_mem>>)
    %dma_start3A_84 = arith.constant 0 : i32
    %dma_start3A_85 = tpu.memref_slice %arg2[%arg0, %dma_start3A_84] : memref<2x768xf32, #tpu.memory_space<hbm>> -> memref<1x768xf32, #tpu.memory_space<hbm>>
    %dma_start3A_86 = tpu.memref_squeeze %dma_start3A_85 : memref<1x768xf32, #tpu.memory_space<hbm>> -> memref<768xf32, #tpu.memory_space<hbm>>
    %dma_start3A_87 = arith.constant 0 : i32
    %dma_start3A_88 = tpu.memref_slice %arg2[%arg0, %dma_start3A_87] : memref<2x768xf32, #tpu.memory_space<hbm>> -> memref<1x768xf32, #tpu.memory_space<hbm>>
    %dma_start3A_89 = tpu.memref_squeeze %dma_start3A_88 : memref<1x768xf32, #tpu.memory_space<hbm>> -> memref<768xf32, #tpu.memory_space<hbm>>
    tpu.enqueue_dma source(%dma_start3A_89 : memref<768xf32, #tpu.memory_space<hbm>>) target(%arg12 : memref<768xf32, #tpu.memory_space<vmem>>) target_semaphore(%arg27 : memref<!tpu.dma_semaphore, #tpu.memory_space<semaphore_mem>>)
    tpu.enqueue_dma source(%arg4 : memref<16xf32, #tpu.memory_space<hbm>>) target(%arg25 : memref<16xf32, #tpu.memory_space<vmem>>) target_semaphore(%arg27 : memref<!tpu.dma_semaphore, #tpu.memory_space<semaphore_mem>>)
    %broadcast_in_dim3A = arith.constant 0.000000e+00 : f32
    %broadcast_in_dim3A_90 = vector.broadcast %broadcast_in_dim3A : f32 to vector<16xf32>
    %broadcast_in_dim3A_91 = arith.constant 0 : i32
    %broadcast_in_dim3A_92 = vector.broadcast %broadcast_in_dim3A_91 : i32 to vector<16xi32>
    %broadcast_in_dim3A_93 = arith.constant 1 : i32
    %broadcast_in_dim3A_94 = vector.broadcast %broadcast_in_dim3A_93 : i32 to vector<16xi32>
    %broadcast_in_dim3A_95 = arith.constant 1.000000e+00 : f32
    %broadcast_in_dim3A_96 = vector.broadcast %broadcast_in_dim3A_95 : f32 to vector<16xf32>
    %scan3A = arith.constant 0 : i32
    %scan3A_97 = arith.constant 0 : i32
    %scan3A_98 = arith.constant 8 : i32
    %scan3A_99 = arith.addi %scan3A_97, %scan3A_98 : i32
    %scan3A_100 = arith.constant 1 : i32
    %scan3A_101 = scf.for %scan3A_398 = %scan3A_97 to %scan3A_99 step %scan3A_100 iter_args(%scan3A_399 = %scan3A) -> (i32)  : i32 {
      %mul3A_400 = arith.constant 16 : i32
      %mul3A_401 = arith.muli %scan3A_398, %mul3A_400 : i32
      %swap3A_402 = arith.index_cast %mul3A_401 : i32 to index
      %swap3A_403 = tpu.vector_load %arg21[%swap3A_402] {strides = array<i32>} : memref<128xf32, #tpu.memory_space<vmem>>, vector<16xf32>,
      tpu.vector_store %arg21[%swap3A_402], %broadcast_in_dim3A_90 {strides = array<i32>} : memref<128xf32, #tpu.memory_space<vmem>>, vector<16xf32>,
      %mul3A_404 = arith.constant 16 : i32
      %mul3A_405 = arith.muli %scan3A_398, %mul3A_404 : i32
      %swap3A_406 = arith.index_cast %mul3A_405 : i32 to index
      %swap3A_407 = tpu.vector_load %arg22[%swap3A_406] {strides = array<i32>} : memref<128xf32, #tpu.memory_space<vmem>>, vector<16xf32>,
      tpu.vector_store %arg22[%swap3A_406], %broadcast_in_dim3A_96 {strides = array<i32>} : memref<128xf32, #tpu.memory_space<vmem>>, vector<16xf32>,
      %mul3A_408 = arith.constant 16 : i32
      %mul3A_409 = arith.muli %scan3A_398, %mul3A_408 : i32
      %swap3A_410 = arith.index_cast %mul3A_409 : i32 to index
      %swap3A_411 = tpu.vector_load %arg23[%swap3A_410] {strides = array<i32>} : memref<128xi32, #tpu.memory_space<vmem>>, vector<16xi32>,
      tpu.vector_store %arg23[%swap3A_410], %broadcast_in_dim3A_94 {strides = array<i32>} : memref<128xi32, #tpu.memory_space<vmem>>, vector<16xi32>,
      %scan3A_412 = arith.constant 0 : i32
      scf.yield %scan3A_412 : i32
    }
    %scan3A_102 = arith.constant 8 : i32
    %swap3A = arith.constant 0 : index
    %swap3A_103 = tpu.vector_load %arg24[%swap3A] {strides = array<i32>} : memref<32xi32, #tpu.memory_space<vmem>>, vector<16xi32>,
    tpu.vector_store %arg24[%swap3A], %broadcast_in_dim3A_92 {strides = array<i32>} : memref<32xi32, #tpu.memory_space<vmem>>, vector<16xi32>,
    %swap3A_104 = arith.constant 16 : index
    %swap3A_105 = tpu.vector_load %arg24[%swap3A_104] {strides = array<i32>} : memref<32xi32, #tpu.memory_space<vmem>>, vector<16xi32>,
    tpu.vector_store %arg24[%swap3A_104], %broadcast_in_dim3A_92 {strides = array<i32>} : memref<32xi32, #tpu.memory_space<vmem>>, vector<16xi32>,
    %mul3A_106 = arith.constant 32 : i32
    %mul3A_107 = arith.muli %arg1, %mul3A_106 : i32
    %dma_start3A_108 = tpu.memref_slice %arg7[%mul3A_107] : memref<512xi32, #tpu.memory_space<vmem_shared>> -> memref<32xi32, #tpu.memory_space<vmem_shared>>
    %dma_start3A_109 = tpu.memref_slice %arg7[%mul3A_107] : memref<512xi32, #tpu.memory_space<vmem_shared>> -> memref<32xi32, #tpu.memory_space<vmem_shared>>
    tpu.enqueue_dma source(%arg24 : memref<32xi32, #tpu.memory_space<vmem>>) target(%dma_start3A_109 : memref<32xi32, #tpu.memory_space<vmem_shared>>) target_semaphore(%arg28 : memref<!tpu.dma_semaphore, #tpu.memory_space<semaphore_mem>>)
    %dma_wait3A = arith.constant 0 : i32
    %dma_wait3A_110 = arith.constant 0 : i32
    %dma_wait3A_111 = tpu.memref_slice %arg9[%dma_wait3A, %dma_wait3A_110] : memref<3x128xi32, #tpu.memory_space<vmem>> -> memref<1x128xi32, #tpu.memory_space<vmem>>
    %dma_wait3A_112 = tpu.memref_squeeze %dma_wait3A_111 : memref<1x128xi32, #tpu.memory_space<vmem>> -> memref<128xi32, #tpu.memory_space<vmem>>
    %dma_wait3A_113 = tpu.memref_slice %arg3[%add3A_5] : memref<12288xi32, #tpu.memory_space<hbm>> -> memref<128xi32, #tpu.memory_space<hbm>>
    %dma_wait3A_114 = arith.constant 0 : i32
    %dma_wait3A_115 = tpu.memref_slice %arg9[%dma_wait3A, %dma_wait3A_114] : memref<3x128xi32, #tpu.memory_space<vmem>> -> memref<1x128xi32, #tpu.memory_space<vmem>>
    %dma_wait3A_116 = tpu.memref_squeeze %dma_wait3A_115 : memref<1x128xi32, #tpu.memory_space<vmem>> -> memref<128xi32, #tpu.memory_space<vmem>>
    %dma_wait3A_117 = tpu.memref_slice %arg3[%add3A_5] : memref<12288xi32, #tpu.memory_space<hbm>> -> memref<128xi32, #tpu.memory_space<hbm>>
    tpu.wait_dma2 semaphore(%arg27 : memref<!tpu.dma_semaphore, #tpu.memory_space<semaphore_mem>>) src(%dma_wait3A_117 : memref<128xi32, #tpu.memory_space<hbm>>) dst(%dma_wait3A_116 : memref<128xi32, #tpu.memory_space<vmem>>)
    %dma_wait3A_118 = arith.constant 0 : i32
    %dma_wait3A_119 = arith.constant 0 : i32
    %dma_wait3A_120 = tpu.memref_slice %arg10[%dma_wait3A_118, %dma_wait3A_119] : memref<3x128xi32, #tpu.memory_space<vmem>> -> memref<1x128xi32, #tpu.memory_space<vmem>>
    %dma_wait3A_121 = tpu.memref_squeeze %dma_wait3A_120 : memref<1x128xi32, #tpu.memory_space<vmem>> -> memref<128xi32, #tpu.memory_space<vmem>>
    %dma_wait3A_122 = tpu.memref_slice %arg3[%add3A_17] : memref<12288xi32, #tpu.memory_space<hbm>> -> memref<128xi32, #tpu.memory_space<hbm>>
    %dma_wait3A_123 = arith.constant 0 : i32
    %dma_wait3A_124 = tpu.memref_slice %arg10[%dma_wait3A_118, %dma_wait3A_123] : memref<3x128xi32, #tpu.memory_space<vmem>> -> memref<1x128xi32, #tpu.memory_space<vmem>>
    %dma_wait3A_125 = tpu.memref_squeeze %dma_wait3A_124 : memref<1x128xi32, #tpu.memory_space<vmem>> -> memref<128xi32, #tpu.memory_space<vmem>>
    %dma_wait3A_126 = tpu.memref_slice %arg3[%add3A_17] : memref<12288xi32, #tpu.memory_space<hbm>> -> memref<128xi32, #tpu.memory_space<hbm>>
    tpu.wait_dma2 semaphore(%arg27 : memref<!tpu.dma_semaphore, #tpu.memory_space<semaphore_mem>>) src(%dma_wait3A_126 : memref<128xi32, #tpu.memory_space<hbm>>) dst(%dma_wait3A_125 : memref<128xi32, #tpu.memory_space<vmem>>)
    %dma_wait3A_127 = arith.constant 1 : i32
    %dma_wait3A_128 = arith.constant 0 : i32
    %dma_wait3A_129 = tpu.memref_slice %arg9[%dma_wait3A_127, %dma_wait3A_128] : memref<3x128xi32, #tpu.memory_space<vmem>> -> memref<1x128xi32, #tpu.memory_space<vmem>>
    %dma_wait3A_130 = tpu.memref_squeeze %dma_wait3A_129 : memref<1x128xi32, #tpu.memory_space<vmem>> -> memref<128xi32, #tpu.memory_space<vmem>>
    %dma_wait3A_131 = tpu.memref_slice %arg3[%add3A_30] : memref<12288xi32, #tpu.memory_space<hbm>> -> memref<128xi32, #tpu.memory_space<hbm>>
    %dma_wait3A_132 = arith.constant 0 : i32
    %dma_wait3A_133 = tpu.memref_slice %arg9[%dma_wait3A_127, %dma_wait3A_132] : memref<3x128xi32, #tpu.memory_space<vmem>> -> memref<1x128xi32, #tpu.memory_space<vmem>>
    %dma_wait3A_134 = tpu.memref_squeeze %dma_wait3A_133 : memref<1x128xi32, #tpu.memory_space<vmem>> -> memref<128xi32, #tpu.memory_space<vmem>>
    %dma_wait3A_135 = tpu.memref_slice %arg3[%add3A_30] : memref<12288xi32, #tpu.memory_space<hbm>> -> memref<128xi32, #tpu.memory_space<hbm>>
    tpu.wait_dma2 semaphore(%arg27 : memref<!tpu.dma_semaphore, #tpu.memory_space<semaphore_mem>>) src(%dma_wait3A_135 : memref<128xi32, #tpu.memory_space<hbm>>) dst(%dma_wait3A_134 : memref<128xi32, #tpu.memory_space<vmem>>)
    %dma_wait3A_136 = arith.constant 1 : i32
    %dma_wait3A_137 = arith.constant 0 : i32
    %dma_wait3A_138 = tpu.memref_slice %arg10[%dma_wait3A_136, %dma_wait3A_137] : memref<3x128xi32, #tpu.memory_space<vmem>> -> memref<1x128xi32, #tpu.memory_space<vmem>>
    %dma_wait3A_139 = tpu.memref_squeeze %dma_wait3A_138 : memref<1x128xi32, #tpu.memory_space<vmem>> -> memref<128xi32, #tpu.memory_space<vmem>>
    %dma_wait3A_140 = tpu.memref_slice %arg3[%add3A_43] : memref<12288xi32, #tpu.memory_space<hbm>> -> memref<128xi32, #tpu.memory_space<hbm>>
    %dma_wait3A_141 = arith.constant 0 : i32
    %dma_wait3A_142 = tpu.memref_slice %arg10[%dma_wait3A_136, %dma_wait3A_141] : memref<3x128xi32, #tpu.memory_space<vmem>> -> memref<1x128xi32, #tpu.memory_space<vmem>>
    %dma_wait3A_143 = tpu.memref_squeeze %dma_wait3A_142 : memref<1x128xi32, #tpu.memory_space<vmem>> -> memref<128xi32, #tpu.memory_space<vmem>>
    %dma_wait3A_144 = tpu.memref_slice %arg3[%add3A_43] : memref<12288xi32, #tpu.memory_space<hbm>> -> memref<128xi32, #tpu.memory_space<hbm>>
    tpu.wait_dma2 semaphore(%arg27 : memref<!tpu.dma_semaphore, #tpu.memory_space<semaphore_mem>>) src(%dma_wait3A_144 : memref<128xi32, #tpu.memory_space<hbm>>) dst(%dma_wait3A_143 : memref<128xi32, #tpu.memory_space<vmem>>)
    %dma_wait3A_145 = arith.constant 2 : i32
    %dma_wait3A_146 = arith.constant 0 : i32
    %dma_wait3A_147 = tpu.memref_slice %arg9[%dma_wait3A_145, %dma_wait3A_146] : memref<3x128xi32, #tpu.memory_space<vmem>> -> memref<1x128xi32, #tpu.memory_space<vmem>>
    %dma_wait3A_148 = tpu.memref_squeeze %dma_wait3A_147 : memref<1x128xi32, #tpu.memory_space<vmem>> -> memref<128xi32, #tpu.memory_space<vmem>>
    %dma_wait3A_149 = tpu.memref_slice %arg3[%add3A_56] : memref<12288xi32, #tpu.memory_space<hbm>> -> memref<128xi32, #tpu.memory_space<hbm>>
    %dma_wait3A_150 = arith.constant 0 : i32
    %dma_wait3A_151 = tpu.memref_slice %arg9[%dma_wait3A_145, %dma_wait3A_150] : memref<3x128xi32, #tpu.memory_space<vmem>> -> memref<1x128xi32, #tpu.memory_space<vmem>>
    %dma_wait3A_152 = tpu.memref_squeeze %dma_wait3A_151 : memref<1x128xi32, #tpu.memory_space<vmem>> -> memref<128xi32, #tpu.memory_space<vmem>>
    %dma_wait3A_153 = tpu.memref_slice %arg3[%add3A_56] : memref<12288xi32, #tpu.memory_space<hbm>> -> memref<128xi32, #tpu.memory_space<hbm>>
    tpu.wait_dma2 semaphore(%arg27 : memref<!tpu.dma_semaphore, #tpu.memory_space<semaphore_mem>>) src(%dma_wait3A_153 : memref<128xi32, #tpu.memory_space<hbm>>) dst(%dma_wait3A_152 : memref<128xi32, #tpu.memory_space<vmem>>)
    %dma_wait3A_154 = arith.constant 2 : i32
    %dma_wait3A_155 = arith.constant 0 : i32
    %dma_wait3A_156 = tpu.memref_slice %arg10[%dma_wait3A_154, %dma_wait3A_155] : memref<3x128xi32, #tpu.memory_space<vmem>> -> memref<1x128xi32, #tpu.memory_space<vmem>>
    %dma_wait3A_157 = tpu.memref_squeeze %dma_wait3A_156 : memref<1x128xi32, #tpu.memory_space<vmem>> -> memref<128xi32, #tpu.memory_space<vmem>>
    %dma_wait3A_158 = tpu.memref_slice %arg3[%add3A_69] : memref<12288xi32, #tpu.memory_space<hbm>> -> memref<128xi32, #tpu.memory_space<hbm>>
    %dma_wait3A_159 = arith.constant 0 : i32
    %dma_wait3A_160 = tpu.memref_slice %arg10[%dma_wait3A_154, %dma_wait3A_159] : memref<3x128xi32, #tpu.memory_space<vmem>> -> memref<1x128xi32, #tpu.memory_space<vmem>>
    %dma_wait3A_161 = tpu.memref_squeeze %dma_wait3A_160 : memref<1x128xi32, #tpu.memory_space<vmem>> -> memref<128xi32, #tpu.memory_space<vmem>>
    %dma_wait3A_162 = tpu.memref_slice %arg3[%add3A_69] : memref<12288xi32, #tpu.memory_space<hbm>> -> memref<128xi32, #tpu.memory_space<hbm>>
    tpu.wait_dma2 semaphore(%arg27 : memref<!tpu.dma_semaphore, #tpu.memory_space<semaphore_mem>>) src(%dma_wait3A_162 : memref<128xi32, #tpu.memory_space<hbm>>) dst(%dma_wait3A_161 : memref<128xi32, #tpu.memory_space<vmem>>)
    %dma_wait3A_163 = tpu.memref_slice %arg3[%add3A_81] : memref<12288xi32, #tpu.memory_space<hbm>> -> memref<384xi32, #tpu.memory_space<hbm>>
    %dma_wait3A_164 = tpu.memref_slice %arg3[%add3A_81] : memref<12288xi32, #tpu.memory_space<hbm>> -> memref<384xi32, #tpu.memory_space<hbm>>
    tpu.wait_dma2 semaphore(%arg27 : memref<!tpu.dma_semaphore, #tpu.memory_space<semaphore_mem>>) src(%dma_wait3A_164 : memref<384xi32, #tpu.memory_space<hbm>>) dst(%arg11 : memref<384xi32, #tpu.memory_space<vmem>>)
    %dma_wait3A_165 = arith.constant 0 : i32
    %dma_wait3A_166 = tpu.memref_slice %arg2[%arg0, %dma_wait3A_165] : memref<2x768xf32, #tpu.memory_space<hbm>> -> memref<1x768xf32, #tpu.memory_space<hbm>>
    %dma_wait3A_167 = tpu.memref_squeeze %dma_wait3A_166 : memref<1x768xf32, #tpu.memory_space<hbm>> -> memref<768xf32, #tpu.memory_space<hbm>>
    %dma_wait3A_168 = arith.constant 0 : i32
    %dma_wait3A_169 = tpu.memref_slice %arg2[%arg0, %dma_wait3A_168] : memref<2x768xf32, #tpu.memory_space<hbm>> -> memref<1x768xf32, #tpu.memory_space<hbm>>
    %dma_wait3A_170 = tpu.memref_squeeze %dma_wait3A_169 : memref<1x768xf32, #tpu.memory_space<hbm>> -> memref<768xf32, #tpu.memory_space<hbm>>
    tpu.wait_dma2 semaphore(%arg27 : memref<!tpu.dma_semaphore, #tpu.memory_space<semaphore_mem>>) src(%dma_wait3A_170 : memref<768xf32, #tpu.memory_space<hbm>>) dst(%arg12 : memref<768xf32, #tpu.memory_space<vmem>>)
    tpu.wait_dma2 semaphore(%arg27 : memref<!tpu.dma_semaphore, #tpu.memory_space<semaphore_mem>>) src(%arg4 : memref<16xf32, #tpu.memory_space<hbm>>) dst(%arg25 : memref<16xf32, #tpu.memory_space<vmem>>)
    %scan3A_171 = arith.constant 0 : i32
    %scan3A_172 = arith.constant 0 : i32
    %scan3A_173 = arith.constant 8 : i32
    %scan3A_174 = arith.addi %scan3A_172, %scan3A_173 : i32
    %scan3A_175 = arith.constant 1 : i32
    %scan3A_176 = scf.for %scan3A_398 = %scan3A_172 to %scan3A_174 step %scan3A_175 iter_args(%scan3A_399 = %scan3A_171) -> (i32)  : i32 {
      %mul3A_400 = arith.constant 16 : i32
      %mul3A_401 = arith.muli %scan3A_398, %mul3A_400 : i32
      %get3A_402 = arith.constant 0 : i32
      %get3A_403 = arith.index_cast %get3A_402 : i32 to index
      %get3A_404 = arith.index_cast %mul3A_401 : i32 to index
      %get3A_405 = tpu.vector_load %arg10[%get3A_403, %get3A_404] {strides = array<i32>} : memref<3x128xi32, #tpu.memory_space<vmem>>, vector<16xi32>,
      %add3A_406 = arith.constant 256 : i32
      %add3A_407 = vector.broadcast %add3A_406 : i32 to vector<16xi32>
      %add3A_408 = arith.addi %get3A_405, %add3A_407 : vector<16xi32>
      %mul3A_409 = arith.constant 16 : i32
      %mul3A_410 = arith.muli %scan3A_398, %mul3A_409 : i32
      %swap3A_411 = arith.constant 0 : i32
      %swap3A_412 = arith.index_cast %swap3A_411 : i32 to index
      %swap3A_413 = arith.index_cast %mul3A_410 : i32 to index
      %swap3A_414 = tpu.vector_load %arg10[%swap3A_412, %swap3A_413] {strides = array<i32>} : memref<3x128xi32, #tpu.memory_space<vmem>>, vector<16xi32>,
      tpu.vector_store %arg10[%swap3A_412, %swap3A_413], %add3A_408 {strides = array<i32>} : memref<3x128xi32, #tpu.memory_space<vmem>>, vector<16xi32>,
      %scan3A_415 = arith.constant 0 : i32
      scf.yield %scan3A_415 : i32
    }
    %scan3A_177 = arith.constant 8 : i32
    %scan3A_178 = arith.constant 0 : i32
    %scan3A_179 = arith.constant 0 : i32
    %scan3A_180 = arith.constant 8 : i32
    %scan3A_181 = arith.addi %scan3A_179, %scan3A_180 : i32
    %scan3A_182 = arith.constant 1 : i32
    %scan3A_183 = scf.for %scan3A_398 = %scan3A_179 to %scan3A_181 step %scan3A_182 iter_args(%scan3A_399 = %scan3A_178) -> (i32)  : i32 {
      %mul3A_400 = arith.constant 16 : i32
      %mul3A_401 = arith.muli %scan3A_398, %mul3A_400 : i32
      %get3A_402 = arith.constant 1 : i32
      %get3A_403 = arith.index_cast %get3A_402 : i32 to index
      %get3A_404 = arith.index_cast %mul3A_401 : i32 to index
      %get3A_405 = tpu.vector_load %arg10[%get3A_403, %get3A_404] {strides = array<i32>} : memref<3x128xi32, #tpu.memory_space<vmem>>, vector<16xi32>,
      %add3A_406 = arith.constant 256 : i32
      %add3A_407 = vector.broadcast %add3A_406 : i32 to vector<16xi32>
      %add3A_408 = arith.addi %get3A_405, %add3A_407 : vector<16xi32>
      %mul3A_409 = arith.constant 16 : i32
      %mul3A_410 = arith.muli %scan3A_398, %mul3A_409 : i32
      %swap3A_411 = arith.constant 1 : i32
      %swap3A_412 = arith.index_cast %swap3A_411 : i32 to index
      %swap3A_413 = arith.index_cast %mul3A_410 : i32 to index
      %swap3A_414 = tpu.vector_load %arg10[%swap3A_412, %swap3A_413] {strides = array<i32>} : memref<3x128xi32, #tpu.memory_space<vmem>>, vector<16xi32>,
      tpu.vector_store %arg10[%swap3A_412, %swap3A_413], %add3A_408 {strides = array<i32>} : memref<3x128xi32, #tpu.memory_space<vmem>>, vector<16xi32>,
      %scan3A_415 = arith.constant 0 : i32
      scf.yield %scan3A_415 : i32
    }
    %scan3A_184 = arith.constant 8 : i32
    %scan3A_185 = arith.constant 0 : i32
    %scan3A_186 = arith.constant 0 : i32
    %scan3A_187 = arith.constant 8 : i32
    %scan3A_188 = arith.addi %scan3A_186, %scan3A_187 : i32
    %scan3A_189 = arith.constant 1 : i32
    %scan3A_190 = scf.for %scan3A_398 = %scan3A_186 to %scan3A_188 step %scan3A_189 iter_args(%scan3A_399 = %scan3A_185) -> (i32)  : i32 {
      %mul3A_400 = arith.constant 16 : i32
      %mul3A_401 = arith.muli %scan3A_398, %mul3A_400 : i32
      %get3A_402 = arith.constant 2 : i32
      %get3A_403 = arith.index_cast %get3A_402 : i32 to index
      %get3A_404 = arith.index_cast %mul3A_401 : i32 to index
      %get3A_405 = tpu.vector_load %arg10[%get3A_403, %get3A_404] {strides = array<i32>} : memref<3x128xi32, #tpu.memory_space<vmem>>, vector<16xi32>,
      %add3A_406 = arith.constant 256 : i32
      %add3A_407 = vector.broadcast %add3A_406 : i32 to vector<16xi32>
      %add3A_408 = arith.addi %get3A_405, %add3A_407 : vector<16xi32>
      %mul3A_409 = arith.constant 16 : i32
      %mul3A_410 = arith.muli %scan3A_398, %mul3A_409 : i32
      %swap3A_411 = arith.constant 2 : i32
      %swap3A_412 = arith.index_cast %swap3A_411 : i32 to index
      %swap3A_413 = arith.index_cast %mul3A_410 : i32 to index
      %swap3A_414 = tpu.vector_load %arg10[%swap3A_412, %swap3A_413] {strides = array<i32>} : memref<3x128xi32, #tpu.memory_space<vmem>>, vector<16xi32>,
      tpu.vector_store %arg10[%swap3A_412, %swap3A_413], %add3A_408 {strides = array<i32>} : memref<3x128xi32, #tpu.memory_space<vmem>>, vector<16xi32>,
      %scan3A_415 = arith.constant 0 : i32
      scf.yield %scan3A_415 : i32
    }
    %scan3A_191 = arith.constant 8 : i32
    %scan3A_192 = arith.constant 0 : i32
    %scan3A_193 = arith.constant 0 : i32
    %scan3A_194 = arith.constant 8 : i32
    %scan3A_195 = arith.addi %scan3A_193, %scan3A_194 : i32
    %scan3A_196 = arith.constant 1 : i32
    %scan3A_197 = scf.for %scan3A_398 = %scan3A_193 to %scan3A_195 step %scan3A_196 iter_args(%scan3A_399 = %scan3A_192) -> (i32)  : i32 {
      %iota3A = tpu.iota {dimensions = array<i32: 0>} : vector<16xi32>
      %mul3A_400 = arith.constant 16 : i32
      %mul3A_401 = arith.muli %scan3A_398, %mul3A_400 : i32
      %add3A_402 = vector.broadcast %mul3A_401 : i32 to vector<16xi32>
      %add3A_403 = arith.addi %iota3A, %add3A_402 : vector<16xi32>
      %mul3A_404 = arith.constant 3 : i32
      %mul3A_405 = vector.broadcast %mul3A_404 : i32 to vector<16xi32>
      %mul3A_406 = arith.muli %add3A_403, %mul3A_405 : vector<16xi32>
      %add3A_407 = arith.constant 0 : i32
      %add3A_408 = vector.broadcast %add3A_407 : i32 to vector<16xi32>
      %add3A_409 = arith.addi %mul3A_406, %add3A_408 : vector<16xi32>
      %gather3A = tpu.vector_load_idx %arg11[%add3A_409] : memref<384xi32, #tpu.memory_space<vmem>>[vector<16xi32>], vector<16xi32>,
      %add3A_410 = arith.constant 1 : i32
      %add3A_411 = vector.broadcast %add3A_410 : i32 to vector<16xi32>
      %add3A_412 = arith.addi %add3A_409, %add3A_411 : vector<16xi32>
      %gather3A_413 = tpu.vector_load_idx %arg11[%add3A_412] : memref<384xi32, #tpu.memory_space<vmem>>[vector<16xi32>], vector<16xi32>,
      %min3A = arith.minsi %gather3A, %gather3A_413 : vector<16xi32>
      %max3A = arith.maxsi %gather3A, %gather3A_413 : vector<16xi32>
      %mul3A_414 = arith.constant 16 : i32
      %mul3A_415 = arith.muli %scan3A_398, %mul3A_414 : i32
      %add3A_416 = arith.constant 0 : i32
      %add3A_417 = arith.addi %add3A_416, %mul3A_415 : i32
      %swap3A_418 = arith.index_cast %add3A_417 : i32 to index
      %swap3A_419 = tpu.vector_load %arg14[%swap3A_418] {strides = array<i32>} : memref<256xi32, #tpu.memory_space<vmem>>, vector<16xi32>,
      tpu.vector_store %arg14[%swap3A_418], %min3A {strides = array<i32>} : memref<256xi32, #tpu.memory_space<vmem>>, vector<16xi32>,
      %mul3A_420 = arith.constant 16 : i32
      %mul3A_421 = arith.muli %scan3A_398, %mul3A_420 : i32
      %add3A_422 = arith.constant 0 : i32
      %add3A_423 = arith.addi %add3A_422, %mul3A_421 : i32
      %swap3A_424 = arith.index_cast %add3A_423 : i32 to index
      %swap3A_425 = tpu.vector_load %arg15[%swap3A_424] {strides = array<i32>} : memref<256xi32, #tpu.memory_space<vmem>>, vector<16xi32>,
      tpu.vector_store %arg15[%swap3A_424], %max3A {strides = array<i32>} : memref<256xi32, #tpu.memory_space<vmem>>, vector<16xi32>,
      %mul3A_426 = arith.constant 256 : i32
      %mul3A_427 = vector.broadcast %mul3A_426 : i32 to vector<16xi32>
      %mul3A_428 = arith.muli %min3A, %mul3A_427 : vector<16xi32>
      %add3A_429 = arith.addi %mul3A_428, %max3A : vector<16xi32>
      %mul3A_430 = arith.constant 16 : i32
      %mul3A_431 = arith.muli %scan3A_398, %mul3A_430 : i32
      %swap3A_432 = arith.constant 0 : i32
      %swap3A_433 = arith.index_cast %swap3A_432 : i32 to index
      %swap3A_434 = arith.index_cast %mul3A_431 : i32 to index
      %swap3A_435 = tpu.vector_load %arg13[%swap3A_433, %swap3A_434] {strides = array<i32>} : memref<2x128xi32, #tpu.memory_space<vmem>>, vector<16xi32>,
      tpu.vector_store %arg13[%swap3A_433, %swap3A_434], %add3A_429 {strides = array<i32>} : memref<2x128xi32, #tpu.memory_space<vmem>>, vector<16xi32>,
      %scan3A_436 = arith.constant 0 : i32
      scf.yield %scan3A_436 : i32
    }
    %scan3A_198 = arith.constant 8 : i32
    %scan3A_199 = arith.constant 0 : i32
    %scan3A_200 = arith.constant 0 : i32
    %scan3A_201 = arith.constant 8 : i32
    %scan3A_202 = arith.addi %scan3A_200, %scan3A_201 : i32
    %scan3A_203 = arith.constant 1 : i32
    %scan3A_204 = scf.for %scan3A_398 = %scan3A_200 to %scan3A_202 step %scan3A_203 iter_args(%scan3A_399 = %scan3A_199) -> (i32)  : i32 {
      %iota3A = tpu.iota {dimensions = array<i32: 0>} : vector<16xi32>
      %mul3A_400 = arith.constant 16 : i32
      %mul3A_401 = arith.muli %scan3A_398, %mul3A_400 : i32
      %add3A_402 = vector.broadcast %mul3A_401 : i32 to vector<16xi32>
      %add3A_403 = arith.addi %iota3A, %add3A_402 : vector<16xi32>
      %mul3A_404 = arith.constant 3 : i32
      %mul3A_405 = vector.broadcast %mul3A_404 : i32 to vector<16xi32>
      %mul3A_406 = arith.muli %add3A_403, %mul3A_405 : vector<16xi32>
      %add3A_407 = arith.constant 1 : i32
      %add3A_408 = vector.broadcast %add3A_407 : i32 to vector<16xi32>
      %add3A_409 = arith.addi %mul3A_406, %add3A_408 : vector<16xi32>
      %gather3A = tpu.vector_load_idx %arg11[%add3A_409] : memref<384xi32, #tpu.memory_space<vmem>>[vector<16xi32>], vector<16xi32>,
      %add3A_410 = arith.constant 1 : i32
      %add3A_411 = vector.broadcast %add3A_410 : i32 to vector<16xi32>
      %add3A_412 = arith.addi %add3A_409, %add3A_411 : vector<16xi32>
      %gather3A_413 = tpu.vector_load_idx %arg11[%add3A_412] : memref<384xi32, #tpu.memory_space<vmem>>[vector<16xi32>], vector<16xi32>,
      %min3A = arith.minsi %gather3A, %gather3A_413 : vector<16xi32>
      %max3A = arith.maxsi %gather3A, %gather3A_413 : vector<16xi32>
      %mul3A_414 = arith.constant 16 : i32
      %mul3A_415 = arith.muli %scan3A_398, %mul3A_414 : i32
      %add3A_416 = arith.constant 128 : i32
      %add3A_417 = arith.addi %add3A_416, %mul3A_415 : i32
      %swap3A_418 = arith.index_cast %add3A_417 : i32 to index
      %swap3A_419 = tpu.vector_load %arg14[%swap3A_418] {strides = array<i32>} : memref<256xi32, #tpu.memory_space<vmem>>, vector<16xi32>,
      tpu.vector_store %arg14[%swap3A_418], %min3A {strides = array<i32>} : memref<256xi32, #tpu.memory_space<vmem>>, vector<16xi32>,
      %mul3A_420 = arith.constant 16 : i32
      %mul3A_421 = arith.muli %scan3A_398, %mul3A_420 : i32
      %add3A_422 = arith.constant 128 : i32
      %add3A_423 = arith.addi %add3A_422, %mul3A_421 : i32
      %swap3A_424 = arith.index_cast %add3A_423 : i32 to index
      %swap3A_425 = tpu.vector_load %arg15[%swap3A_424] {strides = array<i32>} : memref<256xi32, #tpu.memory_space<vmem>>, vector<16xi32>,
      tpu.vector_store %arg15[%swap3A_424], %max3A {strides = array<i32>} : memref<256xi32, #tpu.memory_space<vmem>>, vector<16xi32>,
      %mul3A_426 = arith.constant 256 : i32
      %mul3A_427 = vector.broadcast %mul3A_426 : i32 to vector<16xi32>
      %mul3A_428 = arith.muli %min3A, %mul3A_427 : vector<16xi32>
      %add3A_429 = arith.addi %mul3A_428, %max3A : vector<16xi32>
      %mul3A_430 = arith.constant 16 : i32
      %mul3A_431 = arith.muli %scan3A_398, %mul3A_430 : i32
      %swap3A_432 = arith.constant 1 : i32
      %swap3A_433 = arith.index_cast %swap3A_432 : i32 to index
      %swap3A_434 = arith.index_cast %mul3A_431 : i32 to index
      %swap3A_435 = tpu.vector_load %arg13[%swap3A_433, %swap3A_434] {strides = array<i32>} : memref<2x128xi32, #tpu.memory_space<vmem>>, vector<16xi32>,
      tpu.vector_store %arg13[%swap3A_433, %swap3A_434], %add3A_429 {strides = array<i32>} : memref<2x128xi32, #tpu.memory_space<vmem>>, vector<16xi32>,
      %scan3A_436 = arith.constant 0 : i32
      scf.yield %scan3A_436 : i32
    }
    %scan3A_205 = arith.constant 8 : i32
    %dma_start3A_206 = arith.constant 0 : i32
    %dma_start3A_207 = arith.constant 0 : i32
    %dma_start3A_208 = tpu.memref_slice %arg13[%dma_start3A_206, %dma_start3A_207] : memref<2x128xi32, #tpu.memory_space<vmem>> -> memref<1x128xi32, #tpu.memory_space<vmem>>
    %dma_start3A_209 = tpu.memref_squeeze %dma_start3A_208 : memref<1x128xi32, #tpu.memory_space<vmem>> -> memref<128xi32, #tpu.memory_space<vmem>>
    %dma_start3A_210 = arith.constant 0 : i32
    %dma_start3A_211 = tpu.memref_slice %arg6[%dma_start3A_210] : memref<65536xf32, #tpu.memory_space<vmem_shared>> -> memref<65536xf32, #tpu.memory_space<vmem_shared>>
    tpu.enqueue_indirect_dma source(%arg21 : memref<128xf32, #tpu.memory_space<vmem>>) target(%dma_start3A_211 : memref<65536xf32, #tpu.memory_space<vmem_shared>>) offsets(%dma_start3A_209 : memref<128xi32, #tpu.memory_space<vmem>>) semaphore(%arg28 : memref<!tpu.dma_semaphore, #tpu.memory_space<semaphore_mem>>)
    %dma_start3A_212 = arith.constant 1 : i32
    %dma_start3A_213 = arith.constant 0 : i32
    %dma_start3A_214 = tpu.memref_slice %arg13[%dma_start3A_212, %dma_start3A_213] : memref<2x128xi32, #tpu.memory_space<vmem>> -> memref<1x128xi32, #tpu.memory_space<vmem>>
    %dma_start3A_215 = tpu.memref_squeeze %dma_start3A_214 : memref<1x128xi32, #tpu.memory_space<vmem>> -> memref<128xi32, #tpu.memory_space<vmem>>
    %dma_start3A_216 = arith.constant 0 : i32
    %dma_start3A_217 = tpu.memref_slice %arg6[%dma_start3A_216] : memref<65536xf32, #tpu.memory_space<vmem_shared>> -> memref<65536xf32, #tpu.memory_space<vmem_shared>>
    tpu.enqueue_indirect_dma source(%arg21 : memref<128xf32, #tpu.memory_space<vmem>>) target(%dma_start3A_217 : memref<65536xf32, #tpu.memory_space<vmem_shared>>) offsets(%dma_start3A_215 : memref<128xi32, #tpu.memory_space<vmem>>) semaphore(%arg28 : memref<!tpu.dma_semaphore, #tpu.memory_space<semaphore_mem>>)
    %eq3A_218 = arith.constant 0 : i32
    %eq3A_219 = arith.cmpi eq, %arg1, %eq3A_218 : i32
    %convert_element_type3A_220 = arith.extui %eq3A_219 : i1 to i32
    %cond3A_221 = arith.constant 0 : i32
    %cond3A_222 = arith.cmpi ne, %convert_element_type3A_220, %cond3A_221 : i32
    scf.if %cond3A_222 {
      %dma_wait3A_398 = arith.constant 0 : i32
      %dma_wait3A_399 = tpu.memref_slice %arg19[%dma_wait3A_398] : memref<6160xi32, #tpu.memory_space<vmem>> -> memref<6144xi32, #tpu.memory_space<vmem>>
      %dma_wait3A_400 = arith.constant 0 : i32
      %dma_wait3A_401 = tpu.memref_slice %arg3[%dma_wait3A_400] : memref<12288xi32, #tpu.memory_space<hbm>> -> memref<6144xi32, #tpu.memory_space<hbm>>
      %dma_wait3A_402 = arith.constant 0 : i32
      %dma_wait3A_403 = tpu.memref_slice %arg19[%dma_wait3A_402] : memref<6160xi32, #tpu.memory_space<vmem>> -> memref<6144xi32, #tpu.memory_space<vmem>>
      %dma_wait3A_404 = arith.constant 0 : i32
      %dma_wait3A_405 = tpu.memref_slice %arg3[%dma_wait3A_404] : memref<12288xi32, #tpu.memory_space<hbm>> -> memref<6144xi32, #tpu.memory_space<hbm>>
      tpu.wait_dma2 semaphore(%arg29 : memref<!tpu.dma_semaphore, #tpu.memory_space<semaphore_mem>>) src(%dma_wait3A_405 : memref<6144xi32, #tpu.memory_space<hbm>>) dst(%dma_wait3A_403 : memref<6144xi32, #tpu.memory_space<vmem>>)
      %dma_wait3A_406 = arith.constant 0 : i32
      %dma_wait3A_407 = tpu.memref_slice %arg20[%dma_wait3A_406] : memref<6160xi32, #tpu.memory_space<vmem>> -> memref<6144xi32, #tpu.memory_space<vmem>>
      %dma_wait3A_408 = arith.constant 6144 : i32
      %dma_wait3A_409 = tpu.memref_slice %arg3[%dma_wait3A_408] : memref<12288xi32, #tpu.memory_space<hbm>> -> memref<6144xi32, #tpu.memory_space<hbm>>
      %dma_wait3A_410 = arith.constant 0 : i32
      %dma_wait3A_411 = tpu.memref_slice %arg20[%dma_wait3A_410] : memref<6160xi32, #tpu.memory_space<vmem>> -> memref<6144xi32, #tpu.memory_space<vmem>>
      %dma_wait3A_412 = arith.constant 6144 : i32
      %dma_wait3A_413 = tpu.memref_slice %arg3[%dma_wait3A_412] : memref<12288xi32, #tpu.memory_space<hbm>> -> memref<6144xi32, #tpu.memory_space<hbm>>
      tpu.wait_dma2 semaphore(%arg29 : memref<!tpu.dma_semaphore, #tpu.memory_space<semaphore_mem>>) src(%dma_wait3A_413 : memref<6144xi32, #tpu.memory_space<hbm>>) dst(%dma_wait3A_411 : memref<6144xi32, #tpu.memory_space<vmem>>)
      %broadcast_in_dim3A_414 = arith.constant 0 : i32
      %broadcast_in_dim3A_415 = vector.broadcast %broadcast_in_dim3A_414 : i32 to vector<16xi32>
      %iota3A = tpu.iota {dimensions = array<i32: 0>} : vector<16xi32>
      %get3A_416 = arith.constant 0 : index
      %get3A_417 = tpu.vector_load %arg19[%get3A_416] {strides = array<i32>} : memref<6160xi32, #tpu.memory_space<vmem>>, vector<16xi32>,
      %slice3A_418 = vector.extract_strided_slice %get3A_417 {offsets = [0], sizes = [1], strides = [1]} : vector<16xi32> to vector<1xi32>
      %squeeze3A_419 = vector.extract %slice3A_418[0] : i32 from vector<1xi32>
      %broadcast_in_dim3A_420 = vector.broadcast %squeeze3A_419 : i32 to vector<16xi32>
      %while3A = arith.constant 0 : i32
      %while3A_421 = arith.constant -1 : i32
      %while3A_422:2 = scf.while (%while3A_489 = %while3A, %while3A_490 = %while3A_421) : (i32, i32) -> (i32, i32) {
        %lt3A = arith.constant 384 : i32
        %lt3A_491 = arith.cmpi slt, %while3A_489, %lt3A : i32
        %lt3A_492 = arith.constant 0 : i32
        %lt3A_493 = arith.cmpi slt, %while3A_490, %lt3A_492 : i32
        %and3A = arith.andi %lt3A_491, %lt3A_493 : i1
        scf.condition(%and3A) %while3A_489, %while3A_490 : i32, i32
      } do {
      ^bb0(%while3A_489: i32, %while3A_490: i32):
        %mul3A_491 = arith.constant 16 : i32
        %mul3A_492 = arith.muli %while3A_489, %mul3A_491 : i32
        %get3A_493 = arith.index_cast %mul3A_492 : i32 to index
        %get3A_494 = tpu.vector_load %arg19[%get3A_493] {strides = array<i32>} : memref<6160xi32, #tpu.memory_space<vmem>>, vector<16xi32>,
        %ne3A = arith.cmpi ne, %get3A_494, %broadcast_in_dim3A_420 : vector<16xi32>
        %ne3A_495 = arith.cmpi ne, %get3A_494, %broadcast_in_dim3A_420 : vector<16xi32>
        %and3A = arith.andi %ne3A, %ne3A_495 : vector<16xi1>
        %iota3A_496 = tpu.iota {dimensions = array<i32: 0>} : vector<16xi32>
        %broadcast_in_dim3A_497 = arith.constant 16 : i32
        %broadcast_in_dim3A_498 = vector.broadcast %broadcast_in_dim3A_497 : i32 to vector<16xi32>
        %select_n3A_499 = arith.select %and3A, %iota3A_496, %broadcast_in_dim3A_498 : vector<16xi1>, vector<16xi32>
        %reduce_min3A = arith.constant true
        %reduce_min3A_500 = vector.broadcast %reduce_min3A : i1 to vector<16xi1>
        %reduce_min3A_501 = arith.constant -2147483648 : i32
        %reduce_min3A_502 = vector.broadcast %reduce_min3A_501 : i32 to vector<16xi32>
        %reduce_min3A_503 = arith.xori %select_n3A_499, %reduce_min3A_502 : vector<16xi32>
        %reduce_min3A_504 = tpu.scan <min>, %reduce_min3A_503 masked %reduce_min3A_500 : vector<16xi32>, vector<16xi1> -> vector<16xi32>
        %reduce_min3A_505 = arith.xori %reduce_min3A_504, %reduce_min3A_502 : vector<16xi32>
        %reduce_min3A_506 = vector.extract %reduce_min3A_505[15] : i32 from vector<16xi32>
        %lt3A = arith.constant 16 : i32
        %lt3A_507 = arith.cmpi slt, %reduce_min3A_506, %lt3A : i32
        %mul3A_508 = arith.constant 16 : i32
        %mul3A_509 = arith.muli %while3A_489, %mul3A_508 : i32
        %add3A_510 = arith.addi %mul3A_509, %reduce_min3A_506 : i32
        %jit3A = arith.constant -1 : i32
        %select_n3A_511 = arith.select %lt3A_507, %add3A_510, %jit3A : i32
        %add3A_512 = arith.constant 1 : i32
        %add3A_513 = arith.addi %while3A_489, %add3A_512 : i32
        scf.yield %add3A_513, %select_n3A_511 : i32, i32
      }
      %max3A = arith.constant 0 : i32
      %max3A_423 = arith.maxsi %while3A_422#1, %max3A : i32
      %get3A_424 = arith.index_cast %max3A_423 : i32 to index
      %get3A_425 = tpu.vector_load %arg19[%get3A_424] {strides = array<i32>} : memref<6160xi32, #tpu.memory_space<vmem>>, vector<16xi32>,
      %slice3A_426 = vector.extract_strided_slice %get3A_425 {offsets = [0], sizes = [1], strides = [1]} : vector<16xi32> to vector<1xi32>
      %squeeze3A_427 = vector.extract %slice3A_426[0] : i32 from vector<1xi32>
      %broadcast_in_dim3A_428 = vector.broadcast %squeeze3A_427 : i32 to vector<16xi32>
      %while3A_429 = arith.constant 0 : i32
      %while3A_430 = arith.constant -1 : i32
      %while3A_431:2 = scf.while (%while3A_489 = %while3A_429, %while3A_490 = %while3A_430) : (i32, i32) -> (i32, i32) {
        %lt3A = arith.constant 384 : i32
        %lt3A_491 = arith.cmpi slt, %while3A_489, %lt3A : i32
        %lt3A_492 = arith.constant 0 : i32
        %lt3A_493 = arith.cmpi slt, %while3A_490, %lt3A_492 : i32
        %and3A = arith.andi %lt3A_491, %lt3A_493 : i1
        scf.condition(%and3A) %while3A_489, %while3A_490 : i32, i32
      } do {
      ^bb0(%while3A_489: i32, %while3A_490: i32):
        %mul3A_491 = arith.constant 16 : i32
        %mul3A_492 = arith.muli %while3A_489, %mul3A_491 : i32
        %get3A_493 = arith.index_cast %mul3A_492 : i32 to index
        %get3A_494 = tpu.vector_load %arg19[%get3A_493] {strides = array<i32>} : memref<6160xi32, #tpu.memory_space<vmem>>, vector<16xi32>,
        %ne3A = arith.cmpi ne, %get3A_494, %broadcast_in_dim3A_420 : vector<16xi32>
        %ne3A_495 = arith.cmpi ne, %get3A_494, %broadcast_in_dim3A_428 : vector<16xi32>
        %and3A = arith.andi %ne3A, %ne3A_495 : vector<16xi1>
        %iota3A_496 = tpu.iota {dimensions = array<i32: 0>} : vector<16xi32>
        %broadcast_in_dim3A_497 = arith.constant 16 : i32
        %broadcast_in_dim3A_498 = vector.broadcast %broadcast_in_dim3A_497 : i32 to vector<16xi32>
        %select_n3A_499 = arith.select %and3A, %iota3A_496, %broadcast_in_dim3A_498 : vector<16xi1>, vector<16xi32>
        %reduce_min3A = arith.constant true
        %reduce_min3A_500 = vector.broadcast %reduce_min3A : i1 to vector<16xi1>
        %reduce_min3A_501 = arith.constant -2147483648 : i32
        %reduce_min3A_502 = vector.broadcast %reduce_min3A_501 : i32 to vector<16xi32>
        %reduce_min3A_503 = arith.xori %select_n3A_499, %reduce_min3A_502 : vector<16xi32>
        %reduce_min3A_504 = tpu.scan <min>, %reduce_min3A_503 masked %reduce_min3A_500 : vector<16xi32>, vector<16xi1> -> vector<16xi32>
        %reduce_min3A_505 = arith.xori %reduce_min3A_504, %reduce_min3A_502 : vector<16xi32>
        %reduce_min3A_506 = vector.extract %reduce_min3A_505[15] : i32 from vector<16xi32>
        %lt3A = arith.constant 16 : i32
        %lt3A_507 = arith.cmpi slt, %reduce_min3A_506, %lt3A : i32
        %mul3A_508 = arith.constant 16 : i32
        %mul3A_509 = arith.muli %while3A_489, %mul3A_508 : i32
        %add3A_510 = arith.addi %mul3A_509, %reduce_min3A_506 : i32
        %jit3A = arith.constant -1 : i32
        %select_n3A_511 = arith.select %lt3A_507, %add3A_510, %jit3A : i32
        %add3A_512 = arith.constant 1 : i32
        %add3A_513 = arith.addi %while3A_489, %add3A_512 : i32
        scf.yield %add3A_513, %select_n3A_511 : i32, i32
      }
      %max3A_432 = arith.constant 0 : i32
      %max3A_433 = arith.maxsi %while3A_431#1, %max3A_432 : i32
      %get3A_434 = arith.index_cast %max3A_433 : i32 to index
      %get3A_435 = tpu.vector_load %arg19[%get3A_434] {strides = array<i32>} : memref<6160xi32, #tpu.memory_space<vmem>>, vector<16xi32>,
      %slice3A_436 = vector.extract_strided_slice %get3A_435 {offsets = [0], sizes = [1], strides = [1]} : vector<16xi32> to vector<1xi32>
      %squeeze3A_437 = vector.extract %slice3A_436[0] : i32 from vector<1xi32>
      %broadcast_in_dim3A_438 = vector.broadcast %squeeze3A_437 : i32 to vector<16xi32>
      %eq3A_439 = arith.constant 0 : i32
      %eq3A_440 = vector.broadcast %eq3A_439 : i32 to vector<16xi32>
      %eq3A_441 = arith.cmpi eq, %iota3A, %eq3A_440 : vector<16xi32>
      %select_n3A = arith.select %eq3A_441, %broadcast_in_dim3A_420, %broadcast_in_dim3A_415 : vector<16xi1>, vector<16xi32>
      %eq3A_442 = arith.constant 1 : i32
      %eq3A_443 = vector.broadcast %eq3A_442 : i32 to vector<16xi32>
      %eq3A_444 = arith.cmpi eq, %iota3A, %eq3A_443 : vector<16xi32>
      %select_n3A_445 = arith.select %eq3A_444, %broadcast_in_dim3A_428, %select_n3A : vector<16xi1>, vector<16xi32>
      %eq3A_446 = arith.constant 2 : i32
      %eq3A_447 = vector.broadcast %eq3A_446 : i32 to vector<16xi32>
      %eq3A_448 = arith.cmpi eq, %iota3A, %eq3A_447 : vector<16xi32>
      %select_n3A_449 = arith.select %eq3A_448, %broadcast_in_dim3A_438, %select_n3A_445 : vector<16xi1>, vector<16xi32>
      %get3A_450 = arith.constant 0 : index
      %get3A_451 = tpu.vector_load %arg20[%get3A_450] {strides = array<i32>} : memref<6160xi32, #tpu.memory_space<vmem>>, vector<16xi32>,
      %slice3A_452 = vector.extract_strided_slice %get3A_451 {offsets = [0], sizes = [1], strides = [1]} : vector<16xi32> to vector<1xi32>
      %squeeze3A_453 = vector.extract %slice3A_452[0] : i32 from vector<1xi32>
      %broadcast_in_dim3A_454 = vector.broadcast %squeeze3A_453 : i32 to vector<16xi32>
      %while3A_455 = arith.constant 0 : i32
      %while3A_456 = arith.constant -1 : i32
      %while3A_457:2 = scf.while (%while3A_489 = %while3A_455, %while3A_490 = %while3A_456) : (i32, i32) -> (i32, i32) {
        %lt3A = arith.constant 384 : i32
        %lt3A_491 = arith.cmpi slt, %while3A_489, %lt3A : i32
        %lt3A_492 = arith.constant 0 : i32
        %lt3A_493 = arith.cmpi slt, %while3A_490, %lt3A_492 : i32
        %and3A = arith.andi %lt3A_491, %lt3A_493 : i1
        scf.condition(%and3A) %while3A_489, %while3A_490 : i32, i32
      } do {
      ^bb0(%while3A_489: i32, %while3A_490: i32):
        %mul3A_491 = arith.constant 16 : i32
        %mul3A_492 = arith.muli %while3A_489, %mul3A_491 : i32
        %get3A_493 = arith.index_cast %mul3A_492 : i32 to index
        %get3A_494 = tpu.vector_load %arg20[%get3A_493] {strides = array<i32>} : memref<6160xi32, #tpu.memory_space<vmem>>, vector<16xi32>,
        %ne3A = arith.cmpi ne, %get3A_494, %broadcast_in_dim3A_454 : vector<16xi32>
        %ne3A_495 = arith.cmpi ne, %get3A_494, %broadcast_in_dim3A_454 : vector<16xi32>
        %and3A = arith.andi %ne3A, %ne3A_495 : vector<16xi1>
        %iota3A_496 = tpu.iota {dimensions = array<i32: 0>} : vector<16xi32>
        %broadcast_in_dim3A_497 = arith.constant 16 : i32
        %broadcast_in_dim3A_498 = vector.broadcast %broadcast_in_dim3A_497 : i32 to vector<16xi32>
        %select_n3A_499 = arith.select %and3A, %iota3A_496, %broadcast_in_dim3A_498 : vector<16xi1>, vector<16xi32>
        %reduce_min3A = arith.constant true
        %reduce_min3A_500 = vector.broadcast %reduce_min3A : i1 to vector<16xi1>
        %reduce_min3A_501 = arith.constant -2147483648 : i32
        %reduce_min3A_502 = vector.broadcast %reduce_min3A_501 : i32 to vector<16xi32>
        %reduce_min3A_503 = arith.xori %select_n3A_499, %reduce_min3A_502 : vector<16xi32>
        %reduce_min3A_504 = tpu.scan <min>, %reduce_min3A_503 masked %reduce_min3A_500 : vector<16xi32>, vector<16xi1> -> vector<16xi32>
        %reduce_min3A_505 = arith.xori %reduce_min3A_504, %reduce_min3A_502 : vector<16xi32>
        %reduce_min3A_506 = vector.extract %reduce_min3A_505[15] : i32 from vector<16xi32>
        %lt3A = arith.constant 16 : i32
        %lt3A_507 = arith.cmpi slt, %reduce_min3A_506, %lt3A : i32
        %mul3A_508 = arith.constant 16 : i32
        %mul3A_509 = arith.muli %while3A_489, %mul3A_508 : i32
        %add3A_510 = arith.addi %mul3A_509, %reduce_min3A_506 : i32
        %jit3A = arith.constant -1 : i32
        %select_n3A_511 = arith.select %lt3A_507, %add3A_510, %jit3A : i32
        %add3A_512 = arith.constant 1 : i32
        %add3A_513 = arith.addi %while3A_489, %add3A_512 : i32
        scf.yield %add3A_513, %select_n3A_511 : i32, i32
      }
      %max3A_458 = arith.constant 0 : i32
      %max3A_459 = arith.maxsi %while3A_457#1, %max3A_458 : i32
      %get3A_460 = arith.index_cast %max3A_459 : i32 to index
      %get3A_461 = tpu.vector_load %arg20[%get3A_460] {strides = array<i32>} : memref<6160xi32, #tpu.memory_space<vmem>>, vector<16xi32>,
      %slice3A_462 = vector.extract_strided_slice %get3A_461 {offsets = [0], sizes = [1], strides = [1]} : vector<16xi32> to vector<1xi32>
      %squeeze3A_463 = vector.extract %slice3A_462[0] : i32 from vector<1xi32>
      %broadcast_in_dim3A_464 = vector.broadcast %squeeze3A_463 : i32 to vector<16xi32>
      %while3A_465 = arith.constant 0 : i32
      %while3A_466 = arith.constant -1 : i32
      %while3A_467:2 = scf.while (%while3A_489 = %while3A_465, %while3A_490 = %while3A_466) : (i32, i32) -> (i32, i32) {
        %lt3A = arith.constant 384 : i32
        %lt3A_491 = arith.cmpi slt, %while3A_489, %lt3A : i32
        %lt3A_492 = arith.constant 0 : i32
        %lt3A_493 = arith.cmpi slt, %while3A_490, %lt3A_492 : i32
        %and3A = arith.andi %lt3A_491, %lt3A_493 : i1
        scf.condition(%and3A) %while3A_489, %while3A_490 : i32, i32
      } do {
      ^bb0(%while3A_489: i32, %while3A_490: i32):
        %mul3A_491 = arith.constant 16 : i32
        %mul3A_492 = arith.muli %while3A_489, %mul3A_491 : i32
        %get3A_493 = arith.index_cast %mul3A_492 : i32 to index
        %get3A_494 = tpu.vector_load %arg20[%get3A_493] {strides = array<i32>} : memref<6160xi32, #tpu.memory_space<vmem>>, vector<16xi32>,
        %ne3A = arith.cmpi ne, %get3A_494, %broadcast_in_dim3A_454 : vector<16xi32>
        %ne3A_495 = arith.cmpi ne, %get3A_494, %broadcast_in_dim3A_464 : vector<16xi32>
        %and3A = arith.andi %ne3A, %ne3A_495 : vector<16xi1>
        %iota3A_496 = tpu.iota {dimensions = array<i32: 0>} : vector<16xi32>
        %broadcast_in_dim3A_497 = arith.constant 16 : i32
        %broadcast_in_dim3A_498 = vector.broadcast %broadcast_in_dim3A_497 : i32 to vector<16xi32>
        %select_n3A_499 = arith.select %and3A, %iota3A_496, %broadcast_in_dim3A_498 : vector<16xi1>, vector<16xi32>
        %reduce_min3A = arith.constant true
        %reduce_min3A_500 = vector.broadcast %reduce_min3A : i1 to vector<16xi1>
        %reduce_min3A_501 = arith.constant -2147483648 : i32
        %reduce_min3A_502 = vector.broadcast %reduce_min3A_501 : i32 to vector<16xi32>
        %reduce_min3A_503 = arith.xori %select_n3A_499, %reduce_min3A_502 : vector<16xi32>
        %reduce_min3A_504 = tpu.scan <min>, %reduce_min3A_503 masked %reduce_min3A_500 : vector<16xi32>, vector<16xi1> -> vector<16xi32>
        %reduce_min3A_505 = arith.xori %reduce_min3A_504, %reduce_min3A_502 : vector<16xi32>
        %reduce_min3A_506 = vector.extract %reduce_min3A_505[15] : i32 from vector<16xi32>
        %lt3A = arith.constant 16 : i32
        %lt3A_507 = arith.cmpi slt, %reduce_min3A_506, %lt3A : i32
        %mul3A_508 = arith.constant 16 : i32
        %mul3A_509 = arith.muli %while3A_489, %mul3A_508 : i32
        %add3A_510 = arith.addi %mul3A_509, %reduce_min3A_506 : i32
        %jit3A = arith.constant -1 : i32
        %select_n3A_511 = arith.select %lt3A_507, %add3A_510, %jit3A : i32
        %add3A_512 = arith.constant 1 : i32
        %add3A_513 = arith.addi %while3A_489, %add3A_512 : i32
        scf.yield %add3A_513, %select_n3A_511 : i32, i32
      }
      %max3A_468 = arith.constant 0 : i32
      %max3A_469 = arith.maxsi %while3A_467#1, %max3A_468 : i32
      %get3A_470 = arith.index_cast %max3A_469 : i32 to index
      %get3A_471 = tpu.vector_load %arg20[%get3A_470] {strides = array<i32>} : memref<6160xi32, #tpu.memory_space<vmem>>, vector<16xi32>,
      %slice3A_472 = vector.extract_strided_slice %get3A_471 {offsets = [0], sizes = [1], strides = [1]} : vector<16xi32> to vector<1xi32>
      %squeeze3A_473 = vector.extract %slice3A_472[0] : i32 from vector<1xi32>
      %broadcast_in_dim3A_474 = vector.broadcast %squeeze3A_473 : i32 to vector<16xi32>
      %eq3A_475 = arith.constant 3 : i32
      %eq3A_476 = vector.broadcast %eq3A_475 : i32 to vector<16xi32>
      %eq3A_477 = arith.cmpi eq, %iota3A, %eq3A_476 : vector<16xi32>
      %select_n3A_478 = arith.select %eq3A_477, %broadcast_in_dim3A_454, %select_n3A_449 : vector<16xi1>, vector<16xi32>
      %eq3A_479 = arith.constant 4 : i32
      %eq3A_480 = vector.broadcast %eq3A_479 : i32 to vector<16xi32>
      %eq3A_481 = arith.cmpi eq, %iota3A, %eq3A_480 : vector<16xi32>
      %select_n3A_482 = arith.select %eq3A_481, %broadcast_in_dim3A_464, %select_n3A_478 : vector<16xi1>, vector<16xi32>
      %eq3A_483 = arith.constant 5 : i32
      %eq3A_484 = vector.broadcast %eq3A_483 : i32 to vector<16xi32>
      %eq3A_485 = arith.cmpi eq, %iota3A, %eq3A_484 : vector<16xi32>
      %select_n3A_486 = arith.select %eq3A_485, %broadcast_in_dim3A_474, %select_n3A_482 : vector<16xi1>, vector<16xi32>
      %swap3A_487 = arith.constant 0 : index
      %swap3A_488 = tpu.vector_load %arg18[%swap3A_487] {strides = array<i32>} : memref<16xi32, #tpu.memory_space<vmem>>, vector<16xi32>,
      tpu.vector_store %arg18[%swap3A_487], %select_n3A_486 {strides = array<i32>} : memref<16xi32, #tpu.memory_space<vmem>>, vector<16xi32>,
      "tpu.region"() ({
        %run_scoped3A = tpu.sem_alloc : memref<!tpu.dma_semaphore, #tpu.memory_space<semaphore_mem>>
        tpu.enqueue_dma source(%arg18 : memref<16xi32, #tpu.memory_space<vmem>>) target(%arg8 : memref<16xi32, #tpu.memory_space<vmem_shared>>) target_semaphore(%run_scoped3A : memref<!tpu.dma_semaphore, #tpu.memory_space<semaphore_mem>>)
        tpu.wait_dma2 semaphore(%run_scoped3A : memref<!tpu.dma_semaphore, #tpu.memory_space<semaphore_mem>>) src(%arg18 : memref<16xi32, #tpu.memory_space<vmem>>) dst(%arg8 : memref<16xi32, #tpu.memory_space<vmem_shared>>)
        tpu.yield
      }) : () -> ()
    } else {
    }
    %dma_wait3A_223 = tpu.memref_slice %arg7[%mul3A_107] : memref<512xi32, #tpu.memory_space<vmem_shared>> -> memref<32xi32, #tpu.memory_space<vmem_shared>>
    %dma_wait3A_224 = tpu.memref_slice %arg7[%mul3A_107] : memref<512xi32, #tpu.memory_space<vmem_shared>> -> memref<32xi32, #tpu.memory_space<vmem_shared>>
    tpu.wait_dma2 semaphore(%arg28 : memref<!tpu.dma_semaphore, #tpu.memory_space<semaphore_mem>>) src(%arg24 : memref<32xi32, #tpu.memory_space<vmem>>) dst(%dma_wait3A_224 : memref<32xi32, #tpu.memory_space<vmem_shared>>)
    %dma_wait3A_225 = arith.constant 0 : i32
    %dma_wait3A_226 = arith.constant 0 : i32
    %dma_wait3A_227 = tpu.memref_slice %arg13[%dma_wait3A_225, %dma_wait3A_226] : memref<2x128xi32, #tpu.memory_space<vmem>> -> memref<1x128xi32, #tpu.memory_space<vmem>>
    %dma_wait3A_228 = tpu.memref_squeeze %dma_wait3A_227 : memref<1x128xi32, #tpu.memory_space<vmem>> -> memref<128xi32, #tpu.memory_space<vmem>>
    %dma_wait3A_229 = arith.constant 0 : i32
    %dma_wait3A_230 = tpu.memref_slice %arg6[%dma_wait3A_229] : memref<65536xf32, #tpu.memory_space<vmem_shared>> -> memref<65536xf32, #tpu.memory_space<vmem_shared>>
    tpu.wait_indirect_dma semaphore(%arg28 : memref<!tpu.dma_semaphore, #tpu.memory_space<semaphore_mem>>) src(%arg21 : memref<128xf32, #tpu.memory_space<vmem>>) dst(%dma_wait3A_230 : memref<65536xf32, #tpu.memory_space<vmem_shared>>)
    %dma_wait3A_231 = arith.constant 1 : i32
    %dma_wait3A_232 = arith.constant 0 : i32
    %dma_wait3A_233 = tpu.memref_slice %arg13[%dma_wait3A_231, %dma_wait3A_232] : memref<2x128xi32, #tpu.memory_space<vmem>> -> memref<1x128xi32, #tpu.memory_space<vmem>>
    %dma_wait3A_234 = tpu.memref_squeeze %dma_wait3A_233 : memref<1x128xi32, #tpu.memory_space<vmem>> -> memref<128xi32, #tpu.memory_space<vmem>>
    %dma_wait3A_235 = arith.constant 0 : i32
    %dma_wait3A_236 = tpu.memref_slice %arg6[%dma_wait3A_235] : memref<65536xf32, #tpu.memory_space<vmem_shared>> -> memref<65536xf32, #tpu.memory_space<vmem_shared>>
    tpu.wait_indirect_dma semaphore(%arg28 : memref<!tpu.dma_semaphore, #tpu.memory_space<semaphore_mem>>) src(%arg21 : memref<128xf32, #tpu.memory_space<vmem>>) dst(%dma_wait3A_236 : memref<65536xf32, #tpu.memory_space<vmem_shared>>)
    %barrier3A = arith.constant 0 : index
    tpu.barrier barrier_id(%barrier3A)
    %dma_start3A_237 = arith.constant 0 : i32
    %dma_start3A_238 = arith.constant 0 : i32
    %dma_start3A_239 = tpu.memref_slice %arg9[%dma_start3A_237, %dma_start3A_238] : memref<3x128xi32, #tpu.memory_space<vmem>> -> memref<1x128xi32, #tpu.memory_space<vmem>>
    %dma_start3A_240 = tpu.memref_squeeze %dma_start3A_239 : memref<1x128xi32, #tpu.memory_space<vmem>> -> memref<128xi32, #tpu.memory_space<vmem>>
    %dma_start3A_241 = arith.constant 0 : i32
    %dma_start3A_242 = tpu.memref_slice %arg7[%dma_start3A_241] : memref<512xi32, #tpu.memory_space<vmem_shared>> -> memref<512xi32, #tpu.memory_space<vmem_shared>>
    tpu.enqueue_indirect_dma source(%arg23 : memref<128xi32, #tpu.memory_space<vmem>>) target(%dma_start3A_242 : memref<512xi32, #tpu.memory_space<vmem_shared>>) offsets(%dma_start3A_240 : memref<128xi32, #tpu.memory_space<vmem>>) semaphore(%arg27 : memref<!tpu.dma_semaphore, #tpu.memory_space<semaphore_mem>>)
    %dma_start3A_243 = arith.constant 0 : i32
    %dma_start3A_244 = arith.constant 0 : i32
    %dma_start3A_245 = tpu.memref_slice %arg10[%dma_start3A_243, %dma_start3A_244] : memref<3x128xi32, #tpu.memory_space<vmem>> -> memref<1x128xi32, #tpu.memory_space<vmem>>
    %dma_start3A_246 = tpu.memref_squeeze %dma_start3A_245 : memref<1x128xi32, #tpu.memory_space<vmem>> -> memref<128xi32, #tpu.memory_space<vmem>>
    %dma_start3A_247 = arith.constant 0 : i32
    %dma_start3A_248 = tpu.memref_slice %arg7[%dma_start3A_247] : memref<512xi32, #tpu.memory_space<vmem_shared>> -> memref<512xi32, #tpu.memory_space<vmem_shared>>
    tpu.enqueue_indirect_dma source(%arg23 : memref<128xi32, #tpu.memory_space<vmem>>) target(%dma_start3A_248 : memref<512xi32, #tpu.memory_space<vmem_shared>>) offsets(%dma_start3A_246 : memref<128xi32, #tpu.memory_space<vmem>>) semaphore(%arg27 : memref<!tpu.dma_semaphore, #tpu.memory_space<semaphore_mem>>)
    %dma_start3A_249 = arith.constant 1 : i32
    %dma_start3A_250 = arith.constant 0 : i32
    %dma_start3A_251 = tpu.memref_slice %arg9[%dma_start3A_249, %dma_start3A_250] : memref<3x128xi32, #tpu.memory_space<vmem>> -> memref<1x128xi32, #tpu.memory_space<vmem>>
    %dma_start3A_252 = tpu.memref_squeeze %dma_start3A_251 : memref<1x128xi32, #tpu.memory_space<vmem>> -> memref<128xi32, #tpu.memory_space<vmem>>
    %dma_start3A_253 = arith.constant 0 : i32
    %dma_start3A_254 = tpu.memref_slice %arg7[%dma_start3A_253] : memref<512xi32, #tpu.memory_space<vmem_shared>> -> memref<512xi32, #tpu.memory_space<vmem_shared>>
    tpu.enqueue_indirect_dma source(%arg23 : memref<128xi32, #tpu.memory_space<vmem>>) target(%dma_start3A_254 : memref<512xi32, #tpu.memory_space<vmem_shared>>) offsets(%dma_start3A_252 : memref<128xi32, #tpu.memory_space<vmem>>) semaphore(%arg27 : memref<!tpu.dma_semaphore, #tpu.memory_space<semaphore_mem>>)
    %dma_start3A_255 = arith.constant 1 : i32
    %dma_start3A_256 = arith.constant 0 : i32
    %dma_start3A_257 = tpu.memref_slice %arg10[%dma_start3A_255, %dma_start3A_256] : memref<3x128xi32, #tpu.memory_space<vmem>> -> memref<1x128xi32, #tpu.memory_space<vmem>>
    %dma_start3A_258 = tpu.memref_squeeze %dma_start3A_257 : memref<1x128xi32, #tpu.memory_space<vmem>> -> memref<128xi32, #tpu.memory_space<vmem>>
    %dma_start3A_259 = arith.constant 0 : i32
    %dma_start3A_260 = tpu.memref_slice %arg7[%dma_start3A_259] : memref<512xi32, #tpu.memory_space<vmem_shared>> -> memref<512xi32, #tpu.memory_space<vmem_shared>>
    tpu.enqueue_indirect_dma source(%arg23 : memref<128xi32, #tpu.memory_space<vmem>>) target(%dma_start3A_260 : memref<512xi32, #tpu.memory_space<vmem_shared>>) offsets(%dma_start3A_258 : memref<128xi32, #tpu.memory_space<vmem>>) semaphore(%arg27 : memref<!tpu.dma_semaphore, #tpu.memory_space<semaphore_mem>>)
    %dma_start3A_261 = arith.constant 2 : i32
    %dma_start3A_262 = arith.constant 0 : i32
    %dma_start3A_263 = tpu.memref_slice %arg9[%dma_start3A_261, %dma_start3A_262] : memref<3x128xi32, #tpu.memory_space<vmem>> -> memref<1x128xi32, #tpu.memory_space<vmem>>
    %dma_start3A_264 = tpu.memref_squeeze %dma_start3A_263 : memref<1x128xi32, #tpu.memory_space<vmem>> -> memref<128xi32, #tpu.memory_space<vmem>>
    %dma_start3A_265 = arith.constant 0 : i32
    %dma_start3A_266 = tpu.memref_slice %arg7[%dma_start3A_265] : memref<512xi32, #tpu.memory_space<vmem_shared>> -> memref<512xi32, #tpu.memory_space<vmem_shared>>
    tpu.enqueue_indirect_dma source(%arg23 : memref<128xi32, #tpu.memory_space<vmem>>) target(%dma_start3A_266 : memref<512xi32, #tpu.memory_space<vmem_shared>>) offsets(%dma_start3A_264 : memref<128xi32, #tpu.memory_space<vmem>>) semaphore(%arg27 : memref<!tpu.dma_semaphore, #tpu.memory_space<semaphore_mem>>)
    %dma_start3A_267 = arith.constant 2 : i32
    %dma_start3A_268 = arith.constant 0 : i32
    %dma_start3A_269 = tpu.memref_slice %arg10[%dma_start3A_267, %dma_start3A_268] : memref<3x128xi32, #tpu.memory_space<vmem>> -> memref<1x128xi32, #tpu.memory_space<vmem>>
    %dma_start3A_270 = tpu.memref_squeeze %dma_start3A_269 : memref<1x128xi32, #tpu.memory_space<vmem>> -> memref<128xi32, #tpu.memory_space<vmem>>
    %dma_start3A_271 = arith.constant 0 : i32
    %dma_start3A_272 = tpu.memref_slice %arg7[%dma_start3A_271] : memref<512xi32, #tpu.memory_space<vmem_shared>> -> memref<512xi32, #tpu.memory_space<vmem_shared>>
    tpu.enqueue_indirect_dma source(%arg23 : memref<128xi32, #tpu.memory_space<vmem>>) target(%dma_start3A_272 : memref<512xi32, #tpu.memory_space<vmem_shared>>) offsets(%dma_start3A_270 : memref<128xi32, #tpu.memory_space<vmem>>) semaphore(%arg27 : memref<!tpu.dma_semaphore, #tpu.memory_space<semaphore_mem>>)
    %dma_start3A_273 = arith.constant 0 : i32
    %dma_start3A_274 = arith.constant 0 : i32
    %dma_start3A_275 = tpu.memref_slice %arg13[%dma_start3A_273, %dma_start3A_274] : memref<2x128xi32, #tpu.memory_space<vmem>> -> memref<1x128xi32, #tpu.memory_space<vmem>>
    %dma_start3A_276 = tpu.memref_squeeze %dma_start3A_275 : memref<1x128xi32, #tpu.memory_space<vmem>> -> memref<128xi32, #tpu.memory_space<vmem>>
    %dma_start3A_277 = arith.constant 0 : i32
    %dma_start3A_278 = tpu.memref_slice %arg6[%dma_start3A_277] : memref<65536xf32, #tpu.memory_space<vmem_shared>> -> memref<65536xf32, #tpu.memory_space<vmem_shared>>
    tpu.enqueue_indirect_dma source(%arg22 : memref<128xf32, #tpu.memory_space<vmem>>) target(%dma_start3A_278 : memref<65536xf32, #tpu.memory_space<vmem_shared>>) offsets(%dma_start3A_276 : memref<128xi32, #tpu.memory_space<vmem>>) semaphore(%arg27 : memref<!tpu.dma_semaphore, #tpu.memory_space<semaphore_mem>>) {add = true}
    %dma_start3A_279 = arith.constant 1 : i32
    %dma_start3A_280 = arith.constant 0 : i32
    %dma_start3A_281 = tpu.memref_slice %arg13[%dma_start3A_279, %dma_start3A_280] : memref<2x128xi32, #tpu.memory_space<vmem>> -> memref<1x128xi32, #tpu.memory_space<vmem>>
    %dma_start3A_282 = tpu.memref_squeeze %dma_start3A_281 : memref<1x128xi32, #tpu.memory_space<vmem>> -> memref<128xi32, #tpu.memory_space<vmem>>
    %dma_start3A_283 = arith.constant 0 : i32
    %dma_start3A_284 = tpu.memref_slice %arg6[%dma_start3A_283] : memref<65536xf32, #tpu.memory_space<vmem_shared>> -> memref<65536xf32, #tpu.memory_space<vmem_shared>>
    tpu.enqueue_indirect_dma source(%arg22 : memref<128xf32, #tpu.memory_space<vmem>>) target(%dma_start3A_284 : memref<65536xf32, #tpu.memory_space<vmem_shared>>) offsets(%dma_start3A_282 : memref<128xi32, #tpu.memory_space<vmem>>) semaphore(%arg27 : memref<!tpu.dma_semaphore, #tpu.memory_space<semaphore_mem>>) {add = true}
    %dma_wait3A_285 = arith.constant 0 : i32
    %dma_wait3A_286 = arith.constant 0 : i32
    %dma_wait3A_287 = tpu.memref_slice %arg9[%dma_wait3A_285, %dma_wait3A_286] : memref<3x128xi32, #tpu.memory_space<vmem>> -> memref<1x128xi32, #tpu.memory_space<vmem>>
    %dma_wait3A_288 = tpu.memref_squeeze %dma_wait3A_287 : memref<1x128xi32, #tpu.memory_space<vmem>> -> memref<128xi32, #tpu.memory_space<vmem>>
    %dma_wait3A_289 = arith.constant 0 : i32
    %dma_wait3A_290 = tpu.memref_slice %arg7[%dma_wait3A_289] : memref<512xi32, #tpu.memory_space<vmem_shared>> -> memref<512xi32, #tpu.memory_space<vmem_shared>>
    tpu.wait_indirect_dma semaphore(%arg27 : memref<!tpu.dma_semaphore, #tpu.memory_space<semaphore_mem>>) src(%arg23 : memref<128xi32, #tpu.memory_space<vmem>>) dst(%dma_wait3A_290 : memref<512xi32, #tpu.memory_space<vmem_shared>>)
    %dma_wait3A_291 = arith.constant 0 : i32
    %dma_wait3A_292 = arith.constant 0 : i32
    %dma_wait3A_293 = tpu.memref_slice %arg10[%dma_wait3A_291, %dma_wait3A_292] : memref<3x128xi32, #tpu.memory_space<vmem>> -> memref<1x128xi32, #tpu.memory_space<vmem>>
    %dma_wait3A_294 = tpu.memref_squeeze %dma_wait3A_293 : memref<1x128xi32, #tpu.memory_space<vmem>> -> memref<128xi32, #tpu.memory_space<vmem>>
    %dma_wait3A_295 = arith.constant 0 : i32
    %dma_wait3A_296 = tpu.memref_slice %arg7[%dma_wait3A_295] : memref<512xi32, #tpu.memory_space<vmem_shared>> -> memref<512xi32, #tpu.memory_space<vmem_shared>>
    tpu.wait_indirect_dma semaphore(%arg27 : memref<!tpu.dma_semaphore, #tpu.memory_space<semaphore_mem>>) src(%arg23 : memref<128xi32, #tpu.memory_space<vmem>>) dst(%dma_wait3A_296 : memref<512xi32, #tpu.memory_space<vmem_shared>>)
    %dma_wait3A_297 = arith.constant 1 : i32
    %dma_wait3A_298 = arith.constant 0 : i32
    %dma_wait3A_299 = tpu.memref_slice %arg9[%dma_wait3A_297, %dma_wait3A_298] : memref<3x128xi32, #tpu.memory_space<vmem>> -> memref<1x128xi32, #tpu.memory_space<vmem>>
    %dma_wait3A_300 = tpu.memref_squeeze %dma_wait3A_299 : memref<1x128xi32, #tpu.memory_space<vmem>> -> memref<128xi32, #tpu.memory_space<vmem>>
    %dma_wait3A_301 = arith.constant 0 : i32
    %dma_wait3A_302 = tpu.memref_slice %arg7[%dma_wait3A_301] : memref<512xi32, #tpu.memory_space<vmem_shared>> -> memref<512xi32, #tpu.memory_space<vmem_shared>>
    tpu.wait_indirect_dma semaphore(%arg27 : memref<!tpu.dma_semaphore, #tpu.memory_space<semaphore_mem>>) src(%arg23 : memref<128xi32, #tpu.memory_space<vmem>>) dst(%dma_wait3A_302 : memref<512xi32, #tpu.memory_space<vmem_shared>>)
    %dma_wait3A_303 = arith.constant 1 : i32
    %dma_wait3A_304 = arith.constant 0 : i32
    %dma_wait3A_305 = tpu.memref_slice %arg10[%dma_wait3A_303, %dma_wait3A_304] : memref<3x128xi32, #tpu.memory_space<vmem>> -> memref<1x128xi32, #tpu.memory_space<vmem>>
    %dma_wait3A_306 = tpu.memref_squeeze %dma_wait3A_305 : memref<1x128xi32, #tpu.memory_space<vmem>> -> memref<128xi32, #tpu.memory_space<vmem>>
    %dma_wait3A_307 = arith.constant 0 : i32
    %dma_wait3A_308 = tpu.memref_slice %arg7[%dma_wait3A_307] : memref<512xi32, #tpu.memory_space<vmem_shared>> -> memref<512xi32, #tpu.memory_space<vmem_shared>>
    tpu.wait_indirect_dma semaphore(%arg27 : memref<!tpu.dma_semaphore, #tpu.memory_space<semaphore_mem>>) src(%arg23 : memref<128xi32, #tpu.memory_space<vmem>>) dst(%dma_wait3A_308 : memref<512xi32, #tpu.memory_space<vmem_shared>>)
    %dma_wait3A_309 = arith.constant 2 : i32
    %dma_wait3A_310 = arith.constant 0 : i32
    %dma_wait3A_311 = tpu.memref_slice %arg9[%dma_wait3A_309, %dma_wait3A_310] : memref<3x128xi32, #tpu.memory_space<vmem>> -> memref<1x128xi32, #tpu.memory_space<vmem>>
    %dma_wait3A_312 = tpu.memref_squeeze %dma_wait3A_311 : memref<1x128xi32, #tpu.memory_space<vmem>> -> memref<128xi32, #tpu.memory_space<vmem>>
    %dma_wait3A_313 = arith.constant 0 : i32
    %dma_wait3A_314 = tpu.memref_slice %arg7[%dma_wait3A_313] : memref<512xi32, #tpu.memory_space<vmem_shared>> -> memref<512xi32, #tpu.memory_space<vmem_shared>>
    tpu.wait_indirect_dma semaphore(%arg27 : memref<!tpu.dma_semaphore, #tpu.memory_space<semaphore_mem>>) src(%arg23 : memref<128xi32, #tpu.memory_space<vmem>>) dst(%dma_wait3A_314 : memref<512xi32, #tpu.memory_space<vmem_shared>>)
    %dma_wait3A_315 = arith.constant 2 : i32
    %dma_wait3A_316 = arith.constant 0 : i32
    %dma_wait3A_317 = tpu.memref_slice %arg10[%dma_wait3A_315, %dma_wait3A_316] : memref<3x128xi32, #tpu.memory_space<vmem>> -> memref<1x128xi32, #tpu.memory_space<vmem>>
    %dma_wait3A_318 = tpu.memref_squeeze %dma_wait3A_317 : memref<1x128xi32, #tpu.memory_space<vmem>> -> memref<128xi32, #tpu.memory_space<vmem>>
    %dma_wait3A_319 = arith.constant 0 : i32
    %dma_wait3A_320 = tpu.memref_slice %arg7[%dma_wait3A_319] : memref<512xi32, #tpu.memory_space<vmem_shared>> -> memref<512xi32, #tpu.memory_space<vmem_shared>>
    tpu.wait_indirect_dma semaphore(%arg27 : memref<!tpu.dma_semaphore, #tpu.memory_space<semaphore_mem>>) src(%arg23 : memref<128xi32, #tpu.memory_space<vmem>>) dst(%dma_wait3A_320 : memref<512xi32, #tpu.memory_space<vmem_shared>>)
    %dma_wait3A_321 = arith.constant 0 : i32
    %dma_wait3A_322 = arith.constant 0 : i32
    %dma_wait3A_323 = tpu.memref_slice %arg13[%dma_wait3A_321, %dma_wait3A_322] : memref<2x128xi32, #tpu.memory_space<vmem>> -> memref<1x128xi32, #tpu.memory_space<vmem>>
    %dma_wait3A_324 = tpu.memref_squeeze %dma_wait3A_323 : memref<1x128xi32, #tpu.memory_space<vmem>> -> memref<128xi32, #tpu.memory_space<vmem>>
    %dma_wait3A_325 = arith.constant 0 : i32
    %dma_wait3A_326 = tpu.memref_slice %arg6[%dma_wait3A_325] : memref<65536xf32, #tpu.memory_space<vmem_shared>> -> memref<65536xf32, #tpu.memory_space<vmem_shared>>
    tpu.wait_indirect_dma semaphore(%arg27 : memref<!tpu.dma_semaphore, #tpu.memory_space<semaphore_mem>>) src(%arg22 : memref<128xf32, #tpu.memory_space<vmem>>) dst(%dma_wait3A_326 : memref<65536xf32, #tpu.memory_space<vmem_shared>>)
    %dma_wait3A_327 = arith.constant 1 : i32
    %dma_wait3A_328 = arith.constant 0 : i32
    %dma_wait3A_329 = tpu.memref_slice %arg13[%dma_wait3A_327, %dma_wait3A_328] : memref<2x128xi32, #tpu.memory_space<vmem>> -> memref<1x128xi32, #tpu.memory_space<vmem>>
    %dma_wait3A_330 = tpu.memref_squeeze %dma_wait3A_329 : memref<1x128xi32, #tpu.memory_space<vmem>> -> memref<128xi32, #tpu.memory_space<vmem>>
    %dma_wait3A_331 = arith.constant 0 : i32
    %dma_wait3A_332 = tpu.memref_slice %arg6[%dma_wait3A_331] : memref<65536xf32, #tpu.memory_space<vmem_shared>> -> memref<65536xf32, #tpu.memory_space<vmem_shared>>
    tpu.wait_indirect_dma semaphore(%arg27 : memref<!tpu.dma_semaphore, #tpu.memory_space<semaphore_mem>>) src(%arg22 : memref<128xf32, #tpu.memory_space<vmem>>) dst(%dma_wait3A_332 : memref<65536xf32, #tpu.memory_space<vmem_shared>>)
    %barrier3A_333 = arith.constant 0 : index
    tpu.barrier barrier_id(%barrier3A_333)
    tpu.enqueue_dma source(%arg7 : memref<512xi32, #tpu.memory_space<vmem_shared>>) target(%arg17 : memref<512xi32, #tpu.memory_space<vmem>>) target_semaphore(%arg27 : memref<!tpu.dma_semaphore, #tpu.memory_space<semaphore_mem>>)
    tpu.enqueue_dma source(%arg8 : memref<16xi32, #tpu.memory_space<vmem_shared>>) target(%arg18 : memref<16xi32, #tpu.memory_space<vmem>>) target_semaphore(%arg27 : memref<!tpu.dma_semaphore, #tpu.memory_space<semaphore_mem>>)
    %dma_start3A_334 = arith.constant 0 : i32
    %dma_start3A_335 = arith.constant 0 : i32
    %dma_start3A_336 = tpu.memref_slice %arg16[%dma_start3A_335] : memref<256xf32, #tpu.memory_space<vmem>> -> memref<128xf32, #tpu.memory_space<vmem>>
    %dma_start3A_337 = arith.constant 0 : i32
    %dma_start3A_338 = tpu.memref_slice %arg13[%dma_start3A_334, %dma_start3A_337] : memref<2x128xi32, #tpu.memory_space<vmem>> -> memref<1x128xi32, #tpu.memory_space<vmem>>
    %dma_start3A_339 = tpu.memref_squeeze %dma_start3A_338 : memref<1x128xi32, #tpu.memory_space<vmem>> -> memref<128xi32, #tpu.memory_space<vmem>>
    %dma_start3A_340 = arith.constant 0 : i32
    %dma_start3A_341 = tpu.memref_slice %arg6[%dma_start3A_340] : memref<65536xf32, #tpu.memory_space<vmem_shared>> -> memref<65536xf32, #tpu.memory_space<vmem_shared>>
    tpu.enqueue_indirect_dma source(%dma_start3A_341 : memref<65536xf32, #tpu.memory_space<vmem_shared>>) target(%dma_start3A_336 : memref<128xf32, #tpu.memory_space<vmem>>) offsets(%dma_start3A_339 : memref<128xi32, #tpu.memory_space<vmem>>) semaphore(%arg27 : memref<!tpu.dma_semaphore, #tpu.memory_space<semaphore_mem>>)
    %dma_start3A_342 = arith.constant 1 : i32
    %dma_start3A_343 = arith.constant 128 : i32
    %dma_start3A_344 = tpu.memref_slice %arg16[%dma_start3A_343] : memref<256xf32, #tpu.memory_space<vmem>> -> memref<128xf32, #tpu.memory_space<vmem>>
    %dma_start3A_345 = arith.constant 0 : i32
    %dma_start3A_346 = tpu.memref_slice %arg13[%dma_start3A_342, %dma_start3A_345] : memref<2x128xi32, #tpu.memory_space<vmem>> -> memref<1x128xi32, #tpu.memory_space<vmem>>
    %dma_start3A_347 = tpu.memref_squeeze %dma_start3A_346 : memref<1x128xi32, #tpu.memory_space<vmem>> -> memref<128xi32, #tpu.memory_space<vmem>>
    %dma_start3A_348 = arith.constant 0 : i32
    %dma_start3A_349 = tpu.memref_slice %arg6[%dma_start3A_348] : memref<65536xf32, #tpu.memory_space<vmem_shared>> -> memref<65536xf32, #tpu.memory_space<vmem_shared>>
    tpu.enqueue_indirect_dma source(%dma_start3A_349 : memref<65536xf32, #tpu.memory_space<vmem_shared>>) target(%dma_start3A_344 : memref<128xf32, #tpu.memory_space<vmem>>) offsets(%dma_start3A_347 : memref<128xi32, #tpu.memory_space<vmem>>) semaphore(%arg27 : memref<!tpu.dma_semaphore, #tpu.memory_space<semaphore_mem>>)
    tpu.wait_dma2 semaphore(%arg27 : memref<!tpu.dma_semaphore, #tpu.memory_space<semaphore_mem>>) src(%arg7 : memref<512xi32, #tpu.memory_space<vmem_shared>>) dst(%arg17 : memref<512xi32, #tpu.memory_space<vmem>>)
    tpu.wait_dma2 semaphore(%arg27 : memref<!tpu.dma_semaphore, #tpu.memory_space<semaphore_mem>>) src(%arg8 : memref<16xi32, #tpu.memory_space<vmem_shared>>) dst(%arg18 : memref<16xi32, #tpu.memory_space<vmem>>)
    %dma_wait3A_350 = arith.constant 0 : i32
    %dma_wait3A_351 = arith.constant 0 : i32
    %dma_wait3A_352 = tpu.memref_slice %arg16[%dma_wait3A_351] : memref<256xf32, #tpu.memory_space<vmem>> -> memref<128xf32, #tpu.memory_space<vmem>>
    %dma_wait3A_353 = arith.constant 0 : i32
    %dma_wait3A_354 = tpu.memref_slice %arg13[%dma_wait3A_350, %dma_wait3A_353] : memref<2x128xi32, #tpu.memory_space<vmem>> -> memref<1x128xi32, #tpu.memory_space<vmem>>
    %dma_wait3A_355 = tpu.memref_squeeze %dma_wait3A_354 : memref<1x128xi32, #tpu.memory_space<vmem>> -> memref<128xi32, #tpu.memory_space<vmem>>
    %dma_wait3A_356 = arith.constant 0 : i32
    %dma_wait3A_357 = tpu.memref_slice %arg6[%dma_wait3A_356] : memref<65536xf32, #tpu.memory_space<vmem_shared>> -> memref<65536xf32, #tpu.memory_space<vmem_shared>>
    tpu.wait_indirect_dma semaphore(%arg27 : memref<!tpu.dma_semaphore, #tpu.memory_space<semaphore_mem>>) src(%dma_wait3A_357 : memref<65536xf32, #tpu.memory_space<vmem_shared>>) dst(%dma_wait3A_352 : memref<128xf32, #tpu.memory_space<vmem>>)
    %dma_wait3A_358 = arith.constant 1 : i32
    %dma_wait3A_359 = arith.constant 128 : i32
    %dma_wait3A_360 = tpu.memref_slice %arg16[%dma_wait3A_359] : memref<256xf32, #tpu.memory_space<vmem>> -> memref<128xf32, #tpu.memory_space<vmem>>
    %dma_wait3A_361 = arith.constant 0 : i32
    %dma_wait3A_362 = tpu.memref_slice %arg13[%dma_wait3A_358, %dma_wait3A_361] : memref<2x128xi32, #tpu.memory_space<vmem>> -> memref<1x128xi32, #tpu.memory_space<vmem>>
    %dma_wait3A_363 = tpu.memref_squeeze %dma_wait3A_362 : memref<1x128xi32, #tpu.memory_space<vmem>> -> memref<128xi32, #tpu.memory_space<vmem>>
    %dma_wait3A_364 = arith.constant 0 : i32
    %dma_wait3A_365 = tpu.memref_slice %arg6[%dma_wait3A_364] : memref<65536xf32, #tpu.memory_space<vmem_shared>> -> memref<65536xf32, #tpu.memory_space<vmem_shared>>
    tpu.wait_indirect_dma semaphore(%arg27 : memref<!tpu.dma_semaphore, #tpu.memory_space<semaphore_mem>>) src(%dma_wait3A_365 : memref<65536xf32, #tpu.memory_space<vmem_shared>>) dst(%dma_wait3A_360 : memref<128xf32, #tpu.memory_space<vmem>>)
    %get3A = arith.constant 0 : index
    %get3A_366 = tpu.vector_load %arg18[%get3A] {strides = array<i32>} : memref<16xi32, #tpu.memory_space<vmem>>, vector<16xi32>,
    %slice3A = vector.extract_strided_slice %get3A_366 {offsets = [0], sizes = [1], strides = [1]} : vector<16xi32> to vector<1xi32>
    %squeeze3A = vector.extract %slice3A[0] : i32 from vector<1xi32>
    %broadcast_in_dim3A_367 = vector.broadcast %squeeze3A : i32 to vector<16xi32>
    %slice3A_368 = vector.extract_strided_slice %get3A_366 {offsets = [1], sizes = [1], strides = [1]} : vector<16xi32> to vector<1xi32>
    %squeeze3A_369 = vector.extract %slice3A_368[0] : i32 from vector<1xi32>
    %broadcast_in_dim3A_370 = vector.broadcast %squeeze3A_369 : i32 to vector<16xi32>
    %slice3A_371 = vector.extract_strided_slice %get3A_366 {offsets = [2], sizes = [1], strides = [1]} : vector<16xi32> to vector<1xi32>
    %squeeze3A_372 = vector.extract %slice3A_371[0] : i32 from vector<1xi32>
    %broadcast_in_dim3A_373 = vector.broadcast %squeeze3A_372 : i32 to vector<16xi32>
    %slice3A_374 = vector.extract_strided_slice %get3A_366 {offsets = [3], sizes = [1], strides = [1]} : vector<16xi32> to vector<1xi32>
    %squeeze3A_375 = vector.extract %slice3A_374[0] : i32 from vector<1xi32>
    %broadcast_in_dim3A_376 = vector.broadcast %squeeze3A_375 : i32 to vector<16xi32>
    %slice3A_377 = vector.extract_strided_slice %get3A_366 {offsets = [4], sizes = [1], strides = [1]} : vector<16xi32> to vector<1xi32>
    %squeeze3A_378 = vector.extract %slice3A_377[0] : i32 from vector<1xi32>
    %broadcast_in_dim3A_379 = vector.broadcast %squeeze3A_378 : i32 to vector<16xi32>
    %slice3A_380 = vector.extract_strided_slice %get3A_366 {offsets = [5], sizes = [1], strides = [1]} : vector<16xi32> to vector<1xi32>
    %squeeze3A_381 = vector.extract %slice3A_380[0] : i32 from vector<1xi32>
    %broadcast_in_dim3A_382 = vector.broadcast %squeeze3A_381 : i32 to vector<16xi32>
    %get3A_383 = arith.constant 0 : index
    %get3A_384 = tpu.vector_load %arg25[%get3A_383] {strides = array<i32>} : memref<16xf32, #tpu.memory_space<vmem>>, vector<16xf32>,
    %broadcast_in_dim3A_385 = arith.constant 0.000000e+00 : f32
    %broadcast_in_dim3A_386 = vector.broadcast %broadcast_in_dim3A_385 : f32 to vector<16xf32>
    %scan3A_387 = arith.constant 0 : i32
    %scan3A_388 = arith.constant 16 : i32
    %scan3A_389 = arith.addi %scan3A_387, %scan3A_388 : i32
    %scan3A_390 = arith.constant 1 : i32
    %scan3A_391 = scf.for %scan3A_398 = %scan3A_387 to %scan3A_389 step %scan3A_390 iter_args(%scan3A_399 = %broadcast_in_dim3A_386) -> (vector<16xf32>)  : i32 {
      %mul3A_400 = arith.constant 16 : i32
      %mul3A_401 = arith.muli %scan3A_398, %mul3A_400 : i32
      %get3A_402 = arith.index_cast %mul3A_401 : i32 to index
      %get3A_403 = tpu.vector_load %arg14[%get3A_402] {strides = array<i32>} : memref<256xi32, #tpu.memory_space<vmem>>, vector<16xi32>,
      %mul3A_404 = arith.constant 16 : i32
      %mul3A_405 = arith.muli %scan3A_398, %mul3A_404 : i32
      %get3A_406 = arith.index_cast %mul3A_405 : i32 to index
      %get3A_407 = tpu.vector_load %arg15[%get3A_406] {strides = array<i32>} : memref<256xi32, #tpu.memory_space<vmem>>, vector<16xi32>,
      %mul3A_408 = arith.constant 16 : i32
      %mul3A_409 = arith.muli %scan3A_398, %mul3A_408 : i32
      %get3A_410 = arith.index_cast %mul3A_409 : i32 to index
      %get3A_411 = tpu.vector_load %arg16[%get3A_410] {strides = array<i32>} : memref<256xf32, #tpu.memory_space<vmem>>, vector<16xf32>,
      %div3A = arith.constant 1.000000e+00 : f32
      %div3A_412 = vector.broadcast %div3A : f32 to vector<16xf32>
      %div3A_413 = arith.divf %div3A_412, %get3A_411 : vector<16xf32>
      %gather3A = tpu.vector_load_idx %arg17[%get3A_403] : memref<512xi32, #tpu.memory_space<vmem>>[vector<16xi32>], vector<16xi32>,
      %gt3A = arith.constant 0 : i32
      %gt3A_414 = vector.broadcast %gt3A : i32 to vector<16xi32>
      %gt3A_415 = arith.cmpi sgt, %gather3A, %gt3A_414 : vector<16xi32>
      %gather3A_416 = tpu.vector_load_idx %arg17[%get3A_407] : memref<512xi32, #tpu.memory_space<vmem>>[vector<16xi32>], vector<16xi32>,
      %gt3A_417 = arith.constant 0 : i32
      %gt3A_418 = vector.broadcast %gt3A_417 : i32 to vector<16xi32>
      %gt3A_419 = arith.cmpi sgt, %gather3A_416, %gt3A_418 : vector<16xi32>
      %and3A = arith.andi %gt3A_415, %gt3A_419 : vector<16xi1>
      %add3A_420 = arith.constant 256 : i32
      %add3A_421 = vector.broadcast %add3A_420 : i32 to vector<16xi32>
      %add3A_422 = arith.addi %get3A_403, %add3A_421 : vector<16xi32>
      %gather3A_423 = tpu.vector_load_idx %arg17[%add3A_422] : memref<512xi32, #tpu.memory_space<vmem>>[vector<16xi32>], vector<16xi32>,
      %gt3A_424 = arith.constant 0 : i32
      %gt3A_425 = vector.broadcast %gt3A_424 : i32 to vector<16xi32>
      %gt3A_426 = arith.cmpi sgt, %gather3A_423, %gt3A_425 : vector<16xi32>
      %add3A_427 = arith.constant 256 : i32
      %add3A_428 = vector.broadcast %add3A_427 : i32 to vector<16xi32>
      %add3A_429 = arith.addi %get3A_407, %add3A_428 : vector<16xi32>
      %gather3A_430 = tpu.vector_load_idx %arg17[%add3A_429] : memref<512xi32, #tpu.memory_space<vmem>>[vector<16xi32>], vector<16xi32>,
      %gt3A_431 = arith.constant 0 : i32
      %gt3A_432 = vector.broadcast %gt3A_431 : i32 to vector<16xi32>
      %gt3A_433 = arith.cmpi sgt, %gather3A_430, %gt3A_432 : vector<16xi32>
      %and3A_434 = arith.andi %gt3A_426, %gt3A_433 : vector<16xi1>
      %ne3A = arith.cmpi ne, %get3A_403, %broadcast_in_dim3A_367 : vector<16xi32>
      %ne3A_435 = arith.cmpi ne, %get3A_407, %broadcast_in_dim3A_367 : vector<16xi32>
      %and3A_436 = arith.andi %ne3A, %ne3A_435 : vector<16xi1>
      %ne3A_437 = arith.cmpi ne, %get3A_403, %broadcast_in_dim3A_370 : vector<16xi32>
      %ne3A_438 = arith.cmpi ne, %get3A_407, %broadcast_in_dim3A_370 : vector<16xi32>
      %and3A_439 = arith.andi %ne3A_437, %ne3A_438 : vector<16xi1>
      %select_n3A = arith.select %and3A_439, %broadcast_in_dim3A_370, %broadcast_in_dim3A_373 : vector<16xi1>, vector<16xi32>
      %select_n3A_440 = arith.select %and3A_436, %broadcast_in_dim3A_367, %select_n3A : vector<16xi1>, vector<16xi32>
      %ne3A_441 = arith.cmpi ne, %get3A_403, %broadcast_in_dim3A_376 : vector<16xi32>
      %ne3A_442 = arith.cmpi ne, %get3A_407, %broadcast_in_dim3A_376 : vector<16xi32>
      %and3A_443 = arith.andi %ne3A_441, %ne3A_442 : vector<16xi1>
      %ne3A_444 = arith.cmpi ne, %get3A_403, %broadcast_in_dim3A_379 : vector<16xi32>
      %ne3A_445 = arith.cmpi ne, %get3A_407, %broadcast_in_dim3A_379 : vector<16xi32>
      %and3A_446 = arith.andi %ne3A_444, %ne3A_445 : vector<16xi1>
      %select_n3A_447 = arith.select %and3A_446, %broadcast_in_dim3A_379, %broadcast_in_dim3A_382 : vector<16xi1>, vector<16xi32>
      %select_n3A_448 = arith.select %and3A_443, %broadcast_in_dim3A_376, %select_n3A_447 : vector<16xi1>, vector<16xi32>
      %jit3A = arith.constant 0 : i32
      %broadcast_in_dim3A_449 = vector.broadcast %jit3A : i32 to vector<16xi32>
      %select_n3A_450 = arith.select %and3A_434, %select_n3A_448, %broadcast_in_dim3A_449 : vector<16xi1>, vector<16xi32>
      %select_n3A_451 = arith.select %and3A, %select_n3A_440, %select_n3A_450 : vector<16xi1>, vector<16xi32>
      %and3A_452 = arith.andi %and3A, %and3A_434 : vector<16xi1>
      %jit3A_453 = arith.constant 0 : i32
      %broadcast_in_dim3A_454 = vector.broadcast %jit3A_453 : i32 to vector<16xi32>
      %select_n3A_455 = arith.select %and3A_452, %select_n3A_448, %broadcast_in_dim3A_454 : vector<16xi1>, vector<16xi32>
      %mul3A_456 = arith.constant 3 : i32
      %mul3A_457 = vector.broadcast %mul3A_456 : i32 to vector<16xi32>
      %mul3A_458 = arith.muli %get3A_403, %mul3A_457 : vector<16xi32>
      %gather3A_459 = tpu.vector_load_idx %arg12[%mul3A_458] : memref<768xf32, #tpu.memory_space<vmem>>[vector<16xi32>], vector<16xf32>,
      %add3A_460 = arith.constant 1 : i32
      %add3A_461 = vector.broadcast %add3A_460 : i32 to vector<16xi32>
      %add3A_462 = arith.addi %mul3A_458, %add3A_461 : vector<16xi32>
      %gather3A_463 = tpu.vector_load_idx %arg12[%add3A_462] : memref<768xf32, #tpu.memory_space<vmem>>[vector<16xi32>], vector<16xf32>,
      %add3A_464 = arith.constant 2 : i32
      %add3A_465 = vector.broadcast %add3A_464 : i32 to vector<16xi32>
      %add3A_466 = arith.addi %mul3A_458, %add3A_465 : vector<16xi32>
      %gather3A_467 = tpu.vector_load_idx %arg12[%add3A_466] : memref<768xf32, #tpu.memory_space<vmem>>[vector<16xi32>], vector<16xf32>,
      %mul3A_468 = arith.constant 3 : i32
      %mul3A_469 = vector.broadcast %mul3A_468 : i32 to vector<16xi32>
      %mul3A_470 = arith.muli %get3A_407, %mul3A_469 : vector<16xi32>
      %gather3A_471 = tpu.vector_load_idx %arg12[%mul3A_470] : memref<768xf32, #tpu.memory_space<vmem>>[vector<16xi32>], vector<16xf32>,
      %add3A_472 = arith.constant 1 : i32
      %add3A_473 = vector.broadcast %add3A_472 : i32 to vector<16xi32>
      %add3A_474 = arith.addi %mul3A_470, %add3A_473 : vector<16xi32>
      %gather3A_475 = tpu.vector_load_idx %arg12[%add3A_474] : memref<768xf32, #tpu.memory_space<vmem>>[vector<16xi32>], vector<16xf32>,
      %add3A_476 = arith.constant 2 : i32
      %add3A_477 = vector.broadcast %add3A_476 : i32 to vector<16xi32>
      %add3A_478 = arith.addi %mul3A_470, %add3A_477 : vector<16xi32>
      %gather3A_479 = tpu.vector_load_idx %arg12[%add3A_478] : memref<768xf32, #tpu.memory_space<vmem>>[vector<16xi32>], vector<16xf32>,
      %mul3A_480 = arith.constant 3 : i32
      %mul3A_481 = vector.broadcast %mul3A_480 : i32 to vector<16xi32>
      %mul3A_482 = arith.muli %select_n3A_451, %mul3A_481 : vector<16xi32>
      %gather3A_483 = tpu.vector_load_idx %arg12[%mul3A_482] : memref<768xf32, #tpu.memory_space<vmem>>[vector<16xi32>], vector<16xf32>,
      %add3A_484 = arith.constant 1 : i32
      %add3A_485 = vector.broadcast %add3A_484 : i32 to vector<16xi32>
      %add3A_486 = arith.addi %mul3A_482, %add3A_485 : vector<16xi32>
      %gather3A_487 = tpu.vector_load_idx %arg12[%add3A_486] : memref<768xf32, #tpu.memory_space<vmem>>[vector<16xi32>], vector<16xf32>,
      %add3A_488 = arith.constant 2 : i32
      %add3A_489 = vector.broadcast %add3A_488 : i32 to vector<16xi32>
      %add3A_490 = arith.addi %mul3A_482, %add3A_489 : vector<16xi32>
      %gather3A_491 = tpu.vector_load_idx %arg12[%add3A_490] : memref<768xf32, #tpu.memory_space<vmem>>[vector<16xi32>], vector<16xf32>,
      %mul3A_492 = arith.constant 3 : i32
      %mul3A_493 = vector.broadcast %mul3A_492 : i32 to vector<16xi32>
      %mul3A_494 = arith.muli %select_n3A_455, %mul3A_493 : vector<16xi32>
      %gather3A_495 = tpu.vector_load_idx %arg12[%mul3A_494] : memref<768xf32, #tpu.memory_space<vmem>>[vector<16xi32>], vector<16xf32>,
      %add3A_496 = arith.constant 1 : i32
      %add3A_497 = vector.broadcast %add3A_496 : i32 to vector<16xi32>
      %add3A_498 = arith.addi %mul3A_494, %add3A_497 : vector<16xi32>
      %gather3A_499 = tpu.vector_load_idx %arg12[%add3A_498] : memref<768xf32, #tpu.memory_space<vmem>>[vector<16xi32>], vector<16xf32>,
      %add3A_500 = arith.constant 2 : i32
      %add3A_501 = vector.broadcast %add3A_500 : i32 to vector<16xi32>
      %add3A_502 = arith.addi %mul3A_494, %add3A_501 : vector<16xi32>
      %gather3A_503 = tpu.vector_load_idx %arg12[%add3A_502] : memref<768xf32, #tpu.memory_space<vmem>>[vector<16xi32>], vector<16xf32>,
      %sub3A = arith.subf %gather3A_471, %gather3A_459 : vector<16xf32>
      %sub3A_504 = arith.subf %gather3A_475, %gather3A_463 : vector<16xf32>
      %sub3A_505 = arith.subf %gather3A_479, %gather3A_467 : vector<16xf32>
      %sub3A_506 = arith.subf %gather3A_483, %gather3A_459 : vector<16xf32>
      %sub3A_507 = arith.subf %gather3A_487, %gather3A_463 : vector<16xf32>
      %sub3A_508 = arith.subf %gather3A_491, %gather3A_467 : vector<16xf32>
      %sub3A_509 = arith.subf %gather3A_495, %gather3A_459 : vector<16xf32>
      %sub3A_510 = arith.subf %gather3A_499, %gather3A_463 : vector<16xf32>
      %sub3A_511 = arith.subf %gather3A_503, %gather3A_467 : vector<16xf32>
      %mul3A_512 = arith.mulf %sub3A, %sub3A : vector<16xf32>
      %mul3A_513 = arith.mulf %sub3A_504, %sub3A_504 : vector<16xf32>
      %add3A_514 = arith.addf %mul3A_512, %mul3A_513 : vector<16xf32>
      %mul3A_515 = arith.mulf %sub3A_505, %sub3A_505 : vector<16xf32>
      %add3A_516 = arith.addf %add3A_514, %mul3A_515 : vector<16xf32>
      %mul3A_517 = arith.mulf %sub3A_506, %sub3A_506 : vector<16xf32>
      %mul3A_518 = arith.mulf %sub3A_507, %sub3A_507 : vector<16xf32>
      %add3A_519 = arith.addf %mul3A_517, %mul3A_518 : vector<16xf32>
      %mul3A_520 = arith.mulf %sub3A_508, %sub3A_508 : vector<16xf32>
      %add3A_521 = arith.addf %add3A_519, %mul3A_520 : vector<16xf32>
      %mul3A_522 = arith.mulf %sub3A_509, %sub3A_509 : vector<16xf32>
      %mul3A_523 = arith.mulf %sub3A_510, %sub3A_510 : vector<16xf32>
      %add3A_524 = arith.addf %mul3A_522, %mul3A_523 : vector<16xf32>
      %mul3A_525 = arith.mulf %sub3A_511, %sub3A_511 : vector<16xf32>
      %add3A_526 = arith.addf %add3A_524, %mul3A_525 : vector<16xf32>
      %mul3A_527 = arith.mulf %sub3A, %sub3A_506 : vector<16xf32>
      %mul3A_528 = arith.mulf %sub3A_504, %sub3A_507 : vector<16xf32>
      %add3A_529 = arith.addf %mul3A_527, %mul3A_528 : vector<16xf32>
      %mul3A_530 = arith.mulf %sub3A_505, %sub3A_508 : vector<16xf32>
      %add3A_531 = arith.addf %add3A_529, %mul3A_530 : vector<16xf32>
      %mul3A_532 = arith.mulf %sub3A, %sub3A_509 : vector<16xf32>
      %mul3A_533 = arith.mulf %sub3A_504, %sub3A_510 : vector<16xf32>
      %add3A_534 = arith.addf %mul3A_532, %mul3A_533 : vector<16xf32>
      %mul3A_535 = arith.mulf %sub3A_505, %sub3A_511 : vector<16xf32>
      %add3A_536 = arith.addf %add3A_534, %mul3A_535 : vector<16xf32>
      %add3A_537 = arith.addf %add3A_516, %get3A_384 : vector<16xf32>
      %bitcast3A = vector.bitcast %add3A_537 : vector<16xf32> to vector<16xi32>
      %broadcast_in_dim3A_538 = arith.constant 1597463007 : i32
      %broadcast_in_dim3A_539 = vector.broadcast %broadcast_in_dim3A_538 : i32 to vector<16xi32>
      %shift_right_arithmetic3A = arith.constant 1 : i32
      %shift_right_arithmetic3A_540 = vector.broadcast %shift_right_arithmetic3A : i32 to vector<16xi32>
      %shift_right_arithmetic3A_541 = arith.shrsi %bitcast3A, %shift_right_arithmetic3A_540 : vector<16xi32>
      %sub3A_542 = arith.subi %broadcast_in_dim3A_539, %shift_right_arithmetic3A_541 : vector<16xi32>
      %bitcast3A_543 = vector.bitcast %sub3A_542 : vector<16xi32> to vector<16xf32>
      %mul3A_544 = arith.constant 5.000000e-01 : f32
      %mul3A_545 = vector.broadcast %mul3A_544 : f32 to vector<16xf32>
      %mul3A_546 = arith.mulf %mul3A_545, %add3A_537 : vector<16xf32>
      %mul3A_547 = arith.mulf %mul3A_546, %bitcast3A_543 : vector<16xf32>
      %mul3A_548 = arith.mulf %mul3A_547, %bitcast3A_543 : vector<16xf32>
      %sub3A_549 = arith.constant 1.500000e+00 : f32
      %sub3A_550 = vector.broadcast %sub3A_549 : f32 to vector<16xf32>
      %sub3A_551 = arith.subf %sub3A_550, %mul3A_548 : vector<16xf32>
      %mul3A_552 = arith.mulf %bitcast3A_543, %sub3A_551 : vector<16xf32>
      %mul3A_553 = arith.constant 5.000000e-01 : f32
      %mul3A_554 = vector.broadcast %mul3A_553 : f32 to vector<16xf32>
      %mul3A_555 = arith.mulf %mul3A_554, %add3A_537 : vector<16xf32>
      %mul3A_556 = arith.mulf %mul3A_555, %mul3A_552 : vector<16xf32>
      %mul3A_557 = arith.mulf %mul3A_556, %mul3A_552 : vector<16xf32>
      %sub3A_558 = arith.constant 1.500000e+00 : f32
      %sub3A_559 = vector.broadcast %sub3A_558 : f32 to vector<16xf32>
      %sub3A_560 = arith.subf %sub3A_559, %mul3A_557 : vector<16xf32>
      %mul3A_561 = arith.mulf %mul3A_552, %sub3A_560 : vector<16xf32>
      %mul3A_562 = arith.constant 5.000000e-01 : f32
      %mul3A_563 = vector.broadcast %mul3A_562 : f32 to vector<16xf32>
      %mul3A_564 = arith.mulf %mul3A_563, %add3A_537 : vector<16xf32>
      %mul3A_565 = arith.mulf %mul3A_564, %mul3A_561 : vector<16xf32>
      %mul3A_566 = arith.mulf %mul3A_565, %mul3A_561 : vector<16xf32>
      %sub3A_567 = arith.constant 1.500000e+00 : f32
      %sub3A_568 = vector.broadcast %sub3A_567 : f32 to vector<16xf32>
      %sub3A_569 = arith.subf %sub3A_568, %mul3A_566 : vector<16xf32>
      %mul3A_570 = arith.mulf %mul3A_561, %sub3A_569 : vector<16xf32>
      %mul3A_571 = arith.mulf %add3A_537, %mul3A_570 : vector<16xf32>
      %add3A_572 = arith.addf %add3A_521, %get3A_384 : vector<16xf32>
      %bitcast3A_573 = vector.bitcast %add3A_572 : vector<16xf32> to vector<16xi32>
      %broadcast_in_dim3A_574 = arith.constant 1597463007 : i32
      %broadcast_in_dim3A_575 = vector.broadcast %broadcast_in_dim3A_574 : i32 to vector<16xi32>
      %shift_right_arithmetic3A_576 = arith.constant 1 : i32
      %shift_right_arithmetic3A_577 = vector.broadcast %shift_right_arithmetic3A_576 : i32 to vector<16xi32>
      %shift_right_arithmetic3A_578 = arith.shrsi %bitcast3A_573, %shift_right_arithmetic3A_577 : vector<16xi32>
      %sub3A_579 = arith.subi %broadcast_in_dim3A_575, %shift_right_arithmetic3A_578 : vector<16xi32>
      %bitcast3A_580 = vector.bitcast %sub3A_579 : vector<16xi32> to vector<16xf32>
      %mul3A_581 = arith.constant 5.000000e-01 : f32
      %mul3A_582 = vector.broadcast %mul3A_581 : f32 to vector<16xf32>
      %mul3A_583 = arith.mulf %mul3A_582, %add3A_572 : vector<16xf32>
      %mul3A_584 = arith.mulf %mul3A_583, %bitcast3A_580 : vector<16xf32>
      %mul3A_585 = arith.mulf %mul3A_584, %bitcast3A_580 : vector<16xf32>
      %sub3A_586 = arith.constant 1.500000e+00 : f32
      %sub3A_587 = vector.broadcast %sub3A_586 : f32 to vector<16xf32>
      %sub3A_588 = arith.subf %sub3A_587, %mul3A_585 : vector<16xf32>
      %mul3A_589 = arith.mulf %bitcast3A_580, %sub3A_588 : vector<16xf32>
      %mul3A_590 = arith.constant 5.000000e-01 : f32
      %mul3A_591 = vector.broadcast %mul3A_590 : f32 to vector<16xf32>
      %mul3A_592 = arith.mulf %mul3A_591, %add3A_572 : vector<16xf32>
      %mul3A_593 = arith.mulf %mul3A_592, %mul3A_589 : vector<16xf32>
      %mul3A_594 = arith.mulf %mul3A_593, %mul3A_589 : vector<16xf32>
      %sub3A_595 = arith.constant 1.500000e+00 : f32
      %sub3A_596 = vector.broadcast %sub3A_595 : f32 to vector<16xf32>
      %sub3A_597 = arith.subf %sub3A_596, %mul3A_594 : vector<16xf32>
      %mul3A_598 = arith.mulf %mul3A_589, %sub3A_597 : vector<16xf32>
      %mul3A_599 = arith.constant 5.000000e-01 : f32
      %mul3A_600 = vector.broadcast %mul3A_599 : f32 to vector<16xf32>
      %mul3A_601 = arith.mulf %mul3A_600, %add3A_572 : vector<16xf32>
      %mul3A_602 = arith.mulf %mul3A_601, %mul3A_598 : vector<16xf32>
      %mul3A_603 = arith.mulf %mul3A_602, %mul3A_598 : vector<16xf32>
      %sub3A_604 = arith.constant 1.500000e+00 : f32
      %sub3A_605 = vector.broadcast %sub3A_604 : f32 to vector<16xf32>
      %sub3A_606 = arith.subf %sub3A_605, %mul3A_603 : vector<16xf32>
      %mul3A_607 = arith.mulf %mul3A_598, %sub3A_606 : vector<16xf32>
      %mul3A_608 = arith.mulf %add3A_572, %mul3A_607 : vector<16xf32>
      %add3A_609 = arith.addf %add3A_526, %get3A_384 : vector<16xf32>
      %bitcast3A_610 = vector.bitcast %add3A_609 : vector<16xf32> to vector<16xi32>
      %broadcast_in_dim3A_611 = arith.constant 1597463007 : i32
      %broadcast_in_dim3A_612 = vector.broadcast %broadcast_in_dim3A_611 : i32 to vector<16xi32>
      %shift_right_arithmetic3A_613 = arith.constant 1 : i32
      %shift_right_arithmetic3A_614 = vector.broadcast %shift_right_arithmetic3A_613 : i32 to vector<16xi32>
      %shift_right_arithmetic3A_615 = arith.shrsi %bitcast3A_610, %shift_right_arithmetic3A_614 : vector<16xi32>
      %sub3A_616 = arith.subi %broadcast_in_dim3A_612, %shift_right_arithmetic3A_615 : vector<16xi32>
      %bitcast3A_617 = vector.bitcast %sub3A_616 : vector<16xi32> to vector<16xf32>
      %mul3A_618 = arith.constant 5.000000e-01 : f32
      %mul3A_619 = vector.broadcast %mul3A_618 : f32 to vector<16xf32>
      %mul3A_620 = arith.mulf %mul3A_619, %add3A_609 : vector<16xf32>
      %mul3A_621 = arith.mulf %mul3A_620, %bitcast3A_617 : vector<16xf32>
      %mul3A_622 = arith.mulf %mul3A_621, %bitcast3A_617 : vector<16xf32>
      %sub3A_623 = arith.constant 1.500000e+00 : f32
      %sub3A_624 = vector.broadcast %sub3A_623 : f32 to vector<16xf32>
      %sub3A_625 = arith.subf %sub3A_624, %mul3A_622 : vector<16xf32>
      %mul3A_626 = arith.mulf %bitcast3A_617, %sub3A_625 : vector<16xf32>
      %mul3A_627 = arith.constant 5.000000e-01 : f32
      %mul3A_628 = vector.broadcast %mul3A_627 : f32 to vector<16xf32>
      %mul3A_629 = arith.mulf %mul3A_628, %add3A_609 : vector<16xf32>
      %mul3A_630 = arith.mulf %mul3A_629, %mul3A_626 : vector<16xf32>
      %mul3A_631 = arith.mulf %mul3A_630, %mul3A_626 : vector<16xf32>
      %sub3A_632 = arith.constant 1.500000e+00 : f32
      %sub3A_633 = vector.broadcast %sub3A_632 : f32 to vector<16xf32>
      %sub3A_634 = arith.subf %sub3A_633, %mul3A_631 : vector<16xf32>
      %mul3A_635 = arith.mulf %mul3A_626, %sub3A_634 : vector<16xf32>
      %mul3A_636 = arith.constant 5.000000e-01 : f32
      %mul3A_637 = vector.broadcast %mul3A_636 : f32 to vector<16xf32>
      %mul3A_638 = arith.mulf %mul3A_637, %add3A_609 : vector<16xf32>
      %mul3A_639 = arith.mulf %mul3A_638, %mul3A_635 : vector<16xf32>
      %mul3A_640 = arith.mulf %mul3A_639, %mul3A_635 : vector<16xf32>
      %sub3A_641 = arith.constant 1.500000e+00 : f32
      %sub3A_642 = vector.broadcast %sub3A_641 : f32 to vector<16xf32>
      %sub3A_643 = arith.subf %sub3A_642, %mul3A_640 : vector<16xf32>
      %mul3A_644 = arith.mulf %mul3A_635, %sub3A_643 : vector<16xf32>
      %mul3A_645 = arith.mulf %add3A_609, %mul3A_644 : vector<16xf32>
      %mul3A_646 = arith.mulf %mul3A_571, %mul3A_608 : vector<16xf32>
      %add3A_647 = arith.addf %mul3A_646, %get3A_384 : vector<16xf32>
      %div3A_648 = arith.divf %add3A_531, %add3A_647 : vector<16xf32>
      %mul3A_649 = arith.mulf %div3A_648, %div3A_648 : vector<16xf32>
      %sub3A_650 = arith.constant 1.000000e+00 : f32
      %sub3A_651 = vector.broadcast %sub3A_650 : f32 to vector<16xf32>
      %sub3A_652 = arith.subf %sub3A_651, %mul3A_649 : vector<16xf32>
      %add3A_653 = arith.addf %sub3A_652, %get3A_384 : vector<16xf32>
      %bitcast3A_654 = vector.bitcast %add3A_653 : vector<16xf32> to vector<16xi32>
      %broadcast_in_dim3A_655 = arith.constant 1597463007 : i32
      %broadcast_in_dim3A_656 = vector.broadcast %broadcast_in_dim3A_655 : i32 to vector<16xi32>
      %shift_right_arithmetic3A_657 = arith.constant 1 : i32
      %shift_right_arithmetic3A_658 = vector.broadcast %shift_right_arithmetic3A_657 : i32 to vector<16xi32>
      %shift_right_arithmetic3A_659 = arith.shrsi %bitcast3A_654, %shift_right_arithmetic3A_658 : vector<16xi32>
      %sub3A_660 = arith.subi %broadcast_in_dim3A_656, %shift_right_arithmetic3A_659 : vector<16xi32>
      %bitcast3A_661 = vector.bitcast %sub3A_660 : vector<16xi32> to vector<16xf32>
      %mul3A_662 = arith.constant 5.000000e-01 : f32
      %mul3A_663 = vector.broadcast %mul3A_662 : f32 to vector<16xf32>
      %mul3A_664 = arith.mulf %mul3A_663, %add3A_653 : vector<16xf32>
      %mul3A_665 = arith.mulf %mul3A_664, %bitcast3A_661 : vector<16xf32>
      %mul3A_666 = arith.mulf %mul3A_665, %bitcast3A_661 : vector<16xf32>
      %sub3A_667 = arith.constant 1.500000e+00 : f32
      %sub3A_668 = vector.broadcast %sub3A_667 : f32 to vector<16xf32>
      %sub3A_669 = arith.subf %sub3A_668, %mul3A_666 : vector<16xf32>
      %mul3A_670 = arith.mulf %bitcast3A_661, %sub3A_669 : vector<16xf32>
      %mul3A_671 = arith.constant 5.000000e-01 : f32
      %mul3A_672 = vector.broadcast %mul3A_671 : f32 to vector<16xf32>
      %mul3A_673 = arith.mulf %mul3A_672, %add3A_653 : vector<16xf32>
      %mul3A_674 = arith.mulf %mul3A_673, %mul3A_670 : vector<16xf32>
      %mul3A_675 = arith.mulf %mul3A_674, %mul3A_670 : vector<16xf32>
      %sub3A_676 = arith.constant 1.500000e+00 : f32
      %sub3A_677 = vector.broadcast %sub3A_676 : f32 to vector<16xf32>
      %sub3A_678 = arith.subf %sub3A_677, %mul3A_675 : vector<16xf32>
      %mul3A_679 = arith.mulf %mul3A_670, %sub3A_678 : vector<16xf32>
      %mul3A_680 = arith.constant 5.000000e-01 : f32
      %mul3A_681 = vector.broadcast %mul3A_680 : f32 to vector<16xf32>
      %mul3A_682 = arith.mulf %mul3A_681, %add3A_653 : vector<16xf32>
      %mul3A_683 = arith.mulf %mul3A_682, %mul3A_679 : vector<16xf32>
      %mul3A_684 = arith.mulf %mul3A_683, %mul3A_679 : vector<16xf32>
      %sub3A_685 = arith.constant 1.500000e+00 : f32
      %sub3A_686 = vector.broadcast %sub3A_685 : f32 to vector<16xf32>
      %sub3A_687 = arith.subf %sub3A_686, %mul3A_684 : vector<16xf32>
      %mul3A_688 = arith.mulf %mul3A_679, %sub3A_687 : vector<16xf32>
      %mul3A_689 = arith.mulf %add3A_653, %mul3A_688 : vector<16xf32>
      %mul3A_690 = arith.mulf %mul3A_571, %mul3A_645 : vector<16xf32>
      %add3A_691 = arith.addf %mul3A_690, %get3A_384 : vector<16xf32>
      %div3A_692 = arith.divf %add3A_536, %add3A_691 : vector<16xf32>
      %mul3A_693 = arith.mulf %div3A_692, %div3A_692 : vector<16xf32>
      %sub3A_694 = arith.constant 1.000000e+00 : f32
      %sub3A_695 = vector.broadcast %sub3A_694 : f32 to vector<16xf32>
      %sub3A_696 = arith.subf %sub3A_695, %mul3A_693 : vector<16xf32>
      %add3A_697 = arith.addf %sub3A_696, %get3A_384 : vector<16xf32>
      %bitcast3A_698 = vector.bitcast %add3A_697 : vector<16xf32> to vector<16xi32>
      %broadcast_in_dim3A_699 = arith.constant 1597463007 : i32
      %broadcast_in_dim3A_700 = vector.broadcast %broadcast_in_dim3A_699 : i32 to vector<16xi32>
      %shift_right_arithmetic3A_701 = arith.constant 1 : i32
      %shift_right_arithmetic3A_702 = vector.broadcast %shift_right_arithmetic3A_701 : i32 to vector<16xi32>
      %shift_right_arithmetic3A_703 = arith.shrsi %bitcast3A_698, %shift_right_arithmetic3A_702 : vector<16xi32>
      %sub3A_704 = arith.subi %broadcast_in_dim3A_700, %shift_right_arithmetic3A_703 : vector<16xi32>
      %bitcast3A_705 = vector.bitcast %sub3A_704 : vector<16xi32> to vector<16xf32>
      %mul3A_706 = arith.constant 5.000000e-01 : f32
      %mul3A_707 = vector.broadcast %mul3A_706 : f32 to vector<16xf32>
      %mul3A_708 = arith.mulf %mul3A_707, %add3A_697 : vector<16xf32>
      %mul3A_709 = arith.mulf %mul3A_708, %bitcast3A_705 : vector<16xf32>
      %mul3A_710 = arith.mulf %mul3A_709, %bitcast3A_705 : vector<16xf32>
      %sub3A_711 = arith.constant 1.500000e+00 : f32
      %sub3A_712 = vector.broadcast %sub3A_711 : f32 to vector<16xf32>
      %sub3A_713 = arith.subf %sub3A_712, %mul3A_710 : vector<16xf32>
      %mul3A_714 = arith.mulf %bitcast3A_705, %sub3A_713 : vector<16xf32>
      %mul3A_715 = arith.constant 5.000000e-01 : f32
      %mul3A_716 = vector.broadcast %mul3A_715 : f32 to vector<16xf32>
      %mul3A_717 = arith.mulf %mul3A_716, %add3A_697 : vector<16xf32>
      %mul3A_718 = arith.mulf %mul3A_717, %mul3A_714 : vector<16xf32>
      %mul3A_719 = arith.mulf %mul3A_718, %mul3A_714 : vector<16xf32>
      %sub3A_720 = arith.constant 1.500000e+00 : f32
      %sub3A_721 = vector.broadcast %sub3A_720 : f32 to vector<16xf32>
      %sub3A_722 = arith.subf %sub3A_721, %mul3A_719 : vector<16xf32>
      %mul3A_723 = arith.mulf %mul3A_714, %sub3A_722 : vector<16xf32>
      %mul3A_724 = arith.constant 5.000000e-01 : f32
      %mul3A_725 = vector.broadcast %mul3A_724 : f32 to vector<16xf32>
      %mul3A_726 = arith.mulf %mul3A_725, %add3A_697 : vector<16xf32>
      %mul3A_727 = arith.mulf %mul3A_726, %mul3A_723 : vector<16xf32>
      %mul3A_728 = arith.mulf %mul3A_727, %mul3A_723 : vector<16xf32>
      %sub3A_729 = arith.constant 1.500000e+00 : f32
      %sub3A_730 = vector.broadcast %sub3A_729 : f32 to vector<16xf32>
      %sub3A_731 = arith.subf %sub3A_730, %mul3A_728 : vector<16xf32>
      %mul3A_732 = arith.mulf %mul3A_723, %sub3A_731 : vector<16xf32>
      %mul3A_733 = arith.mulf %add3A_697, %mul3A_732 : vector<16xf32>
      %add3A_734 = arith.addf %add3A_516, %get3A_384 : vector<16xf32>
      %div3A_735 = arith.divf %add3A_531, %add3A_734 : vector<16xf32>
      %add3A_736 = arith.addf %add3A_516, %get3A_384 : vector<16xf32>
      %div3A_737 = arith.divf %add3A_536, %add3A_736 : vector<16xf32>
      %mul3A_738 = arith.mulf %sub3A, %div3A_735 : vector<16xf32>
      %sub3A_739 = arith.subf %sub3A_506, %mul3A_738 : vector<16xf32>
      %mul3A_740 = arith.mulf %sub3A_504, %div3A_735 : vector<16xf32>
      %sub3A_741 = arith.subf %sub3A_507, %mul3A_740 : vector<16xf32>
      %mul3A_742 = arith.mulf %sub3A_505, %div3A_735 : vector<16xf32>
      %sub3A_743 = arith.subf %sub3A_508, %mul3A_742 : vector<16xf32>
      %mul3A_744 = arith.mulf %sub3A, %div3A_737 : vector<16xf32>
      %sub3A_745 = arith.subf %sub3A_509, %mul3A_744 : vector<16xf32>
      %mul3A_746 = arith.mulf %sub3A_504, %div3A_737 : vector<16xf32>
      %sub3A_747 = arith.subf %sub3A_510, %mul3A_746 : vector<16xf32>
      %mul3A_748 = arith.mulf %sub3A_505, %div3A_737 : vector<16xf32>
      %sub3A_749 = arith.subf %sub3A_511, %mul3A_748 : vector<16xf32>
      %mul3A_750 = arith.mulf %sub3A_739, %sub3A_745 : vector<16xf32>
      %mul3A_751 = arith.mulf %sub3A_741, %sub3A_747 : vector<16xf32>
      %add3A_752 = arith.addf %mul3A_750, %mul3A_751 : vector<16xf32>
      %mul3A_753 = arith.mulf %sub3A_743, %sub3A_749 : vector<16xf32>
      %add3A_754 = arith.addf %add3A_752, %mul3A_753 : vector<16xf32>
      %mul3A_755 = arith.mulf %mul3A_608, %mul3A_689 : vector<16xf32>
      %mul3A_756 = arith.mulf %mul3A_755, %mul3A_645 : vector<16xf32>
      %mul3A_757 = arith.mulf %mul3A_756, %mul3A_733 : vector<16xf32>
      %add3A_758 = arith.addf %mul3A_757, %get3A_384 : vector<16xf32>
      %div3A_759 = arith.divf %add3A_754, %add3A_758 : vector<16xf32>
      %add3A_760 = arith.constant 1.000000e+00 : f32
      %add3A_761 = vector.broadcast %add3A_760 : f32 to vector<16xf32>
      %add3A_762 = arith.addf %div3A_759, %add3A_761 : vector<16xf32>
      %add3A_763 = arith.constant 1.000000e+00 : f32
      %add3A_764 = vector.broadcast %add3A_763 : f32 to vector<16xf32>
      %add3A_765 = arith.addf %div3A_759, %add3A_764 : vector<16xf32>
      %mul3A_766 = arith.mulf %add3A_762, %add3A_765 : vector<16xf32>
      %mul3A_767 = arith.mulf %mul3A_766, %div3A_413 : vector<16xf32>
      %add3A_768 = arith.addf %scan3A_399, %mul3A_767 : vector<16xf32>
      scf.yield %add3A_768 : vector<16xf32>
    }
    %scan3A_392 = arith.constant 16 : i32
    %swap3A_393 = arith.constant 0 : index
    %swap3A_394 = tpu.vector_load %arg26[%swap3A_393] {strides = array<i32>} : memref<16xf32, #tpu.memory_space<vmem>>, vector<16xf32>,
    tpu.vector_store %arg26[%swap3A_393], %scan3A_391 {strides = array<i32>} : memref<16xf32, #tpu.memory_space<vmem>>, vector<16xf32>,
    %mul3A_395 = arith.constant 16 : i32
    %mul3A_396 = arith.muli %arg0, %mul3A_395 : i32
    %add3A_397 = arith.addi %mul3A_396, %arg1 : i32
    "tpu.region"() ({
      %run_scoped3A = tpu.sem_alloc : memref<!tpu.dma_semaphore, #tpu.memory_space<semaphore_mem>>
      %dma_start3A_398 = arith.constant 0 : i32
      %dma_start3A_399 = tpu.memref_slice %arg5[%add3A_397, %dma_start3A_398] : memref<32x16xf32, #tpu.memory_space<hbm>> -> memref<1x16xf32, #tpu.memory_space<hbm>>
      %dma_start3A_400 = tpu.memref_squeeze %dma_start3A_399 : memref<1x16xf32, #tpu.memory_space<hbm>> -> memref<16xf32, #tpu.memory_space<hbm>>
      %dma_start3A_401 = arith.constant 0 : i32
      %dma_start3A_402 = tpu.memref_slice %arg5[%add3A_397, %dma_start3A_401] : memref<32x16xf32, #tpu.memory_space<hbm>> -> memref<1x16xf32, #tpu.memory_space<hbm>>
      %dma_start3A_403 = tpu.memref_squeeze %dma_start3A_402 : memref<1x16xf32, #tpu.memory_space<hbm>> -> memref<16xf32, #tpu.memory_space<hbm>>
      tpu.enqueue_dma source(%arg26 : memref<16xf32, #tpu.memory_space<vmem>>) target(%dma_start3A_403 : memref<16xf32, #tpu.memory_space<hbm>>) target_semaphore(%run_scoped3A : memref<!tpu.dma_semaphore, #tpu.memory_space<semaphore_mem>>)
      %dma_wait3A_404 = arith.constant 0 : i32
      %dma_wait3A_405 = tpu.memref_slice %arg5[%add3A_397, %dma_wait3A_404] : memref<32x16xf32, #tpu.memory_space<hbm>> -> memref<1x16xf32, #tpu.memory_space<hbm>>
      %dma_wait3A_406 = tpu.memref_squeeze %dma_wait3A_405 : memref<1x16xf32, #tpu.memory_space<hbm>> -> memref<16xf32, #tpu.memory_space<hbm>>
      %dma_wait3A_407 = arith.constant 0 : i32
      %dma_wait3A_408 = tpu.memref_slice %arg5[%add3A_397, %dma_wait3A_407] : memref<32x16xf32, #tpu.memory_space<hbm>> -> memref<1x16xf32, #tpu.memory_space<hbm>>
      %dma_wait3A_409 = tpu.memref_squeeze %dma_wait3A_408 : memref<1x16xf32, #tpu.memory_space<hbm>> -> memref<16xf32, #tpu.memory_space<hbm>>
      tpu.wait_dma2 semaphore(%run_scoped3A : memref<!tpu.dma_semaphore, #tpu.memory_space<semaphore_mem>>) src(%arg26 : memref<16xf32, #tpu.memory_space<vmem>>) dst(%dma_wait3A_409 : memref<16xf32, #tpu.memory_space<hbm>>)
      tpu.yield
    }) : () -> ()
    return
  }
}

</mosaic_0001>

<sc_bundles>
// kernel: kernel.3.cloned.1.call-start
scs
__scs_entry_jumppad:
0x0: {  	(pc) =	sbr.rel $0x88, $3  }
0x1: {  	(tag) =	ssettag $0x0;
	lr =	simm.s32 $0x1  }
0x2: {  	[smem:$0x3F9E] =	sst lr;
	_ =	strace $0xD0000000  }
0x3: {  	_ = 	snop  }
0x4: {  	_ = 	snop  }
0x5: {  	_ = 	snop  }
0x6: {  	_ = 	snop  }
0x7: {  	_ = 	snop  }
__scs_overlays_trampoline_lowered:
0x8: {  	[smem:$0x3FAD] =	sst s0  }
0x9: {  	[smem:$0x3FAE] =	sst s1  }
0xa: {  	[smem:$0x3FAF] =	sst s2  }
0xb: {  	[smem:$0x3FB0] =	sst s3  }
0xc: {  	[smem:$0x3FB1] =	sst s4  }
0xd: {  	[smem:$0x3FB2] =	sst s5  }
0xe: {  	[smem:$0x3FB3] =	sst s6  }
0xf: {  	[smem:$0x3FB4] =	sst s7  }
0x10: {  	[smem:$0x3FB5] =	sst s8  }
0x11: {  	[smem:$0x3FB6] =	sst s9;
	s0 =	simm.s32 @!p0 $0x0  }
0x12: {  	s1 =	sld [smem:$0x3F9C];
	s0 =	simm.s32 @p0 $0x1  }
0x13: {  	[smem:$0x3FB7] =	sst s0;
	s0 =	simm.s32 @!p1 $0x0  }
0x14: {  	s2 =	sld [smem:$0x3F9B];
	s0 =	simm.s32 @p1 $0x1  }
0x15: {  	[smem:$0x3FB8] =	sst s0;
	s0 =	simm.s32 @!p2 $0x0  }
0x16: {  	s3 =	sld [smem:$0x3FDB];
	s0 =	simm.s32 @p2 $0x1  }
0x17: {  	s4 =	simm.s32 $0x1BF5;
	[smem:$0x3FBA] =	sst s0  }
0x18: {  	s0 =	sld [smem:$0x3F9D];
	_ =	swait.ge [sflag:s4], $0x0  }
0x19: {  	s7 =	sld [smem:$0x3F9E]  }
0x1a: {  	s8 =	sadd.s32 $0xFFFFE003, lr  }
0x1b: {  	s9 =	sadd.s32 $0xFFFFFEF7, lr;
	s5 =	simm.s32 $0xFFFFFFFF;
	p2 =	slt.u32 s8, $0xFFFFF086  }
0x1c: {  	p1 =	slt.u32 s9, $0xF7A;
	s5 =	simm.s32 @!p2 $0x0  }
0x1d: {  	s5 =	simm.s32 @p1 $0x1;
	p0 =	seq.s32 s7, s2  }
0x1e: {  	s7 =	smul.u32 @!p0 $0xF7A, s2;
	p2 =	seq.s32 @!p0 s5, $0x0  }
0x1f: {  	s9 =	smul.u32 $0xF7A, s1;
	s8 =	simm.s32 @!p0 $0x1BF5;
	p2 =	por !p2, p0  }
0x20: {  	[sflag:s8] =	ssyncset.s32 @!p0 $0xFFFFF086;
	s6 =	sadd.s32 @!p0 s3, s7;
	s7 =	simm.s32 @!p0 $0x108  }
0x21: {  	s3 =	sadd.s32 s3, s9;
	s6 =	sadd.s32 @!p0 $0x88, s6;
	s7 =	simm.s32 @p2 $0x1082  }
0x22: {  	[simem:s7], [sflag:s8] =	dma.local @!p0 [hbm:s6], $0xF7A  }
0x23: {  	s9 =	sor.u32 $0xD0000000, s2;
	s6 =	simm.s32 $0x108;
	_ =	swait.ge @!p0 [sflag:s8], $0x0  }
0x24: {  	s3 =	sadd.s32 $0x88, s3;
	s6 =	simm.s32 @!p1 $0x1082;
	[sflag:s4] =	ssyncset.s32 $0xFFFFF086  }
0x25: {  	[simem:s6], [sflag:s4] =	dma.local [hbm:s3], $0xF7A  }
0x26: {  	[smem:$0x3F9E] =	sst s1;
	(tag) =	ssettag s2;
	_ =	strace s9  }
0x27: {  	s1 =	sld [smem:$0x3FAE]  }
0x28: {  	s2 =	sld [smem:$0x3FAF]  }
0x29: {  	s4 =	sld [smem:$0x3FB1]  }
0x2a: {  	p0 =	seq.s32 s5, $0x0;
	s5 =	sld [smem:$0x3FB2]  }
0x2b: {  	s6 =	sld [smem:$0x3FB3]  }
0x2c: {  	s7 =	sld [smem:$0x3FB4]  }
0x2d: {  	s3 =	simm.s32 $0x108;
	s8 =	sld [smem:$0x3FB5]  }
0x2e: {  	s3 =	simm.s32 @!p0 $0x1082;
	s9 =	sld [smem:$0x3FB6]  }
0x2f: {  	lr =	sadd.s32 s0, s3;
	s0 =	sld [smem:$0x3FAD]  }
0x30: {  	s3 =	sld [smem:$0x3FB0]  }
0x31: {  	[smem:$0x3FB9] =	sst s10  }
0x32: {  	s10 =	sld [smem:$0x3FB7];
	_ =	sdelay $0x3  }
0x33: {  	p0 =	seq.s32 s10, $0x1;
	s10 =	sld [smem:$0x3FB9];
	_ =	sdelay $0x3  }
0x34: {  	[smem:$0x3FB9] =	sst s10  }
0x35: {  	s10 =	sld [smem:$0x3FB8];
	_ =	sdelay $0x3  }
0x36: {  	p1 =	seq.s32 s10, $0x1;
	s10 =	sld [smem:$0x3FB9];
	_ =	sdelay $0x3  }
0x37: {  	[smem:$0x3FB9] =	sst s10  }
0x38: {  	s10 =	sld [smem:$0x3FBA]  }
0x39: {  	_ = 	snop;
	(pc) =	sbr.ind lr, $3  }
0x3a: {  	_ = 	snop  }
0x3b: {  	_ = 	snop  }
0x3c: {  	p2 =	seq.s32 s10, $0x1;
	s10 =	sld [smem:$0x3FB9]  }
0x3d: {  	_ =	shalt  }
0x3e: {  	_ =	shalt  }
0x3f: {  	_ =	shalt  }
0x40: {  	_ =	shalt  }
0x41: {  	_ =	shalt  }
0x42: {  	_ =	shalt  }
0x43: {  	_ =	shalt  }
0x44: {  	_ =	shalt  }
0x45: {  	_ =	shalt  }
0x46: {  	_ =	shalt  }
0x47: {  	_ =	shalt  }
0x48: {  	_ =	shalt  }
0x49: {  	_ =	shalt  }
0x4a: {  	_ =	shalt  }
0x4b: {  	_ =	shalt  }
0x4c: {  	_ =	shalt  }
0x4d: {  	_ =	shalt  }
0x4e: {  	_ =	shalt  }
0x4f: {  	_ =	shalt  }
0x50: {  	_ =	shalt  }
0x51: {  	_ =	shalt  }
0x52: {  	_ =	shalt  }
0x53: {  	_ =	shalt  }
0x54: {  	_ =	shalt  }
0x55: {  	_ =	shalt  }
0x56: {  	_ =	shalt  }
0x57: {  	_ =	shalt  }
0x58: {  	_ =	shalt  }
0x59: {  	_ =	shalt  }
0x5a: {  	_ =	shalt  }
0x5b: {  	_ =	shalt  }
0x5c: {  	_ =	shalt  }
0x5d: {  	_ =	shalt  }
0x5e: {  	_ =	shalt  }
0x5f: {  	_ =	shalt  }
0x60: {  	_ =	shalt  }
0x61: {  	_ =	shalt  }
0x62: {  	_ =	shalt  }
0x63: {  	_ =	shalt  }
0x64: {  	_ =	shalt  }
0x65: {  	_ =	shalt  }
0x66: {  	_ =	shalt  }
0x67: {  	_ =	shalt  }
0x68: {  	_ =	shalt  }
0x69: {  	_ =	shalt  }
0x6a: {  	_ =	shalt  }
0x6b: {  	_ =	shalt  }
0x6c: {  	_ =	shalt  }
0x6d: {  	_ =	shalt  }
0x6e: {  	_ =	shalt  }
0x6f: {  	_ =	shalt  }
0x70: {  	_ =	shalt  }
0x71: {  	_ =	shalt  }
0x72: {  	_ =	shalt  }
0x73: {  	_ =	shalt  }
0x74: {  	_ =	shalt  }
0x75: {  	_ =	shalt  }
0x76: {  	_ =	shalt  }
0x77: {  	_ =	shalt  }
0x78: {  	_ =	shalt  }
0x79: {  	_ =	shalt  }
0x7a: {  	_ =	shalt  }
0x7b: {  	_ =	shalt  }
0x7c: {  	_ =	shalt  }
0x7d: {  	_ =	shalt  }
0x7e: {  	_ =	shalt  }
0x7f: {  	_ =	shalt  }
0x80: {  	_ =	shalt  }
0x81: {  	_ =	shalt  }
0x82: {  	_ =	shalt  }
0x83: {  	_ =	shalt  }
0x84: {  	_ =	shalt  }
0x85: {  	_ =	shalt  }
0x86: {  	_ =	shalt  }
0x87: {  	_ =	shalt  }
.Lfunc_end0:
.L_simem_size_0:
called_computation_lowered:
.L_overlay_start_0:
0x88: {  	s2 =	sld [smem:$0x3FD9]  }
0x89: {  	s3 =	sld [smem:$0x3FFE];
	_ =	sdelay $0x1  }
0x8a: {  	s1 =	srdreg.scid  }
0x8b: {  	s0 =	sand.u32 $0x1, s1  }
0x8c: {  	s17 =	sshll.u32 s0, $0xA;
	s2 =	sadd.s32 s3, s2  }
0x8d: {  	s2 =	sadd.s32 s2, s17  }
0x8e: {  	[smem:$0x3FC5] =	sst s2  }
0x8f: {  	_ = 	snop  }
0x90: {  	s2 =	sld [smem:$0x3FD0];
	(tm) =	ssettm $0x1  }
0x91: {  	s18 =	sld [smem:$0x3FFB];
	_ =	sdelay $0x3  }
0x92: {  	_ =	strace s18  }
0x93: {  	s3 =	sld [smem:$0x3FFC];
	_ =	sdelay $0x3  }
0x94: {  	_ =	strace s3  }
0x95: {  	s3 =	sld [smem:$0x3FFD];
	_ =	sdelay $0x3  }
0x96: {  	_ =	strace s3  }
0x97: {  	_ =	strace $0x8FFFFFFF  }
0x98: {  	s19 =	sld [smem:$0x3FDB];
	_ =	sdelay $0x1  }
0x99: {  	s4 =	simm.s32 $_scs_section_size  }
0x9a: {  	s5 =	simm.s32 $_size__tile_overlayer_lowered;
	s6 =	simm.s32 $_tile_overlayer_lowered  }
0x9b: {  	s22 =	simm.s32 $0x1BFF;
	s21 =	sshll.u32 s6, $0x1;
	s3 =	sadd.s32 s4, s19  }
0x9c: {  	s7 =	simm.s32 $0x0;
	s20 =	sshll.u32 s5, $0x1;
	s5 =	sadd.s32 s21, s3  }
0x9d: {  	[timem:s7], [sflag:s22] =	dma.local [hbm:s5], s20  }
0x9e: {  	_ =	swait.ge [sflag:s22], s20  }
0x9f: {  	s4 =	ssub.s32 $0x0, s20;
	[sflag:s22] =	ssyncset.done $0x0  }
0xa0: {  	[sflag:s22] =	ssyncadd.s32 s4;
	_ =	sdelay $0x1  }
0xa1: {  	s23 =	simm.s32 $0x1B8B  }
0xa2: {  	_ =	swait.ge [sflag:s23], $0x1  }
0xa3: {  	[sflag:s23] =	ssyncset.done $0x0  }
0xa4: {  	s25 =	simm.s32 $0x1B8E;
	s24 =	sld [smem:$0x3FFE];
	[sflag:s23] =	ssyncadd.s32 $0xFFFFFFFF  }
0xa5: {  	s26 =	simm.s32 $execute0_lowered;
	[smem:$0x3FD2] =	sst s25  }
0xa6: {  	s5 =	sshll.u32 s26, $0x1;
	_ =	strace $0x80000046;
	[dreg:$0x1] =	wrdreg $0xFFFFFFFF  }
0xa7: {  	s28 =	simm.s32 $_size_execute0_lowered;
	s3 =	sadd.s32 s3, s5;
	[dreg:$0x0] =	wrdreg $0x0  }
0xa8: {  	s5 =	sshll.u32 s28, $0x1;
	[dreg:$0x2] =	wrdreg s3  }
0xa9: {  	[dreg:$0x3] =	wrdreg s5  }
0xaa: {  	[dreg:$0x4] =	wrdreg $0xC0  }
0xab: {  	_ =	task [dreg:s7], $0x5FFFF  }
0xac: {  	[dreg:$0x1] =	wrdreg $0xFFFFFFFF  }
0xad: {  	[dreg:$0x0] =	wrdreg $0x60  }
0xae: {  	[dreg:$0x2] =	wrdreg s24  }
0xaf: {  	[dreg:$0x3] =	wrdreg s2  }
0xb0: {  	[dreg:$0x4] =	wrdreg $0x10000  }
0xb1: {  	[dreg:$0x5] =	wrdreg $0x0  }
0xb2: {  	[dreg:$0x6] =	wrdreg $0x10200  }
0xb3: {  	[dreg:$0x7] =	wrdreg $0x9  }
0xb4: {  	_ =	task.clear_ibuf [dreg:s7], $0x8FFFF;
	_ =	strace $0x90000046  }
0xb5: {  	s29 =	simm.s32 $0x9;
	_ =	strace $0x80000048  }
0xb6: {  	_ =	swait.ge [sflag:s29], $0x1  }
0xb7: {  	[sflag:s29] =	ssyncadd.s32 $0xFFFFFFFF  }
0xb8: {  	_ =	strace $0x90000048  }
0xb9: {  	_ =	sfence  }
0xba: {  	s30 =	sld [smem:$0x0];
	_ =	sdelay $0x2  }
0xbb: {  	s31 =	sshll.u32 s1, $0xD;
	s1 =	sshrl.u32 s1, $0x2  }
0xbc: {  	s3 =	sand.u32 $0x4000, s31;
	s1 =	sadd.s32 s1, s30  }
0xbd: {  	s0 =	sor.u32 s3, s0;
	s1 =	sshll.u32 s1, $0x11  }
0xbe: {  	s0 =	sor.u32 s1, s0  }
0xbf: {  	s0 =	sadd.s32 $0x8F2B, s0  }
0xc0: {  	[sflag:s0] =	ssyncadd.remote.s32 $0x1  }
0xc1: {  	_ =	sfence.sel $0xFFFF  }
0xc2: {  	[dreg:$0x0] =	wrdreg $0xFFFFFFFF;
	(pc) =	sbr.abs _section_cstart, $3  }
0xc3: {  	[dreg:$0x1] =	wrdreg $0xFFFFFFFF  }
0xc4: {  	_ =	task.clear_ibuf [dreg:s7], $0x2FFFF;
	_ =	strace $0x9FFFFFFF  }
0xc5: {  	(tm) =	ssettm $0x7FFFFFFF  }
tec
execute0_lowered:
.L_overlay_start_1:
0x0: {  	(tag) =	ssettag $0x1  }
0x1: {  	s0 =	rddreg [dreg:$0x0]  }
0x2: {  	s2 =	rddreg [dreg:$0x2]  }
0x3: {  	s3 =	rddreg [dreg:$0x3];
	s5 =	simm.s32 $0x0;
	s1 =	srdreg.scid  }
0x4: {  	s4 =	stileid.u32;
	s29 =	simm.s32 $0x15A8;
	s19 =	simm.s32 $0x2  }
0x5: {  	s20 =	simm.s32 $0x5128;
	s22 =	simm.s32 $0x1CA8;
	[smem:$0x7FF] =	sst s5  }
0x6: {  	s1 =	sand.u32 $0x1, s1;
	s8 =	sshll.u32 s4, $0x7;
	s10 =	smul.u32 $0x180, s4  }
0x7: {  	p0 =	sne.s32 s4, $0x0;
	s4 =	simm.s32 $0x4;
	_ =	strace $0x80000047  }
0x8: {  	s6 =	sshll.u32 s1, $0x4;
	s7 =	sshll.u32 s1, $0xB;
	s11 =	ssub.s32 $0x2, s1  }
0x9: {  	s1 =	smul.u32 $0x1800, s1;
	s25 =	sshrl.u32 s8, $0x2;
	s9 =	sadd.s32 s6, s0  }
0xa: {  	s7 =	sor.u32 s8, s7;
	s6 =	sadd.s32 $0x200, s0;
	s23 =	sshrl.u32 s11, $0x1  }
0xb: {  	s12 =	sshrl.u32 s10, $0x3;
	s21 =	sadd.s32 s25, s2;
	s25 =	simm.s32 $0x1428  }
0xc: {  	s7 =	sshrl.u32 s7, $0x3;
	s18 =	ssub.s32 s11, s23;
	s24 =	sadd.s32 s10, s1  }
0xd: {  	s26 =	sadd.s32 $0x800, s9;
	s1 =	simm.s32 $0x1028;
	s10 =	simm.s32 $0x1228  }
0xe: {  	s23 =	simm.s32 $0x0;
	s17 =	sadd.s32 s7, s0;
	s7 =	sadd.s32 s6, s12  }
0xf: {  	v7 =	vlaneseq.u32;
	v0 =	vimm.f32 $0.0e+00;
	v2 =	vimm.f32 $1.000000000e+00;
	s12 =	sadd.s32 $0x500, s0;
	s0 =	sshrl.u32 s24, $0x3;
	s30 =	smax.u32 s18, $0x1  }
0x10: {  	v3 =	vimm.s32 $0x1;
	v4 =	vimm.s32 $0x0;
	vm0 =	vmmov $0x1;
	s18 =	smov.u32 s26;
	s26 =	simm.s32 $0x80;
	s24 =	simm.s32 $0x18A8  }
0x11: {  	vm1 =	vcmask $0x318;
	vm2 =	vcmask $0x718;
	v1 =	vmul.u32 $0x3, v7;
	s13 =	sadd.s32 $0x300, s7;
	s28 =	sadd.s32 $0x10, s7;
	s14 =	sadd.s32 $0x310, s7  }
0x12: {  	vm3 =	vcmask $0xB18;
	vm4 =	vcmask $0xF18;
	vm5 =	vcmask $0x1318;
	s15 =	sadd.s32 $0x20, s7;
	s16 =	sadd.s32 $0x320, s7;
	s0 =	sadd.s32 s6, s0  }
0x13: {  	v7 =	vor.u32 $0x80000000, v7;
	v5 =	vadd.s32 $0x1, v1;
	v6 =	vadd.s32 $0x2, v1;
	s31 =	sadd.s32 $0xA00, s17;
	s17 =	smov.u32 s0;
	s0 =	simm.s32 $0x1  }
.LBB2_1:
0x14: {  	s8 =	simm.s32 @!p0 $0x0;
	s9 =	simm.s32 @!p0 $0x1F28  }
0x15: {  	[tilespmem:s9], [sflag:$0x3] =	stream.linear.gather @!p0 [hbm4b:s6+s8], $0x1800, $0x38;
	[tilespmem:$0x5328] =	vst v63  }
0x16: {  	s9 =	simm.s32 @!p0 $0x37A8  }
0x17: {  	[tilespmem:s9], [sflag:$0x3] =	stream.linear.gather @!p0 [hbm4b:s12+s8], $0x1800, $0x38;
	[tilespmem:$0x5328] =	vst v63  }
0x18: {  	_ = 	snop  }
0x19: {  	[tilespmem:s1], [sflag:$0x1] =	stream.linear.gather [hbm4b:s7+s5], $0x80, $0x38;
	[tilespmem:$0x5328] =	vst v63  }
0x1a: {  	_ = 	snop  }
0x1b: {  	[tilespmem:s10], [sflag:$0x1] =	stream.linear.gather [hbm4b:s13+s5], $0x80, $0x38;
	[tilespmem:$0x5328] =	vst v63  }
0x1c: {  	s11 =	simm.s32 $0x10A8  }
0x1d: {  	[tilespmem:s11], [sflag:$0x1] =	stream.linear.gather [hbm4b:s28+s5], $0x80, $0x38;
	[tilespmem:$0x5328] =	vst v63  }
0x1e: {  	s9 =	simm.s32 $0x12A8  }
0x1f: {  	[tilespmem:s9], [sflag:$0x1] =	stream.linear.gather [hbm4b:s14+s5], $0x80, $0x38;
	[tilespmem:$0x5328] =	vst v63  }
0x20: {  	s10 =	simm.s32 $0x1128  }
0x21: {  	[tilespmem:s10], [sflag:$0x1] =	stream.linear.gather [hbm4b:s15+s5], $0x80, $0x38;
	[tilespmem:$0x5328] =	vst v63  }
0x22: {  	s11 =	simm.s32 $0x1328  }
0x23: {  	[tilespmem:s11], [sflag:$0x1] =	stream.linear.gather [hbm4b:s16+s5], $0x80, $0x38;
	[tilespmem:$0x5328] =	vst v63  }
0x24: {  	_ = 	snop  }
0x25: {  	[tilespmem:s25], [sflag:$0x1] =	stream.linear.gather [hbm4b:s17+s5], $0x180, $0x38;
	[tilespmem:$0x5328] =	vst v63  }
0x26: {  	s9 =	simm.s32 $0x100  }
0x27: {  	[tilespmem:s29], [sflag:$0x1] =	stream.strided.gather [hbm4b:s18+s26], $0x300, s9, s26, $0x38;
	[tilespmem:$0x5328] =	vst v63  }
0x28: {  	s10 =	simm.s32 $0x5228;
	s11 =	rddreg [dreg:$0x1]  }
0x29: {  	[tilespmem:s10], [sflag:$0x1] =	stream.linear.gather [hbm4b:s11+s5], $0x80, $0x38;
	[tilespmem:$0x5328] =	vst v63  }
0x2a: {  	[tilespmem:$0x5028] =	vst v0  }
0x2b: {  	[tilespmem:$0x50A8] =	vst v2  }
0x2c: {  	[tilespmem:$0x5128] =	vst v3  }
0x2d: {  	[tilespmem:$0x5038] =	vst v0  }
0x2e: {  	[tilespmem:$0x50B8] =	vst v2  }
0x2f: {  	[tilespmem:$0x5138] =	vst v3  }
0x30: {  	[tilespmem:$0x5048] =	vst v0  }
0x31: {  	[tilespmem:$0x50C8] =	vst v2  }
0x32: {  	[tilespmem:$0x5148] =	vst v3  }
0x33: {  	[tilespmem:$0x5058] =	vst v0  }
0x34: {  	[tilespmem:$0x50D8] =	vst v2  }
0x35: {  	[tilespmem:$0x5158] =	vst v3  }
0x36: {  	[tilespmem:$0x5068] =	vst v0  }
0x37: {  	[tilespmem:$0x50E8] =	vst v2  }
0x38: {  	[tilespmem:$0x5168] =	vst v3  }
0x39: {  	[tilespmem:$0x5078] =	vst v0  }
0x3a: {  	[tilespmem:$0x50F8] =	vst v2  }
0x3b: {  	[tilespmem:$0x5178] =	vst v3  }
0x3c: {  	[tilespmem:$0x5088] =	vst v0  }
0x3d: {  	[tilespmem:$0x5108] =	vst v2  }
0x3e: {  	[tilespmem:$0x5188] =	vst v3  }
0x3f: {  	[tilespmem:$0x5098] =	vst v0  }
0x40: {  	[tilespmem:$0x5118] =	vst v2  }
0x41: {  	[tilespmem:$0x5198] =	vst v3  }
0x42: {  	[tilespmem:$0x51A8] =	vst v4  }
0x43: {  	s9 =	simm.s32 $0x51A8;
	[tilespmem:$0x51B8] =	vst v4  }
0x44: {  	[spmem:s21] =	stream.linear.scatter [tilespmem:s9], [sflag:$0x2], $0x20, $0x38;
	[tilespmem:$0x5328] =	vst v63  }
0x45: {  	_ =	swait.ge [sflag:s0], $0x80  }
0x46: {  	[sflag:s0] =	ssyncset.done $0x0  }
0x47: {  	[sflag:s0] =	ssyncadd.s32 $0xFFFFFF80  }
0x48: {  	_ =	swait.ge [sflag:s0], $0x80  }
0x49: {  	[sflag:s0] =	ssyncset.done $0x0  }
0x4a: {  	[sflag:s0] =	ssyncadd.s32 $0xFFFFFF80  }
0x4b: {  	_ =	swait.ge [sflag:s0], $0x80  }
0x4c: {  	[sflag:s0] =	ssyncset.done $0x0  }
0x4d: {  	[sflag:s0] =	ssyncadd.s32 $0xFFFFFF80  }
0x4e: {  	_ =	swait.ge [sflag:s0], $0x80  }
0x4f: {  	[sflag:s0] =	ssyncset.done $0x0  }
0x50: {  	[sflag:s0] =	ssyncadd.s32 $0xFFFFFF80  }
0x51: {  	_ =	swait.ge [sflag:s0], $0x80  }
0x52: {  	[sflag:s0] =	ssyncset.done $0x0  }
0x53: {  	[sflag:s0] =	ssyncadd.s32 $0xFFFFFF80  }
0x54: {  	_ =	swait.ge [sflag:s0], $0x80  }
0x55: {  	[sflag:s0] =	ssyncset.done $0x0  }
0x56: {  	[sflag:s0] =	ssyncadd.s32 $0xFFFFFF80  }
0x57: {  	_ =	swait.ge [sflag:s0], $0x180  }
0x58: {  	[sflag:s0] =	ssyncset.done $0x0  }
0x59: {  	[sflag:s0] =	ssyncadd.s32 $0xFFFFFE80  }
0x5a: {  	_ =	swait.ge [sflag:s0], $0x300  }
0x5b: {  	[sflag:s0] =	ssyncset.done $0x0  }
0x5c: {  	[sflag:s0] =	ssyncadd.s32 $0xFFFFFD00  }
0x5d: {  	_ =	swait.ge [sflag:s0], $0x80  }
0x5e: {  	[sflag:s0] =	ssyncset.done $0x0  }
0x5f: {  	[sflag:s0] =	ssyncadd.s32 $0xFFFFFF80  }
0x60: {  	v8 =	vld [tilespmem:$0x1228]  }
0x61: {  	v9 =	vld [tilespmem:$0x1238]  }
0x62: {  	v10 =	vld [tilespmem:$0x1248]  }
0x63: {  	v11 =	vld [tilespmem:$0x1258]  }
0x64: {  	v12 =	vld [tilespmem:$0x1268]  }
0x65: {  	v13 =	vld [tilespmem:$0x1278];
	v8 =	vadd.s32 $0x100, v8  }
0x66: {  	[tilespmem:$0x1228] =	vst v8;
	v8 =	vadd.s32 $0x100, v9;
	v9 =	vld [tilespmem:$0x1288]  }
0x67: {  	[tilespmem:$0x1238] =	vst v8;
	v8 =	vadd.s32 $0x100, v10;
	v10 =	vld [tilespmem:$0x1298]  }
0x68: {  	[tilespmem:$0x1248] =	vst v8;
	v8 =	vadd.s32 $0x100, v11;
	v11 =	vld [tilespmem:$0x12A8]  }
0x69: {  	v57 =	vld [tilespmem:$0x12B8];
	[tilespmem:$0x1258] =	vst v8;
	v8 =	vadd.s32 $0x100, v12  }
0x6a: {  	v58 =	vld [tilespmem:$0x12C8];
	[tilespmem:$0x1268] =	vst v8;
	v8 =	vadd.s32 $0x100, v13  }
0x6b: {  	[tilespmem:$0x1278] =	vst v8;
	v8 =	vadd.s32 $0x100, v9;
	v9 =	vld [tilespmem:$0x12D8]  }
0x6c: {  	[tilespmem:$0x1288] =	vst v8;
	v8 =	vadd.s32 $0x100, v10;
	v10 =	vld [tilespmem:$0x12E8]  }
0x6d: {  	[tilespmem:$0x1298] =	vst v8;
	v8 =	vadd.s32 $0x100, v11;
	v11 =	vld [tilespmem:$0x12F8]  }
0x6e: {  	v59 =	vld [tilespmem:$0x1308];
	[tilespmem:$0x12A8] =	vst v8;
	v8 =	vadd.s32 $0x100, v57  }
0x6f: {  	v60 =	vld [tilespmem:$0x1318];
	[tilespmem:$0x12B8] =	vst v8;
	v8 =	vadd.s32 $0x100, v58  }
0x70: {  	[tilespmem:$0x12C8] =	vst v8;
	v8 =	vadd.s32 $0x100, v9;
	v9 =	vld [tilespmem:$0x1328]  }
0x71: {  	[tilespmem:$0x12D8] =	vst v8;
	v8 =	vadd.s32 $0x100, v10;
	v10 =	vld [tilespmem:$0x1338]  }
0x72: {  	[tilespmem:$0x12E8] =	vst v8;
	v8 =	vadd.s32 $0x100, v11;
	v11 =	vld [tilespmem:$0x1348]  }
0x73: {  	v61 =	vld [tilespmem:$0x1358];
	[tilespmem:$0x12F8] =	vst v8;
	v8 =	vadd.s32 $0x100, v59  }
0x74: {  	v14 =	vmov s5;
	v62 =	vld [tilespmem:$0x1368];
	[tilespmem:$0x1308] =	vst v8;
	v8 =	vadd.s32 $0x100, v60  }
0x75: {  	v14 =	vmul.u32 $0x3, v14;
	[tilespmem:$0x1318] =	vst v8;
	v8 =	vadd.s32 $0x100, v9;
	v9 =	vld [tilespmem:$0x1378]  }
0x76: {  	[tilespmem:$0x1328] =	vst v8;
	v8 =	vadd.s32 $0x100, v10;
	v10 =	vld [tilespmem:$0x1388]  }
0x77: {  	v14 =	vbroadcast v14, $0x0;
	[tilespmem:$0x1338] =	vst v8;
	v8 =	vadd.s32 $0x100, v11;
	v11 =	vld [tilespmem:$0x1398]  }
0x78: {  	[tilespmem:$0x1348] =	vst v8;
	v8 =	vadd.s32 $0x100, v61  }
0x79: {  	v63 =	vadd.s32 v1, v14;
	[tilespmem:$0x1358] =	vst v8;
	v8 =	vadd.s32 $0x100, v62  }
0x7a: {  	[tilespmem:$0x1368] =	vst v8;
	v8 =	vadd.s32 $0x100, v9;
	v9 =	vadd.s32 v5, v14  }
0x7b: {  	[tilespmem:$0x1378] =	vst v8;
	v8 =	vadd.s32 $0x100, v10  }
0x7c: {  	[tilespmem:$0x1388] =	vst v8;
	v8 =	vadd.s32 $0x100, v11  }
0x7d: {  	[tilespmem:$0x1398] =	vst v8  }
0x7e: {  	s10 =	simm.s32 $0x10;
	v8 =	vld.idx.msk [tilespmem:v63+s25+$0x0], $0xffff  }
0x7f: {  	v10 =	vmov s10;
	v9 =	vld.idx.msk [tilespmem:v9+s25+$0x0], $0xffff  }
0x80: {  	v10 =	vmul.u32 $0x3, v10;
	_ =	sdelay $0x1  }
0x81: {  	v10 =	vbroadcast v10, $0x0;
	_ =	sdelay $0x1  }
0x82: {  	v11 =	vadd.s32 v1, v10;
	vm6 =	vgt.s32 v8, v9  }
0x83: {  	s9 =	simm.s32 $0x19A8;
	v10 =	vadd.s32 v5, v10;
	v12 =	vsel vm6, v9, v8  }
0x84: {  	s8 =	simm.s32 $0x1AA8;
	v8 =	vsel vm6, v8, v9;
	[tilespmem:s9+$0x0] =	vst v12;
	v9 =	vshll.u32 v12, $0x8  }
0x85: {  	[tilespmem:s8+$0x0] =	vst v8;
	v8 =	vadd.s32 v8, v9  }
0x86: {  	[tilespmem:s24+$0x0] =	vst v8  }
0x87: {  	s11 =	simm.s32 $0x20;
	v8 =	vld.idx.msk [tilespmem:v11+s25+$0x0], $0xffff  }
0x88: {  	v11 =	vmov s11;
	v9 =	vld.idx.msk [tilespmem:v10+s25+$0x0], $0xffff  }
0x89: {  	s10 =	simm.s32 $0x30;
	s24 =	simm.s32 $0x18A8;
	v10 =	vmul.u32 $0x3, v11  }
.LBB2_2:
0x8a: {  	p1 =	sne.s32 s10, $0x70  }
0x8b: {  	v10 =	vbroadcast v10, $0x0;
	_ =	sdelay $0x1  }
0x8c: {  	vm6 =	vgt.s32 v8, v9;
	v11 =	vadd.s32 v1, v10  }
0x8d: {  	s9 =	sadd.s32 $0x10, s9;
	v10 =	vadd.s32 v5, v10;
	v12 =	vsel vm6, v9, v8  }
0x8e: {  	s8 =	sadd.s32 $0x10, s8;
	v8 =	vsel vm6, v8, v9;
	v9 =	vshll.u32 v12, $0x8;
	[tilespmem:s9+$0x0] =	vst v12  }
0x8f: {  	s24 =	sadd.s32 $0x10, s24;
	[tilespmem:s8+$0x0] =	vst v8;
	v8 =	vadd.s32 v8, v9  }
.Ltmp0:
0x90: {  	[tilespmem:s24+$0x0] =	vst v8;
	(pc) =	sbr.rel @p1 .LBB2_2-.Ltmp0, $4  }
0x91: {  	v8 =	vld.idx.msk [tilespmem:v11+s25+$0x0], $0xffff  }
0x92: {  	v9 =	vld.idx.msk [tilespmem:v10+s25+$0x0], $0xffff  }
0x93: {  	v10 =	vmov s10  }
0x94: {  	s10 =	sadd.s32 $0x10, s10;
	v10 =	vmul.u32 $0x3, v10  }
0x95: {  	_ = 	snop  }
0x96: {  	v10 =	vbroadcast v10, $0x0;
	_ =	sdelay $0x1  }
0x97: {  	vm6 =	vgt.s32 v8, v9;
	v11 =	vadd.s32 v1, v10  }
0x98: {  	s9 =	sadd.s32 $0x10, s9;
	v10 =	vadd.s32 v5, v10;
	v12 =	vsel vm6, v9, v8  }
0x99: {  	s8 =	sadd.s32 $0x10, s8;
	v8 =	vsel vm6, v8, v9;
	[tilespmem:s9+$0x0] =	vst v12;
	v9 =	vshll.u32 v12, $0x8  }
0x9a: {  	s10 =	sadd.s32 $0x10, s24;
	[tilespmem:s8+$0x0] =	vst v8;
	v8 =	vadd.s32 v8, v9  }
0x9b: {  	[tilespmem:s10+$0x0] =	vst v8  }
0x9c: {  	s11 =	simm.s32 $0x0;
	v8 =	vld.idx.msk [tilespmem:v11+s25+$0x0], $0xffff  }
0x9d: {  	v9 =	vld.idx.msk [tilespmem:v10+s25+$0x0], $0xffff;
	v10 =	vmov s11  }
0x9e: {  	v10 =	vmul.u32 $0x3, v10;
	_ =	sdelay $0x1  }
0x9f: {  	v10 =	vbroadcast v10, $0x0;
	_ =	sdelay $0x1  }
0xa0: {  	vm6 =	vgt.s32 v8, v9;
	v11 =	vadd.s32 v5, v10  }
0xa1: {  	s9 =	sadd.s32 $0x10, s9;
	v10 =	vadd.s32 v6, v10;
	v62 =	vsel vm6, v9, v8  }
0xa2: {  	s8 =	sadd.s32 $0x10, s8;
	v8 =	vsel vm6, v8, v9;
	[tilespmem:s9+$0x0] =	vst v62;
	v9 =	vshll.u32 v62, $0x8  }
0xa3: {  	s9 =	sadd.s32 $0x10, s10;
	[tilespmem:s8+$0x0] =	vst v8;
	v8 =	vadd.s32 v8, v9  }
0xa4: {  	[tilespmem:s9+$0x0] =	vst v8  }
0xa5: {  	s10 =	simm.s32 $0x10;
	v8 =	vld.idx.msk [tilespmem:v11+s25+$0x0], $0xffff  }
0xa6: {  	v9 =	vld.idx.msk [tilespmem:v10+s25+$0x0], $0xffff;
	v10 =	vmov s10  }
0xa7: {  	v10 =	vmul.u32 $0x3, v10;
	_ =	sdelay $0x1  }
0xa8: {  	v10 =	vbroadcast v10, $0x0;
	_ =	sdelay $0x1  }
0xa9: {  	v11 =	vadd.s32 v5, v10;
	vm6 =	vgt.s32 v8, v9  }
0xaa: {  	s9 =	simm.s32 $0x1A28;
	v10 =	vadd.s32 v6, v10;
	v63 =	vsel vm6, v9, v8  }
0xab: {  	s8 =	simm.s32 $0x1B28;
	v8 =	vsel vm6, v8, v9;
	[tilespmem:s9+$0x0] =	vst v63;
	v9 =	vshll.u32 v63, $0x8  }
0xac: {  	s24 =	simm.s32 $0x1928;
	[tilespmem:s8+$0x0] =	vst v8;
	v8 =	vadd.s32 v8, v9  }
0xad: {  	[tilespmem:s24+$0x0] =	vst v8  }
0xae: {  	s11 =	simm.s32 $0x20;
	v8 =	vld.idx.msk [tilespmem:v11+s25+$0x0], $0xffff  }
0xaf: {  	v11 =	vmov s11;
	v9 =	vld.idx.msk [tilespmem:v10+s25+$0x0], $0xffff  }
0xb0: {  	s10 =	simm.s32 $0x30;
	v10 =	vmul.u32 $0x3, v11  }
.LBB2_4:
0xb1: {  	p1 =	sne.s32 s10, $0x70  }
0xb2: {  	v10 =	vbroadcast v10, $0x0;
	_ =	sdelay $0x1  }
0xb3: {  	vm6 =	vgt.s32 v8, v9;
	v11 =	vadd.s32 v5, v10  }
0xb4: {  	s9 =	sadd.s32 $0x10, s9;
	v10 =	vadd.s32 v6, v10;
	v12 =	vsel vm6, v9, v8  }
0xb5: {  	s8 =	sadd.s32 $0x10, s8;
	v8 =	vsel vm6, v8, v9;
	v9 =	vshll.u32 v12, $0x8;
	[tilespmem:s9+$0x0] =	vst v12  }
0xb6: {  	s24 =	sadd.s32 $0x10, s24;
	[tilespmem:s8+$0x0] =	vst v8;
	v8 =	vadd.s32 v8, v9  }
.Ltmp1:
0xb7: {  	[tilespmem:s24+$0x0] =	vst v8;
	(pc) =	sbr.rel @p1 .LBB2_4-.Ltmp1, $4  }
0xb8: {  	v8 =	vld.idx.msk [tilespmem:v11+s25+$0x0], $0xffff  }
0xb9: {  	v9 =	vld.idx.msk [tilespmem:v10+s25+$0x0], $0xffff  }
0xba: {  	v10 =	vmov s10  }
0xbb: {  	s10 =	sadd.s32 $0x10, s10;
	v10 =	vmul.u32 $0x3, v10  }
0xbc: {  	_ = 	snop  }
0xbd: {  	v10 =	vbroadcast v10, $0x0;
	_ =	sdelay $0x1  }
0xbe: {  	vm6 =	vgt.s32 v8, v9;
	v11 =	vadd.s32 v5, v10  }
0xbf: {  	s9 =	sadd.s32 $0x10, s9;
	v10 =	vadd.s32 v6, v10;
	v12 =	vsel vm6, v9, v8  }
0xc0: {  	s8 =	sadd.s32 $0x10, s8;
	v8 =	vsel vm6, v8, v9;
	[tilespmem:s9+$0x0] =	vst v12;
	v61 =	vshll.u32 v12, $0x8  }
0xc1: {  	s10 =	sadd.s32 $0x10, s24;
	[tilespmem:s8+$0x0] =	vst v8;
	v8 =	vadd.s32 v8, v61  }
0xc2: {  	[tilespmem:s10+$0x0] =	vst v8  }
0xc3: {  	v8 =	vld.idx.msk [tilespmem:v11+s25+$0x0], $0xffff  }
0xc4: {  	v62 =	vld.idx.msk [tilespmem:v10+s25+$0x0], $0xffff;
	_ =	sdelay $0x4  }
0xc5: {  	vm6 =	vgt.s32 v8, v62  }
0xc6: {  	s9 =	sadd.s32 $0x10, s9;
	v10 =	vsel vm6, v62, v8  }
0xc7: {  	s8 =	sadd.s32 $0x10, s8;
	v8 =	vsel vm6, v8, v62;
	[tilespmem:s9+$0x0] =	vst v10;
	v63 =	vshll.u32 v10, $0x8  }
.Ltmp2:
0xc8: {  	s10 =	sadd.s32 $0x10, s10;
	[tilespmem:s8+$0x0] =	vst v8;
	v8 =	vadd.s32 v8, v63;
	(pc) =	sbr.rel @p0 .LBB2_15-.Ltmp2, $4  }
0xc9: {  	s11 =	simm.s32 $0x5028;
	s9 =	simm.s32 $0x18A8;
	[tilespmem:s10+$0x0] =	vst v8  }
0xca: {  	[spmem:s3] =	stream.indirect.scatter [tilespmem:s11], [sflag:$0x2], $0x1, s9, s26, $0xb8;
	[tilespmem:$0x5328] =	vst v63  }
0xcb: {  	s24 =	simm.s32 $0x1928  }
0xcc: {  	[spmem:s3] =	stream.indirect.scatter [tilespmem:s11], [sflag:$0x2], $0x1, s24, s26, $0xb8;
	[tilespmem:$0x5328] =	vst v63  }
0xcd: {  	s8 =	simm.s32 $0x3  }
0xce: {  	_ =	swait.ge [sflag:s8], $0x1800  }
0xcf: {  	[sflag:s8] =	ssyncset.done $0x0  }
0xd0: {  	[sflag:s8] =	ssyncadd.s32 $0xFFFFE800  }
0xd1: {  	_ =	swait.ge [sflag:s8], $0x1800  }
0xd2: {  	[sflag:s8] =	ssyncset.done $0x0  }
0xd3: {  	[sflag:s8] =	ssyncadd.s32 $0xFFFFE800  }
0xd4: {  	s1 =	smov.u32 s30;
	v8 =	vld [tilespmem:$0x1F28]  }
0xd5: {  	s30 =	smov.u32 s7;
	s7 =	smov.u32 s31;
	s31 =	smov.u32 s6  }
0xd6: {  	s6 =	smov.u32 s21;
	s21 =	smov.u32 s18;
	s18 =	smov.u32 s17  }
0xd7: {  	s17 =	smov.u32 s16;
	s16 =	smov.u32 s15;
	s15 =	smov.u32 s14  }
0xd8: {  	s14 =	smov.u32 s28;
	s28 =	smov.u32 s13;
	s13 =	smov.u32 s12  }
0xd9: {  	s10 =	simm.s32 $0x0;
	s9 =	simm.s32 $0x80000000;
	s8 =	simm.s32 $0x1F28;
	v10 =	vbroadcast v8, $0x0  }
.LBB2_7:
0xda: {  	v9 =	vld [tilespmem:s8+$0x0];
	_ =	sdelay $0x4  }
0xdb: {  	vm6 =	veq.s32 v9, v10  }
0xdc: {  	v9 =	vsel vm6, $0x80000010, v7  }
0xdd: {  	(xrf0) =	vmin.scan.msk.u32 $0xffff, v9;
	_ =	sdelay $0x5  }
0xde: {  	v9, _, _ =	vpop (xrf0)  }
0xdf: {  	(v2sf) =	vpush v9, $0xF;
	_ =	sdelay $0xe  }
0xe0: {  	s24 =	spop (v2sf)  }
0xe1: {  	s11 =	sxor.u32 $0x80000000, s24  }
0xe2: {  	s24 =	sadd.s32 s9, s24;
	p1 =	slt.s32 s11, $0x10  }
0xe3: {  	s24 =	simm.s32 @!p1 $0xFFFFFFFF;
	p1 =	sgt.u32 s10, $0x17E  }
0xe4: {  	p2 =	slt.s32 @!p1 s24, $0x0  }
0xe5: {  	p1 =	por p1, !p2  }
.Ltmp3:
0xe6: {  	_ = 	snop;
	(pc) =	sbr.rel @!p1 .LBB2_7-.Ltmp3, $2  }
0xe7: {  	_ =	sdelay $0x2  }
0xe8: {  	s8 =	sadd.s32 $0x10, s8;
	s9 =	sadd.s32 $0x10, s9;
	s10 =	sadd.s32 $0x1, s10  }
0xe9: {  	p1 =	sgt.s32 s24, $0x0  }
0xea: {  	s24 =	simm.s32 @!p1 $0x0  }
0xeb: {  	s10 =	simm.s32 $0x0;
	s8 =	simm.s32 $0x1F28;
	s9 =	simm.s32 $0x80000000;
	v9 =	vld.msk [tilespmem:s24+$0x1F28 ss:$0x0], $0xffff  }
.LBB2_9:
0xec: {  	v11 =	vld [tilespmem:s8+$0x0];
	_ =	sdelay $0x4  }
0xed: {  	vm6 =	vne.s32 v11, v10;
	vm7 =	vne.s32 v11, v9  }
0xee: {  	vm6 =	vmand vm6, vm7  }
0xef: {  	v11 =	vnsel vm6, $0x80000010, v7  }
0xf0: {  	(xrf0) =	vmin.scan.msk.u32 $0xffff, v11;
	_ =	sdelay $0x5  }
0xf1: {  	v11, _, _ =	vpop (xrf0)  }
0xf2: {  	(v2sf) =	vpush v11, $0xF;
	_ =	sdelay $0xe  }
0xf3: {  	s11 =	spop (v2sf)  }
0xf4: {  	s24 =	sxor.u32 $0x80000000, s11  }
0xf5: {  	p1 =	slt.s32 s24, $0x10;
	s24 =	sadd.s32 s9, s11  }
0xf6: {  	s24 =	simm.s32 @!p1 $0xFFFFFFFF;
	p1 =	sgt.u32 s10, $0x17E  }
0xf7: {  	p2 =	slt.s32 @!p1 s24, $0x0  }
0xf8: {  	p1 =	por p1, !p2  }
.Ltmp4:
0xf9: {  	_ = 	snop;
	(pc) =	sbr.rel @!p1 .LBB2_9-.Ltmp4, $2  }
0xfa: {  	_ =	sdelay $0x2  }
0xfb: {  	s8 =	sadd.s32 $0x10, s8;
	s9 =	sadd.s32 $0x10, s9;
	s10 =	sadd.s32 $0x1, s10  }
0xfc: {  	p1 =	sgt.s32 s24, $0x0  }
0xfd: {  	v10 =	vld.msk [tilespmem:$0x37A8 ss:$0x0], $0xffff;
	s24 =	simm.s32 @!p1 $0x0  }
0xfe: {  	s10 =	simm.s32 $0x0;
	s8 =	simm.s32 $0x37A8;
	s9 =	simm.s32 $0x80000000;
	v11 =	vld [tilespmem:s24+$0x1F28]  }
.LBB2_11:
0xff: {  	v12 =	vld [tilespmem:s8+$0x0];
	_ =	sdelay $0x4  }
0x100: {  	vm6 =	veq.s32 v12, v10  }
0x101: {  	v12 =	vsel vm6, $0x80000010, v7  }
0x102: {  	(xrf0) =	vmin.scan.msk.u32 $0xffff, v12;
	_ =	sdelay $0x5  }
0x103: {  	v12, _, _ =	vpop (xrf0)  }
0x104: {  	(v2sf) =	vpush v12, $0xF;
	_ =	sdelay $0xe  }
0x105: {  	s11 =	spop (v2sf)  }
0x106: {  	s24 =	sxor.u32 $0x80000000, s11  }
0x107: {  	p1 =	slt.s32 s24, $0x10;
	s24 =	sadd.s32 s9, s11  }
0x108: {  	s24 =	simm.s32 @!p1 $0xFFFFFFFF;
	p1 =	sgt.u32 s10, $0x17E  }
0x109: {  	p2 =	slt.s32 @!p1 s24, $0x0  }
0x10a: {  	p1 =	por p1, !p2  }
.Ltmp5:
0x10b: {  	_ = 	snop;
	(pc) =	sbr.rel @!p1 .LBB2_11-.Ltmp5, $2  }
0x10c: {  	_ =	sdelay $0x2  }
0x10d: {  	s8 =	sadd.s32 $0x10, s8;
	s9 =	sadd.s32 $0x10, s9;
	s10 =	sadd.s32 $0x1, s10  }
0x10e: {  	p1 =	sgt.s32 s24, $0x0  }
0x10f: {  	s24 =	simm.s32 @!p1 $0x0  }
0x110: {  	s10 =	simm.s32 $0x0;
	s8 =	simm.s32 $0x37A8;
	s9 =	simm.s32 $0x80000000;
	v12 =	vld.msk [tilespmem:s24+$0x37A8 ss:$0x0], $0xffff  }
.LBB2_13:
0x111: {  	v13 =	vld [tilespmem:s8+$0x0];
	_ =	sdelay $0x4  }
0x112: {  	vm6 =	vne.s32 v13, v10;
	vm7 =	vne.s32 v13, v12  }
0x113: {  	vm6 =	vmand vm6, vm7  }
0x114: {  	v13 =	vnsel vm6, $0x80000010, v7  }
0x115: {  	(xrf0) =	vmin.scan.msk.u32 $0xffff, v13;
	_ =	sdelay $0x5  }
0x116: {  	v13, _, _ =	vpop (xrf0)  }
0x117: {  	(v2sf) =	vpush v13, $0xF;
	_ =	sdelay $0xe  }
0x118: {  	s11 =	spop (v2sf)  }
0x119: {  	s24 =	sxor.u32 $0x80000000, s11  }
0x11a: {  	p1 =	slt.s32 s24, $0x10;
	s24 =	sadd.s32 s9, s11  }
0x11b: {  	s24 =	simm.s32 @!p1 $0xFFFFFFFF;
	p1 =	sgt.u32 s10, $0x17E  }
0x11c: {  	p2 =	slt.s32 @!p1 s24, $0x0  }
0x11d: {  	p1 =	por p1, !p2  }
.Ltmp6:
0x11e: {  	_ = 	snop;
	(pc) =	sbr.rel @!p1 .LBB2_13-.Ltmp6, $2  }
0x11f: {  	_ =	sdelay $0x2  }
0x120: {  	s8 =	sadd.s32 $0x10, s8;
	s9 =	sadd.s32 $0x10, s9;
	s10 =	sadd.s32 $0x1, s10  }
0x121: {  	p1 =	sgt.s32 s24, $0x0  }
0x122: {  	s24 =	simm.s32 @!p1 $0x0  }
0x123: {  	v11 =	vbroadcast v11, $0x0;
	v8 =	vnsel vm0, $0x0, v8;
	v13 =	vld.msk [tilespmem:s24+$0x37A8 ss:$0x0], $0xffff  }
0x124: {  	v8 =	vsel vm1, v8, v9  }
0x125: {  	v8 =	vsel vm2, v8, v11  }
0x126: {  	s8 =	rddreg [dreg:$0x4];
	s9 =	simm.s32 $0x1EA8;
	s12 =	smov.u32 s13;
	v8 =	vsel vm3, v8, v10  }
0x127: {  	s13 =	smov.u32 s28;
	s28 =	smov.u32 s14;
	s14 =	smov.u32 s15;
	v8 =	vsel vm4, v8, v12  }
0x128: {  	s15 =	smov.u32 s16;
	s16 =	smov.u32 s17;
	s17 =	smov.u32 s18;
	v8 =	vsel vm5, v8, v13  }
0x129: {  	s18 =	smov.u32 s21;
	s21 =	smov.u32 s6;
	s6 =	smov.u32 s31;
	[tilespmem:$0x1EA8] =	vst v8  }
0x12a: {  	[spmem:s8] =	stream.linear.scatter [tilespmem:s9], [sflag:$0x4], $0x80, $0x38;
	[tilespmem:$0x5328] =	vst v63  }
0x12b: {  	s31 =	smov.u32 s7;
	s7 =	smov.u32 s30;
	_ =	swait.ge [sflag:s4], $0x80  }
0x12c: {  	s30 =	smov.u32 s1;
	s1 =	simm.s32 $0x1028;
	[sflag:s4] =	ssyncset.done $0x0  }
0x12d: {  	s24 =	simm.s32 $0x1928;
	s9 =	simm.s32 $0x18A8;
	[sflag:s4] =	ssyncadd.s32 $0xFFFFFF80  }
.LBB2_15:
0x12e: {  	_ =	swait.ge [sflag:s19], $0x20  }
0x12f: {  	[sflag:s19] =	ssyncset.done $0x0  }
0x130: {  	[sflag:s19] =	ssyncadd.s32 $0xFFFFFFE0  }
0x131: {  	_ =	swait.ge [sflag:s19], $0x80  }
0x132: {  	[sflag:s19] =	ssyncset.done $0x0  }
0x133: {  	[sflag:s19] =	ssyncadd.s32 $0xFFFFFF80  }
0x134: {  	_ =	swait.ge [sflag:s19], $0x80  }
0x135: {  	[sflag:s19] =	ssyncset.done $0x0  }
0x136: {  	[sflag:s19] =	ssyncadd.s32 $0xFFFFFF80  }
0x137: {  	[bflag:$0x0] =	sbarrier.arrive $0xFFFF  }
0x138: {  	[spmem:s2] =	stream.indirect.scatter [tilespmem:s20], [sflag:$0x1], $0x1, s1, s26, $0xb8;
	[tilespmem:$0x5328] =	vst v63  }
0x139: {  	s10 =	simm.s32 $0x1228  }
0x13a: {  	[spmem:s2] =	stream.indirect.scatter [tilespmem:s20], [sflag:$0x1], $0x1, s10, s26, $0xb8;
	[tilespmem:$0x5328] =	vst v63  }
0x13b: {  	s8 =	simm.s32 $0x10A8  }
0x13c: {  	[spmem:s2] =	stream.indirect.scatter [tilespmem:s20], [sflag:$0x1], $0x1, s8, s26, $0xb8;
	[tilespmem:$0x5328] =	vst v63  }
0x13d: {  	s11 =	simm.s32 $0x12A8  }
0x13e: {  	[spmem:s2] =	stream.indirect.scatter [tilespmem:s20], [sflag:$0x1], $0x1, s11, s26, $0xb8;
	[tilespmem:$0x5328] =	vst v63  }
0x13f: {  	s11 =	simm.s32 $0x1128  }
0x140: {  	[spmem:s2] =	stream.indirect.scatter [tilespmem:s20], [sflag:$0x1], $0x1, s11, s26, $0xb8;
	[tilespmem:$0x5328] =	vst v63  }
0x141: {  	s11 =	simm.s32 $0x1328  }
0x142: {  	[spmem:s2] =	stream.indirect.scatter [tilespmem:s20], [sflag:$0x1], $0x1, s11, s26, $0xb8;
	[tilespmem:$0x5328] =	vst v63  }
0x143: {  	s11 =	simm.s32 $0x50A8  }
0x144: {  	[spmem:s3] =	stream.indirect.scatter.add.f32 [tilespmem:s11], [sflag:$0x1], $0x1, s9, s26, $0xb8;
	[tilespmem:$0x5328] =	vst v63  }
0x145: {  	_ = 	snop  }
0x146: {  	[spmem:s3] =	stream.indirect.scatter.add.f32 [tilespmem:s11], [sflag:$0x1], $0x1, s24, s26, $0xb8;
	[tilespmem:$0x5328] =	vst v63  }
0x147: {  	_ =	swait.ge [sflag:s0], $0x80  }
0x148: {  	[sflag:s0] =	ssyncset.done $0x0  }
0x149: {  	[sflag:s0] =	ssyncadd.s32 $0xFFFFFF80  }
0x14a: {  	_ =	swait.ge [sflag:s0], $0x80  }
0x14b: {  	[sflag:s0] =	ssyncset.done $0x0  }
0x14c: {  	[sflag:s0] =	ssyncadd.s32 $0xFFFFFF80  }
0x14d: {  	_ =	swait.ge [sflag:s0], $0x80  }
0x14e: {  	[sflag:s0] =	ssyncset.done $0x0  }
0x14f: {  	[sflag:s0] =	ssyncadd.s32 $0xFFFFFF80  }
0x150: {  	_ =	swait.ge [sflag:s0], $0x80  }
0x151: {  	[sflag:s0] =	ssyncset.done $0x0  }
0x152: {  	[sflag:s0] =	ssyncadd.s32 $0xFFFFFF80  }
0x153: {  	_ =	swait.ge [sflag:s0], $0x80  }
0x154: {  	[sflag:s0] =	ssyncset.done $0x0  }
0x155: {  	[sflag:s0] =	ssyncadd.s32 $0xFFFFFF80  }
0x156: {  	_ =	swait.ge [sflag:s0], $0x80  }
0x157: {  	[sflag:s0] =	ssyncset.done $0x0  }
0x158: {  	[sflag:s0] =	ssyncadd.s32 $0xFFFFFF80  }
0x159: {  	_ =	swait.ge [sflag:s0], $0x80  }
0x15a: {  	[sflag:s0] =	ssyncset.done $0x0  }
0x15b: {  	[sflag:s0] =	ssyncadd.s32 $0xFFFFFF80  }
0x15c: {  	_ =	swait.ge [sflag:s0], $0x80  }
0x15d: {  	[sflag:s0] =	ssyncset.done $0x0  }
0x15e: {  	[sflag:s0] =	ssyncadd.s32 $0xFFFFFF80  }
0x15f: {  	[bflag:$0x0] =	sbarrier.arrive $0xFFFF  }
0x160: {  	[tilespmem:s22], [sflag:$0x1] =	stream.linear.gather [spmem:s2], $0x200, $0x38;
	[tilespmem:$0x5328] =	vst v63  }
0x161: {  	s11 =	simm.s32 $0x1EA8;
	s8 =	rddreg [dreg:$0x4]  }
0x162: {  	[tilespmem:s11], [sflag:$0x1] =	stream.linear.gather [spmem:s8], $0x80, $0x38;
	[tilespmem:$0x5328] =	vst v63  }
0x163: {  	s11 =	simm.s32 $0x1BA8  }
0x164: {  	[tilespmem:s11], [sflag:$0x1] =	stream.indirect.gather [spmem:s3], $0x1, s9, s26, $0xb8;
	[tilespmem:$0x5328] =	vst v63  }
0x165: {  	s9 =	simm.s32 $0x1C28  }
0x166: {  	[tilespmem:s9], [sflag:$0x1] =	stream.indirect.gather [spmem:s3], $0x1, s24, s26, $0xb8;
	[tilespmem:$0x5328] =	vst v63  }
0x167: {  	_ =	swait.ge [sflag:s0], $0x200  }
0x168: {  	[sflag:s0] =	ssyncset.done $0x0  }
0x169: {  	[sflag:s0] =	ssyncadd.s32 $0xFFFFFE00  }
0x16a: {  	_ =	swait.ge [sflag:s0], $0x80  }
0x16b: {  	[sflag:s0] =	ssyncset.done $0x0  }
0x16c: {  	[sflag:s0] =	ssyncadd.s32 $0xFFFFFF80  }
0x16d: {  	_ =	swait.ge [sflag:s0], $0x80  }
0x16e: {  	[sflag:s0] =	ssyncset.done $0x0  }
0x16f: {  	[sflag:s0] =	ssyncadd.s32 $0xFFFFFF80  }
0x170: {  	_ =	swait.ge [sflag:s0], $0x80  }
0x171: {  	[sflag:s0] =	ssyncset.done $0x0  }
0x172: {  	s11 =	simm.s32 $0x0;
	[sflag:s0] =	ssyncadd.s32 $0xFFFFFF80  }
0x173: {  	v8 =	vld [tilespmem:s11+$0x19A8]  }
0x174: {  	v9 =	vld [tilespmem:s11+$0x1AA8]  }
0x175: {  	v10 =	vld [tilespmem:$0x1EA8];
	_ =	sdelay $0x2  }
0x176: {  	v11 =	vadd.s32 $0x100, v8  }
0x177: {  	v12 =	vadd.s32 $0x100, v9  }
0x178: {  	v13 =	vbroadcast v10, $0x0;
	v17 =	vbroadcast v10, $0x1  }
0x179: {  	v18 =	vbroadcast v10, $0x2;
	v19 =	vbroadcast v10, $0x3  }
0x17a: {  	v22 =	vbroadcast v10, $0x4;
	v23 =	vbroadcast v10, $0x5;
	v10 =	vld.idx.msk [tilespmem:v8+s22+$0x0], $0xffff  }
0x17b: {  	v14 =	vmul.u32 $0x3, v8;
	v15 =	vmul.u32 $0x3, v9;
	vm6 =	vne.s32 v8, v13;
	v11 =	vld.idx.msk [tilespmem:v11+s22+$0x0], $0xffff  }
0x17c: {  	vm7 =	vne.s32 v9, v13;
	vm8 =	vne.s32 v8, v17;
	vm9 =	vne.s32 v9, v17;
	v12 =	vld.idx.msk [tilespmem:v12+s22+$0x0], $0xffff  }
0x17d: {  	vm10 =	vne.s32 v8, v19;
	vm11 =	vne.s32 v9, v19;
	vm12 =	vne.s32 v8, v22;
	v8 =	vld.idx.msk [tilespmem:v9+s22+$0x0], $0xffff  }
0x17e: {  	vm13 =	vne.s32 v9, v22;
	v16 =	vadd.s32 $0x1, v15;
	vm6 =	vmand vm6, vm7  }
0x17f: {  	vm7 =	vmand vm8, vm9;
	vm8 =	vmand vm10, vm11;
	vm9 =	vmand vm12, vm13  }
0x180: {  	v9 =	vadd.s32 $0x1, v14;
	v20 =	vsel vm9, v22, v23;
	v21 =	vsel vm7, v17, v18  }
0x181: {  	v20 =	vsel vm8, v19, v20;
	vm7 =	vgt.s32 v11, $0x0;
	vm8 =	vgt.s32 v12, $0x0  }
0x182: {  	vm9 =	vgt.s32 v10, $0x0;
	vm10 =	vgt.s32 v8, $0x0;
	vm7 =	vmand vm7, vm8  }
0x183: {  	v8 =	vsel vm6, v13, v21;
	vm8 =	vmand vm9, vm10;
	v10 =	vnsel vm7, $0x0, v20  }
0x184: {  	v11 =	vadd.s32 $0x2, v14;
	v8 =	vsel vm8, v8, v10  }
0x185: {  	v16 =	vld.idx.msk [tilespmem:v16+s29+$0x0], $0xffff;
	v10 =	vadd.s32 $0x2, v15;
	v8 =	vmul.u32 $0x3, v8  }
0x186: {  	v12 =	vld.idx.msk [tilespmem:v14+s29+$0x0], $0xffff;
	v14 =	vmul.u32 $0x3, v20  }
0x187: {  	v9 =	vld.idx.msk [tilespmem:v9+s29+$0x0], $0xffff;
	vm6 =	vmand vm8, vm7;
	v20 =	vadd.s32 $0x1, v8  }
0x188: {  	v15 =	vld.idx.msk [tilespmem:v15+s29+$0x0], $0xffff;
	v14 =	vnsel vm6, $0x0, v14  }
0x189: {  	v11 =	vld.idx.msk [tilespmem:v11+s29+$0x0], $0xffff;
	v21 =	vadd.s32 $0x2, v8  }
0x18a: {  	v24 =	vadd.s32 $0x1, v14;
	v10 =	vld.idx.msk [tilespmem:v10+s29+$0x0], $0xffff  }
0x18b: {  	v8 =	vld.idx.msk [tilespmem:v8+s29+$0x0], $0xffff  }
0x18c: {  	v25 =	vadd.s32 $0x2, v14;
	v20 =	vld.idx.msk [tilespmem:v20+s29+$0x0], $0xffff  }
0x18d: {  	v14 =	vld.idx.msk [tilespmem:v14+s29+$0x0], $0xffff  }
0x18e: {  	v34 =	vsub.f32 v16, v9;
	v35 =	vsub.f32 v15, v12;
	v15 =	vld.idx.msk [tilespmem:v21+s29+$0x0], $0xffff  }
0x18f: {  	v16 =	vld.idx.msk [tilespmem:v24+s29+$0x0], $0xffff  }
0x190: {  	v21 =	vmul.f32 v34, v34;
	v40 =	vsub.f32 v10, v11;
	v10 =	vmul.f32 v35, v35  }
0x191: {  	v24 =	vld.idx.msk [tilespmem:v25+s29+$0x0], $0xffff;
	v33 =	vsub.f32 v8, v12;
	v31 =	vsub.f32 v20, v9  }
0x192: {  	v10 =	vadd.f32 v21, v10;
	v20 =	vmul.f32 v40, v40  }
0x193: {  	v8 =	vld [tilespmem:$0x5228];
	v32 =	vsub.f32 v15, v11;
	v15 =	vmul.f32 v33, v33;
	v21 =	vmul.f32 v31, v31  }
0x194: {  	v37 =	vsub.f32 v14, v12;
	v36 =	vsub.f32 v16, v9  }
0x195: {  	v9 =	vadd.f32 v20, v10;
	v12 =	vmul.f32 v32, v32;
	v10 =	vadd.f32 v21, v15  }
0x196: {  	v38 =	vsub.f32 v24, v11;
	v11 =	vmul.f32 v37, v37;
	v14 =	vmul.f32 v36, v36  }
0x197: {  	v10 =	vadd.f32 v12, v10  }
0x198: {  	v11 =	vadd.f32 v14, v11;
	v21 =	vadd.f32 v9, v8;
	v9 =	vmul.f32 v38, v38  }
0x199: {  	v10 =	vadd.f32 v10, v8  }
0x19a: {  	v12 =	vshra.s32 v21, $0x1;
	v9 =	vadd.f32 v9, v11  }
0x19b: {  	v11 =	vmul.f32 $5.000000000e-01, v21;
	v14 =	vshra.s32 v10, $0x1;
	v15 =	vmul.f32 $5.000000000e-01, v10  }
0x19c: {  	v12 =	vsub.s32 $0x5F3759DF, v12;
	v9 =	vadd.f32 v9, v8;
	v14 =	vsub.s32 $0x5F3759DF, v14  }
0x19d: {  	v16 =	vmul.f32 v12, v11;
	v20 =	vmul.f32 v14, v15  }
0x19e: {  	v24 =	vmul.f32 $5.000000000e-01, v9;
	v25 =	vshra.s32 v9, $0x1  }
0x19f: {  	v16 =	vmul.f32 v12, v16;
	v25 =	vsub.s32 $0x5F3759DF, v25;
	v20 =	vmul.f32 v14, v20  }
0x1a0: {  	v26 =	vmul.f32 v25, v24  }
0x1a1: {  	v16 =	vsub.f32 $1.500000000e+00, v16;
	v20 =	vsub.f32 $1.500000000e+00, v20  }
0x1a2: {  	v26 =	vmul.f32 v25, v26  }
0x1a3: {  	v12 =	vmul.f32 v12, v16;
	v14 =	vmul.f32 v14, v20  }
0x1a4: {  	v16 =	vsub.f32 $1.500000000e+00, v26  }
0x1a5: {  	v20 =	vmul.f32 v12, v11;
	v26 =	vmul.f32 v14, v15  }
0x1a6: {  	v16 =	vmul.f32 v25, v16  }
0x1a7: {  	s24 =	simm.s32 $0x10;
	v20 =	vmul.f32 v20, v12;
	v25 =	vmul.f32 v26, v14  }
0x1a8: {  	v27 =	vld [tilespmem:s24+$0x19A8];
	v26 =	vmul.f32 v16, v24  }
0x1a9: {  	v28 =	vld [tilespmem:s24+$0x1AA8];
	v20 =	vsub.f32 $1.500000000e+00, v20;
	v25 =	vsub.f32 $1.500000000e+00, v25  }
0x1aa: {  	v26 =	vmul.f32 v26, v16  }
0x1ab: {  	v12 =	vmul.f32 v20, v12;
	v14 =	vmul.f32 v25, v14  }
0x1ac: {  	v20 =	vsub.f32 $1.500000000e+00, v26  }
0x1ad: {  	v11 =	vmul.f32 v12, v11;
	v15 =	vmul.f32 v14, v15  }
0x1ae: {  	vm11 =	vne.s32 v28, v19;
	vm12 =	vne.s32 v27, v22;
	v16 =	vmul.f32 v20, v16  }
0x1af: {  	vm13 =	vne.s32 v28, v22;
	v11 =	vmul.f32 v11, v12;
	v15 =	vmul.f32 v15, v14  }
0x1b0: {  	vm9 =	vne.s32 v28, v17;
	v26 =	vadd.s32 $0x100, v27;
	v24 =	vmul.f32 v16, v24  }
0x1b1: {  	vm7 =	vne.s32 v28, v13;
	v11 =	vsub.f32 $1.500000000e+00, v11;
	v15 =	vsub.f32 $1.500000000e+00, v15  }
0x1b2: {  	vm6 =	vne.s32 v27, v13;
	vm8 =	vne.s32 v27, v17;
	v24 =	vmul.f32 v24, v16  }
0x1b3: {  	v11 =	vmul.f32 v11, v12;
	v12 =	vmul.f32 v15, v14;
	v14 =	vadd.s32 $0x100, v28  }
0x1b4: {  	vm10 =	vne.s32 v27, v19;
	vm6 =	vmand vm6, vm7;
	vm7 =	vmand vm8, vm9  }
0x1b5: {  	v15 =	vsub.f32 $1.500000000e+00, v24;
	v11 =	vmul.f32 v11, v21;
	v24 =	vld.idx.msk [tilespmem:v26+s22+$0x0], $0xffff;
	v42 =	vmul.f32 v12, v10  }
0x1b6: {  	vm8 =	vmand vm10, vm11;
	vm9 =	vmand vm12, vm13;
	v20 =	vmul.u32 $0x3, v27;
	v10 =	vld.idx.msk [tilespmem:v27+s22+$0x0], $0xffff  }
0x1b7: {  	v25 =	vmul.u32 $0x3, v28;
	v12 =	vld.idx.msk [tilespmem:v28+s22+$0x0], $0xffff;
	v15 =	vmul.f32 v15, v16;
	v16 =	vmul.f32 v42, v11  }
0x1b8: {  	v26 =	vadd.s32 $0x2, v20;
	v27 =	vadd.s32 $0x1, v20;
	v28 =	vsel vm9, v22, v23;
	v14 =	vld.idx.msk [tilespmem:v14+s22+$0x0], $0xffff  }
0x1b9: {  	v28 =	vsel vm8, v19, v28;
	v43 =	vmul.f32 v15, v9;
	v9 =	vadd.f32 v16, v8  }
0x1ba: {  	v15 =	vadd.s32 $0x2, v25;
	v29 =	vmul.u32 $0x3, v28;
	v16 =	vadd.s32 $0x1, v25  }
0x1bb: {  	vm9 =	vgt.s32 v24, $0x0;
	v11 =	vmul.f32 v43, v11;
	(erf) = vrcp.f32 v9  }
0x1bc: {  	v20 =	vld.idx.msk [tilespmem:v20+s29+$0x0], $0xffff;
	vm8 =	vgt.s32 v12, $0x0;
	v12 =	vmul.f32 v33, v35;
	v9 =	vsel vm7, v17, v18  }
0x1bd: {  	vm7 =	vgt.s32 v10, $0x0;
	v10 =	vld.idx.msk [tilespmem:v25+s29+$0x0], $0xffff;
	v11 =	vadd.f32 v11, v8;
	vm10 =	vgt.s32 v14, $0x0  }
0x1be: {  	v24 =	vld.idx.msk [tilespmem:v27+s29+$0x0], $0xffff;
	vm7 =	vmand vm7, vm8;
	v9 =	vsel vm6, v13, v9;
	vm8 =	vmand vm9, vm10  }
0x1bf: {  	(erf) = vrcp.f32 v11;
	v14 =	vld.idx.msk [tilespmem:v16+s29+$0x0], $0xffff;
	v16 =	vmul.f32 v31, v34;
	vm6 =	vmand vm7, vm8  }
0x1c0: {  	v26 =	vld.idx.msk [tilespmem:v26+s29+$0x0], $0xffff;
	v11 =	vnsel vm8, $0x0, v28;
	v25 =	vnsel vm6, $0x0, v29  }
0x1c1: {  	v15 =	vld.idx.msk [tilespmem:v15+s29+$0x0], $0xffff;
	v12 =	vadd.f32 v16, v12;
	v16 =	vmul.f32 v32, v40;
	v9 =	vsel vm7, v9, v11  }
0x1c2: {  	v10 =	vsub.f32 v10, v20;
	v30 =	vadd.s32 $0x2, v25  }
0x1c3: {  	s8 =	simm.s32 $0x20;
	v39 =	vld [tilespmem:s11+$0x1BA8];
	v44 =	vadd.f32 v16, v12;
	v12 =	vmul.f32 v37, v35;
	v16 =	vmul.f32 v36, v34  }
0x1c4: {  	v28 =	vld [tilespmem:s8+$0x1AA8];
	v27 =	vadd.s32 $0x1, v25;
	v41 =	vmul.u32 $0x3, v9;
	v11 =	vsub.f32 v14, v24;
	v9 =	vpop (erf)  }
0x1c5: {  	v14 =	vadd.f32 v16, v12;
	v16 =	vmul.f32 v38, v40;
	v9 =	vmul.f32 v9, v44  }
0x1c6: {  	v48 =	vadd.s32 $0x1, v41;
	v12 =	vsub.f32 v15, v26  }
0x1c7: {  	v15 =	vmul.f32 v10, v10;
	v25 =	vld.idx.msk [tilespmem:v25+s29+$0x0], $0xffff;
	v46 =	vadd.f32 v16, v14;
	v14 =	vmul.f32 v9, v9  }
0x1c8: {  	v49 =	vadd.s32 $0x2, v41;
	(erf) = vrcp.f32 v39;
	v45 =	vmul.f32 v11, v11;
	v47 =	vld.idx.msk [tilespmem:v30+s29+$0x0], $0xffff;
	v30 =	vpop (erf)  }
0x1c9: {  	vm13 =	vne.s32 v28, v13;
	v60 =	vld.idx.msk [tilespmem:v27+s29+$0x0], $0xffff;
	v27 =	vmul.f32 v30, v46;
	v14 =	vsub.f32 $1.000000000e+00, v14  }
0x1ca: {  	vm7 =	vne.s32 v28, v17;
	v16 =	vmul.f32 v12, v12;
	v15 =	vadd.f32 v45, v15;
	v61 =	vld.idx.msk [tilespmem:v41+s29+$0x0], $0xffff  }
0x1cb: {  	vm9 =	vne.s32 v28, v19;
	v50 =	vadd.f32 v14, v8;
	v14 =	vmul.f32 v27, v27  }
0x1cc: {  	(erf) = vrcp.f32 v21;
	v15 =	vadd.f32 v16, v15;
	v16 =	vsub.f32 v25, v20  }
0x1cd: {  	v63 =	vld.idx.msk [tilespmem:v48+s29+$0x0], $0xffff;
	v62 =	vshra.s32 v50, $0x1;
	v51 =	vmul.f32 $5.000000000e-01, v50;
	v52 =	vsub.f32 $1.000000000e+00, v14  }
0x1ce: {  	v25 =	vadd.f32 v15, v8;
	v15 =	vsub.f32 v60, v24;
	v41 =	vsub.s32 $0x5F3759DF, v62  }
0x1cf: {  	v20 =	vsub.f32 v61, v20;
	v59 =	vmul.f32 v41, v51;
	v52 =	vadd.f32 v52, v8  }
0x1d0: {  	v49 =	vld.idx.msk [tilespmem:v49+s29+$0x0], $0xffff;
	v14 =	vsub.f32 v47, v26;
	v47 =	vmul.f32 v16, v16;
	v60 =	vshra.s32 v25, $0x1  }
0x1d1: {  	v21 =	vmul.f32 v41, v59;
	v61 =	vshra.s32 v52, $0x1;
	v53 =	vmul.f32 $5.000000000e-01, v52  }
0x1d2: {  	v55 =	vmul.f32 $5.000000000e-01, v25;
	v24 =	vsub.f32 v63, v24;
	v48 =	vsub.s32 $0x5F3759DF, v61  }
0x1d3: {  	v63 =	vmul.f32 v15, v15;
	v62 =	vsub.f32 $1.500000000e+00, v21;
	v57 =	vmul.f32 v48, v53  }
0x1d4: {  	v56 =	vsub.s32 $0x5F3759DF, v60;
	v60 =	vmul.f32 v20, v20;
	v54 =	vmul.f32 v14, v14  }
0x1d5: {  	v29 =	vld [tilespmem:s8+$0x19A8];
	v21 =	vsub.f32 v49, v26;
	v49 =	vmul.f32 v41, v62;
	v26 =	vmul.f32 v48, v57  }
0x1d6: {  	vm11 =	vne.s32 v28, v22;
	v58 =	vmul.f32 v56, v55;
	v61 =	vmul.f32 v24, v24  }
0x1d7: {  	v45 =	vadd.f32 v63, v47;
	v63 =	vmul.f32 v49, v51;
	v26 =	vsub.f32 $1.500000000e+00, v26  }
0x1d8: {  	v39 =	vadd.f32 v61, v60;
	v62 =	vmul.f32 v56, v58;
	v59 =	vmul.f32 v21, v21  }
0x1d9: {  	v45 =	vadd.f32 v54, v45;
	v60 =	vmul.f32 v63, v49;
	v48 =	vmul.f32 v48, v26  }
0x1da: {  	vm12 =	vne.s32 v29, v13;
	v47 =	vsub.f32 $1.500000000e+00, v62;
	v41 =	vadd.f32 v59, v39  }
0x1db: {  	vm6 =	vne.s32 v29, v17;
	v61 =	vsub.f32 $1.500000000e+00, v60;
	v62 =	vmul.f32 v48, v53  }
0x1dc: {  	v39 =	vadd.f32 v45, v8;
	v47 =	vmul.f32 v56, v47;
	v41 =	vadd.f32 v41, v8  }
0x1dd: {  	vm8 =	vne.s32 v29, v19;
	v45 =	vmul.f32 v61, v49;
	v60 =	vmul.f32 v62, v48  }
0x1de: {  	v56 =	vmul.f32 $5.000000000e-01, v39;
	v26 =	vpop (erf);
	v58 =	vmul.f32 $5.000000000e-01, v41;
	v61 =	vshra.s32 v41, $0x1  }
0x1df: {  	v63 =	vpop (erf);
	v54 =	vsub.s32 $0x5F3759DF, v61;
	v51 =	vmul.f32 v45, v51;
	v49 =	vsub.f32 $1.500000000e+00, v60  }
0x1e0: {  	vm10 =	vne.s32 v29, v22;
	v46 =	vmul.f32 v46, v63;
	v59 =	vmul.f32 v54, v58  }
0x1e1: {  	v62 =	vshra.s32 v39, $0x1;
	v51 =	vmul.f32 v51, v45;
	v48 =	vmul.f32 v49, v48  }
0x1e2: {  	v57 =	vmul.f32 v44, v63;
	v44 =	vsub.s32 $0x5F3759DF, v62;
	v59 =	vmul.f32 v54, v59  }
0x1e3: {  	v60 =	vmul.f32 v44, v56;
	v51 =	vsub.f32 $1.500000000e+00, v51;
	v53 =	vmul.f32 v48, v53  }
0x1e4: {  	v61 =	vmul.f32 v57, v40;
	v49 =	vmul.f32 v47, v55;
	v59 =	vsub.f32 $1.500000000e+00, v59  }
0x1e5: {  	vm12 =	vmand vm12, vm13;
	v45 =	vmul.f32 v51, v45;
	v63 =	vmul.f32 v53, v48  }
0x1e6: {  	v9 =	vimm.f32 $0.0e+00;
	v62 =	vmul.f32 v44, v60;
	v53 =	vmul.f32 v54, v59  }
0x1e7: {  	v40 =	vmul.f32 v46, v40;
	v45 =	vmul.f32 v45, v50;
	v63 =	vsub.f32 $1.500000000e+00, v63  }
0x1e8: {  	v49 =	vmul.f32 v49, v47;
	v54 =	vsub.f32 $1.500000000e+00, v62;
	v59 =	vmul.f32 v53, v58  }
0x1e9: {  	v30 =	vmul.u32 $0x3, v29;
	v48 =	vmul.f32 v63, v48;
	v42 =	vmul.f32 v45, v42  }
0x1ea: {  	v27 =	vmul.u32 $0x3, v28;
	v62 =	vmul.f32 v44, v54;
	v60 =	vmul.f32 v59, v53  }
0x1eb: {  	v38 =	vsub.f32 v38, v40;
	v48 =	vmul.f32 v48, v52;
	v42 =	vmul.f32 v42, v43  }
0x1ec: {  	v51 =	vmul.f32 v46, v35;
	v49 =	vsub.f32 $1.500000000e+00, v49;
	v63 =	vmul.f32 v62, v56  }
0x1ed: {  	v46 =	vmul.f32 v46, v34;
	v45 =	vsub.f32 $1.500000000e+00, v60;
	v42 =	vmul.f32 v48, v42  }
0x1ee: {  	v32 =	vsub.f32 v32, v61;
	v47 =	vmul.f32 v49, v47;
	v52 =	vmul.f32 v63, v62  }
0x1ef: {  	v35 =	vmul.f32 v57, v35;
	v45 =	vmul.f32 v45, v53;
	v54 =	vadd.f32 v42, v8  }
0x1f0: {  	v53 =	vmul.f32 v57, v34;
	v57 =	vmul.f32 v47, v55;
	v48 =	vsub.f32 $1.500000000e+00, v52  }
0x1f1: {  	v37 =	vsub.f32 v37, v51;
	v59 =	vmul.f32 v45, v58;
	(erf) = vrcp.f32 v54  }
0x1f2: {  	v33 =	vsub.f32 v33, v35;
	v60 =	vsub.f32 v36, v46;
	v34 =	vmul.f32 v48, v62  }
0x1f3: {  	v62 =	vmul.f32 v57, v47;
	v31 =	vsub.f32 v31, v53;
	v40 =	vmul.f32 v59, v45  }
0x1f4: {  	v44 =	vadd.s32 $0x100, v29;
	v37 =	vmul.f32 v37, v33;
	v63 =	vmul.f32 v34, v56  }
0x1f5: {  	v36 =	vsub.f32 $1.500000000e+00, v62;
	v46 =	vmul.f32 v60, v31;
	v40 =	vsub.f32 $1.500000000e+00, v40  }
0x1f6: {  	v43 =	vadd.s32 $0x100, v28;
	v31 =	vmul.f32 v38, v32;
	v33 =	vmul.f32 v63, v34  }
0x1f7: {  	s9 =	simm.s32 $0xC0;
	v35 =	vmul.f32 v36, v47;
	v32 =	vadd.f32 v46, v37;
	v36 =	vmul.f32 v40, v45  }
.LBB2_16:
0x1f8: {  	p1 =	sne.s32 s9, $0x3C0;
	v29 =	vld.idx.msk [tilespmem:v29+s22+$0x0], $0xffff;
	vm6 =	vmand vm6, vm7;
	vm7 =	vmand vm8, vm9;
	v38 =	vsub.f32 $1.500000000e+00, v33  }
0x1f9: {  	v28 =	vld.idx.msk [tilespmem:v28+s22+$0x0], $0xffff;
	v35 =	vmul.f32 v35, v25;
	v33 =	vmul.f32 v36, v41;
	v31 =	vadd.f32 v32, v31  }
0x1fa: {  	vm8 =	vmand vm10, vm11;
	v36 =	vadd.s32 $0x2, v30;
	v32 =	vld.idx.msk [tilespmem:v44+s22+$0x0], $0xffff;
	v34 =	vmul.f32 v38, v34;
	v37 =	vpop (erf)  }
0x1fb: {  	v40 =	vadd.s32 $0x2, v27;
	v38 =	vld.idx.msk [tilespmem:v43+s22+$0x0], $0xffff;
	v41 =	vmul.f32 v33, v35;
	v37 =	vmul.f32 v37, v31  }
0x1fc: {  	v42 =	vadd.s32 $0x1, v30;
	v43 =	vadd.s32 $0x1, v27;
	v31 =	vmul.f32 v34, v39  }
0x1fd: {  	v34 =	vsel vm8, v22, v23;
	v39 =	vadd.f32 v41, v8;
	v37 =	vadd.f32 $1.000000000e+00, v37  }
0x1fe: {  	v41 =	vsel vm6, v17, v18;
	v34 =	vsel vm7, v19, v34;
	v35 =	vmul.f32 v31, v35  }
0x1ff: {  	v45 =	vld.idx.msk [tilespmem:v30+s29+$0x0], $0xffff;
	v30 =	vmul.u32 $0x3, v34;
	(erf) = vrcp.f32 v39;
	v37 =	vmul.f32 v37, v37  }
0x200: {  	vm6 =	vgt.s32 v29, $0x0;
	vm7 =	vgt.s32 v28, $0x0;
	vm8 =	vgt.s32 v32, $0x0;
	v27 =	vld.idx.msk [tilespmem:v27+s29+$0x0], $0xffff  }
0x201: {  	vm9 =	vgt.s32 v38, $0x0;
	v28 =	vadd.f32 v35, v8;
	v39 =	vld.idx.msk [tilespmem:v42+s29+$0x0], $0xffff;
	v26 =	vmul.f32 v37, v26  }
0x202: {  	v29 =	vmul.f32 v20, v10;
	vm6 =	vmand vm6, vm7;
	vm7 =	vmand vm8, vm9;
	v32 =	vld.idx.msk [tilespmem:v43+s29+$0x0], $0xffff  }
0x203: {  	v35 =	vmul.f32 v24, v11;
	v46 =	vld.idx.msk [tilespmem:v36+s29+$0x0], $0xffff;
	(erf) = vrcp.f32 v28;
	v9 =	vadd.f32 v26, v9  }
0x204: {  	v26 =	vsel vm12, v13, v41;
	v28 =	vnsel vm7, $0x0, v34;
	vm7 =	vmand vm6, vm7;
	v36 =	vld.idx.msk [tilespmem:v40+s29+$0x0], $0xffff  }
0x205: {  	v29 =	vadd.f32 v35, v29;
	v34 =	vmul.f32 v21, v12;
	v30 =	vnsel vm7, $0x0, v30  }
0x206: {  	v26 =	vsel vm6, v26, v28;
	v35 =	vadd.s32 $0x1, v30;
	v37 =	vadd.s32 $0x2, v30  }
0x207: {  	v41 =	vmul.f32 v15, v11;
	v40 =	vmul.f32 v16, v10;
	v43 =	vadd.f32 v34, v29;
	v38 =	vld [tilespmem:s24+$0x1BA8];
	s24 =	smov.u32 s8;
	s8 =	sshra.s32 s9, $0x2  }
0x208: {  	v26 =	vmul.u32 $0x3, v26;
	v34 =	vsub.f32 v27, v45;
	v32 =	vsub.f32 v32, v39;
	v29 =	vld [tilespmem:s8+$0x19A8];
	v27 =	vpop (erf)  }
0x209: {  	v40 =	vadd.f32 v41, v40;
	v41 =	vmul.f32 v14, v12;
	v28 =	vld [tilespmem:s8+$0x1AA8];
	v27 =	vmul.f32 v27, v43  }
0x20a: {  	v44 =	vsub.f32 v36, v46;
	v48 =	vmul.f32 v32, v32;
	v42 =	vld.idx.msk [tilespmem:v30+s29+$0x0], $0xffff;
	v30 =	vmul.f32 v34, v34  }
0x20b: {  	v47 =	vadd.f32 v41, v40;
	v37 =	vld.idx.msk [tilespmem:v37+s29+$0x0], $0xffff;
	v27 =	vmul.f32 v27, v27  }
0x20c: {  	v40 =	vld.idx.msk [tilespmem:v35+s29+$0x0], $0xffff;
	v30 =	vadd.f32 v48, v30;
	v35 =	vmul.f32 v44, v44;
	v36 =	vpop (erf)  }
0x20d: {  	v41 =	vadd.s32 $0x1, v26;
	v27 =	vsub.f32 $1.000000000e+00, v27;
	v36 =	vmul.f32 v36, v47  }
0x20e: {  	v48 =	vld.idx.msk [tilespmem:v26+s29+$0x0], $0xffff;
	v26 =	vadd.s32 $0x2, v26;
	v49 =	vadd.f32 v35, v30;
	(erf) = vrcp.f32 v38  }
0x20f: {  	v30 =	vmul.u32 $0x3, v29;
	v50 =	vadd.f32 v27, v8;
	v36 =	vmul.f32 v36, v36  }
0x210: {  	v27 =	vmul.u32 $0x3, v28;
	v35 =	vsub.f32 v42, v45;
	v42 =	vadd.f32 v49, v8  }
0x211: {  	v49 =	vshra.s32 v50, $0x1;
	v51 =	vmul.f32 $5.000000000e-01, v50;
	v52 =	vsub.f32 $1.000000000e+00, v36  }
0x212: {  	v38 =	vsub.f32 v37, v46;
	v36 =	vsub.f32 v40, v39;
	v41 =	vld.idx.msk [tilespmem:v41+s29+$0x0], $0xffff;
	v49 =	vsub.s32 $0x5F3759DF, v49  }
0x213: {  	v53 =	vmul.f32 v35, v35;
	v40 =	vld.idx.msk [tilespmem:v26+s29+$0x0], $0xffff;
	v26 =	vmul.f32 v49, v51;
	v52 =	vadd.f32 v52, v8  }
0x214: {  	v37 =	vsub.f32 v48, v45;
	v45 =	vshra.s32 v42, $0x1;
	(erf) = vrcp.f32 v25;
	v25 =	vmovc v42  }
0x215: {  	v59 =	vmul.f32 v49, v26;
	v42 =	vshra.s32 v52, $0x1;
	v48 =	vmul.f32 $5.000000000e-01, v52  }
0x216: {  	v54 =	vmul.f32 v38, v38;
	v55 =	vmul.f32 $5.000000000e-01, v25;
	v56 =	vsub.s32 $0x5F3759DF, v42  }
0x217: {  	v45 =	vsub.s32 $0x5F3759DF, v45;
	v57 =	vsub.f32 $1.500000000e+00, v59;
	v58 =	vmul.f32 v56, v48;
	v26 =	vpop (erf)  }
0x218: {  	v42 =	vsub.f32 v41, v39;
	v39 =	vmul.f32 v36, v36;
	v41 =	vmul.f32 v45, v55  }
0x219: {  	v40 =	vsub.f32 v40, v46;
	v46 =	vmul.f32 v49, v57;
	v49 =	vmul.f32 v56, v58  }
0x21a: {  	v57 =	vmul.f32 v37, v37;
	v58 =	vmul.f32 v42, v42;
	v39 =	vadd.f32 v39, v53  }
0x21b: {  	v41 =	vmul.f32 v45, v41;
	v53 =	vmul.f32 v46, v51;
	v49 =	vsub.f32 $1.500000000e+00, v49  }
0x21c: {  	v57 =	vadd.f32 v58, v57;
	v58 =	vmul.f32 v40, v40;
	v39 =	vadd.f32 v54, v39  }
0x21d: {  	v41 =	vsub.f32 $1.500000000e+00, v41;
	v53 =	vmul.f32 v53, v46;
	v49 =	vmul.f32 v56, v49;
	v54 =	vpop (erf)  }
0x21e: {  	vm12 =	vne.s32 v29, v13;
	v56 =	vadd.f32 v58, v57;
	v39 =	vadd.f32 v39, v8  }
0x21f: {  	vm13 =	vne.s32 v28, v13;
	v53 =	vsub.f32 $1.500000000e+00, v53;
	v57 =	vmul.f32 v49, v48  }
0x220: {  	v45 =	vmul.f32 v45, v41;
	v41 =	vadd.f32 v56, v8;
	v56 =	vmul.f32 $5.000000000e-01, v39  }
0x221: {  	vm6 =	vne.s32 v29, v17;
	v46 =	vmul.f32 v53, v46;
	v53 =	vmul.f32 v57, v49  }
0x222: {  	v47 =	vmul.f32 v47, v54;
	v57 =	vshra.s32 v41, $0x1;
	v58 =	vmul.f32 $5.000000000e-01, v41  }
0x223: {  	v57 =	vsub.s32 $0x5F3759DF, v57;
	v51 =	vmul.f32 v46, v51;
	v53 =	vsub.f32 $1.500000000e+00, v53  }
0x224: {  	vm7 =	vne.s32 v28, v17;
	v54 =	vmul.f32 v43, v54;
	v59 =	vmul.f32 v57, v58  }
0x225: {  	v43 =	vshra.s32 v39, $0x1;
	v51 =	vmul.f32 v51, v46;
	v49 =	vmul.f32 v53, v49  }
0x226: {  	v43 =	vsub.s32 $0x5F3759DF, v43;
	v53 =	vmul.f32 v45, v55;
	v59 =	vmul.f32 v57, v59  }
0x227: {  	v60 =	vmul.f32 v43, v56;
	v51 =	vsub.f32 $1.500000000e+00, v51;
	v48 =	vmul.f32 v49, v48  }
0x228: {  	v61 =	vmul.f32 v54, v12;
	v62 =	vmul.f32 v47, v12;
	v12 =	vmovc v44;
	v59 =	vsub.f32 $1.500000000e+00, v59  }
0x229: {  	vm8 =	vne.s32 v29, v19;
	v44 =	vmul.f32 v51, v46;
	v46 =	vmul.f32 v48, v49  }
0x22a: {  	vm9 =	vne.s32 v28, v19;
	v48 =	vmul.f32 v57, v59;
	v51 =	vmul.f32 v43, v60  }
0x22b: {  	v44 =	vmul.f32 v44, v50;
	v46 =	vsub.f32 $1.500000000e+00, v46;
	v50 =	vmul.f32 v47, v10  }
0x22c: {  	v53 =	vmul.f32 v53, v45;
	v57 =	vmul.f32 v48, v58;
	v51 =	vsub.f32 $1.500000000e+00, v51  }
0x22d: {  	vm10 =	vne.s32 v29, v22;
	v46 =	vmul.f32 v46, v49;
	v33 =	vmul.f32 v44, v33  }
0x22e: {  	vm11 =	vne.s32 v28, v22;
	v49 =	vmul.f32 v57, v48;
	v51 =	vmul.f32 v43, v51  }
0x22f: {  	v44 =	vadd.s32 $0x100, v29;
	v43 =	vmul.f32 v46, v52;
	v31 =	vmul.f32 v33, v31  }
0x230: {  	v47 =	vmul.f32 v47, v11;
	v33 =	vsub.f32 $1.500000000e+00, v53;
	v46 =	vmul.f32 v51, v56  }
0x231: {  	v49 =	vsub.f32 $1.500000000e+00, v49;
	v52 =	vmul.f32 v54, v10;
	v10 =	vmovc v34;
	v31 =	vmul.f32 v43, v31  }
0x232: {  	v43 =	vadd.s32 $0x100, v28;
	v45 =	vmul.f32 v33, v45;
	v33 =	vmul.f32 v46, v51  }
0x233: {  	v46 =	vmul.f32 v49, v48;
	v48 =	vmul.f32 v54, v11;
	v11 =	vmovc v32;
	v31 =	vadd.f32 v31, v8  }
0x234: {  	v49 =	vsub.f32 v14, v62;
	v14 =	vmovc v38;
	v32 =	vmul.f32 v45, v55;
	v33 =	vsub.f32 $1.500000000e+00, v33  }
0x235: {  	v50 =	vsub.f32 v16, v50;
	v16 =	vmovc v35;
	v38 =	vmul.f32 v46, v58;
	(erf) = vrcp.f32 v31  }
0x236: {  	v34 =	vmul.f32 v33, v51;
	v31 =	vsub.f32 v20, v52;
	v33 =	vsub.f32 v15, v47;
	v15 =	vmovc v36  }
.Ltmp7:
0x237: {  	v32 =	vmul.f32 v32, v45;
	v35 =	vmul.f32 v38, v46;
	v36 =	vsub.f32 v24, v48;
	v20 =	vmovc v37;
	(pc) =	sbr.rel @p1 .LBB2_16-.Ltmp7, $4  }
0x238: {  	v38 =	vsub.f32 v21, v61;
	v24 =	vmovc v42;
	v37 =	vmul.f32 v34, v56;
	v47 =	vmul.f32 v50, v31  }
0x239: {  	v21 =	vmovc v40;
	v32 =	vsub.f32 $1.500000000e+00, v32;
	v42 =	vsub.f32 $1.500000000e+00, v35;
	v48 =	vmul.f32 v33, v36  }
0x23a: {  	vm12 =	vmand vm12, vm13;
	v31 =	vmul.f32 v49, v38;
	v33 =	vmul.f32 v37, v34  }
0x23b: {  	s9 =	sadd.s32 $0x40, s9;
	v35 =	vmul.f32 v32, v45;
	v36 =	vmul.f32 v42, v46;
	v32 =	vadd.f32 v48, v47  }
0x23c: {  	_ =	sdelay $0x3  }
0x23d: {  	v29 =	vld.idx.msk [tilespmem:v29+s22+$0x0], $0xffff  }
0x23e: {  	v33 =	vsub.f32 $1.500000000e+00, v33;
	vm6 =	vmand vm6, vm7;
	v28 =	vld.idx.msk [tilespmem:v28+s22+$0x0], $0xffff  }
0x23f: {  	vm7 =	vmand vm8, vm9;
	v38 =	vld.idx.msk [tilespmem:v44+s22+$0x0], $0xffff;
	vm13 =	vmand vm10, vm11;
	v40 =	vadd.s32 $0x2, v30  }
0x240: {  	v60 =	vld.idx.msk [tilespmem:v43+s22+$0x0], $0xffff;
	v42 =	vadd.s32 $0x1, v30;
	v37 =	vmul.f32 v35, v25;
	v35 =	vmul.f32 v36, v41  }
0x241: {  	v61 =	vadd.s32 $0x1, v27;
	v22 =	vsel vm13, v22, v23;
	v17 =	vsel vm6, v17, v18  }
0x242: {  	v33 =	vmul.f32 v33, v34;
	v44 =	vsel vm7, v19, v22;
	v59 =	vmul.f32 v35, v37  }
0x243: {  	v63 =	vadd.s32 $0x2, v27;
	v30 =	vld.idx.msk [tilespmem:v30+s29+$0x0], $0xffff;
	v13 =	vsel vm12, v13, v17;
	v22 =	vmul.u32 $0x3, v44  }
0x244: {  	v46 =	vld.idx.msk [tilespmem:v27+s29+$0x0], $0xffff;
	v36 =	vmul.f32 v33, v39;
	v62 =	vadd.f32 v59, v8;
	vm6 =	vgt.s32 v29, $0x0  }
0x245: {  	vm7 =	vgt.s32 v28, $0x0;
	vm14 =	vgt.s32 v38, $0x0;
	vm15 =	vgt.s32 v60, $0x0;
	v28 =	vld.idx.msk [tilespmem:v42+s29+$0x0], $0xffff  }
0x246: {  	v47 =	vld.idx.msk [tilespmem:v61+s29+$0x0], $0xffff;
	v45 =	vmul.f32 v36, v37;
	vm6 =	vmand vm6, vm7;
	vm7 =	vmand vm14, vm15  }
0x247: {  	v38 =	vld.idx.msk [tilespmem:v40+s29+$0x0], $0xffff;
	(erf) = vrcp.f32 v62;
	vm8 =	vmand vm6, vm7;
	v50 =	vnsel vm7, $0x0, v44  }
0x248: {  	v51 =	vld.idx.msk [tilespmem:v63+s29+$0x0], $0xffff;
	v19 =	vadd.f32 v45, v8;
	v22 =	vnsel vm8, $0x0, v22;
	v13 =	vsel vm6, v13, v50  }
0x249: {  	v48 =	vmul.f32 v20, v10;
	v57 =	vmul.u32 $0x3, v13;
	v58 =	vadd.s32 $0x1, v22  }
0x24a: {  	v49 =	vmul.f32 v24, v11;
	v18 =	vsub.f32 v46, v30;
	(erf) = vrcp.f32 v19  }
0x24b: {  	v53 =	vmul.f32 v21, v12;
	v17 =	vsub.f32 v47, v28;
	v61 =	vadd.s32 $0x1, v57  }
0x24c: {  	v52 =	vadd.f32 v49, v48;
	v63 =	vmul.f32 v18, v18;
	v49 =	vadd.s32 $0x2, v57  }
0x24d: {  	v54 =	vadd.s32 $0x2, v22;
	v19 =	vsub.f32 v51, v38;
	v48 =	vmul.f32 v17, v17;
	v22 =	vld.idx.msk [tilespmem:v22+s29+$0x0], $0xffff  }
0x24e: {  	v55 =	vmul.f32 v16, v10;
	v56 =	vmul.f32 v15, v11;
	v41 =	vld.idx.msk [tilespmem:v58+s29+$0x0], $0xffff  }
0x24f: {  	v33 =	vadd.f32 v53, v52;
	v13 =	vpop (erf);
	v52 =	vmul.f32 v19, v19;
	v51 =	vadd.f32 v48, v63;
	v40 =	vld.idx.msk [tilespmem:v57+s29+$0x0], $0xffff  }
0x250: {  	v60 =	vadd.f32 v56, v55;
	v62 =	vmul.f32 v14, v12;
	v59 =	vpop (erf);
	v29 =	vld.idx.msk [tilespmem:v61+s29+$0x0], $0xffff  }
0x251: {  	v27 =	vadd.f32 v52, v51;
	v55 =	vld.idx.msk [tilespmem:v49+s29+$0x0], $0xffff;
	v23 =	vmul.f32 v59, v33  }
0x252: {  	v34 =	vadd.f32 v62, v60;
	v22 =	vsub.f32 v22, v30  }
0x253: {  	v50 =	vld.idx.msk [tilespmem:v54+s29+$0x0], $0xffff;
	v37 =	vadd.f32 v27, v8;
	v23 =	vmul.f32 v23, v23;
	v53 =	vpop (erf)  }
0x254: {  	v39 =	vmul.f32 v53, v34;
	v30 =	vsub.f32 v40, v30;
	v60 =	vmul.f32 v22, v22  }
0x255: {  	v61 =	vshra.s32 v37, $0x1;
	v23 =	vsub.f32 $1.000000000e+00, v23;
	v27 =	vsub.f32 v29, v28  }
0x256: {  	v51 =	vmul.f32 $5.000000000e-01, v37;
	v29 =	vsub.f32 v41, v28;
	v28 =	vsub.f32 v55, v38  }
0x257: {  	v54 =	vmul.f32 v39, v39;
	v58 =	vmul.f32 v30, v30;
	v42 =	vadd.f32 v23, v8  }
0x258: {  	v23 =	vsub.f32 v50, v38;
	v59 =	vmul.f32 v27, v27;
	v62 =	vmul.f32 v28, v28  }
0x259: {  	v49 =	vmul.f32 v29, v29;
	v45 =	vsub.f32 $1.000000000e+00, v54;
	v56 =	vshra.s32 v42, $0x1  }
0x25a: {  	v43 =	vmul.f32 $5.000000000e-01, v42;
	v38 =	vadd.f32 v59, v58;
	v50 =	vmul.f32 v23, v23  }
0x25b: {  	v41 =	vadd.f32 v49, v60;
	v46 =	vsub.s32 $0x5F3759DF, v56;
	v44 =	vadd.f32 v45, v8  }
0x25c: {  	v45 =	vsub.s32 $0x5F3759DF, v61;
	v57 =	vmul.f32 v46, v43;
	v38 =	vadd.f32 v62, v38  }
0x25d: {  	v41 =	vadd.f32 v50, v41;
	v47 =	vshra.s32 v44, $0x1;
	v48 =	vmul.f32 $5.000000000e-01, v44  }
0x25e: {  	v40 =	vmul.f32 v46, v57;
	v63 =	vsub.s32 $0x5F3759DF, v47;
	v38 =	vadd.f32 v38, v8  }
0x25f: {  	v57 =	vmul.f32 v45, v51;
	v41 =	vadd.f32 v41, v8;
	v47 =	vmul.f32 v63, v48  }
0x260: {  	v40 =	vsub.f32 $1.500000000e+00, v40;
	v59 =	vshra.s32 v38, $0x1;
	v50 =	vmul.f32 $5.000000000e-01, v38  }
0x261: {  	v49 =	vmul.f32 v45, v57;
	v58 =	vmul.f32 v63, v47;
	v47 =	vsub.s32 $0x5F3759DF, v59  }
0x262: {  	v54 =	vmul.f32 $5.000000000e-01, v41;
	v55 =	vshra.s32 v41, $0x1;
	v53 =	vmul.f32 v47, v50  }
0x263: {  	v55 =	vsub.s32 $0x5F3759DF, v55;
	v40 =	vmul.f32 v46, v40;
	v46 =	vsub.f32 $1.500000000e+00, v58  }
0x264: {  	v60 =	vmul.f32 v55, v54;
	v49 =	vsub.f32 $1.500000000e+00, v49;
	v53 =	vmul.f32 v47, v53  }
0x265: {  	v52 =	vmul.f32 v40, v43;
	v39 =	vmul.f32 v63, v46  }
0x266: {  	v45 =	vmul.f32 v45, v49;
	v46 =	vmul.f32 v55, v60;
	v53 =	vsub.f32 $1.500000000e+00, v53  }
0x267: {  	v52 =	vmul.f32 v52, v40;
	v56 =	vmul.f32 v39, v48  }
0x268: {  	v46 =	vsub.f32 $1.500000000e+00, v46;
	v47 =	vmul.f32 v47, v53  }
0x269: {  	v62 =	vmul.f32 v45, v51;
	v52 =	vsub.f32 $1.500000000e+00, v52;
	v61 =	vmul.f32 v56, v39  }
0x26a: {  	v46 =	vmul.f32 v55, v46;
	v53 =	vmul.f32 v47, v50  }
0x26b: {  	v40 =	vmul.f32 v52, v40;
	v52 =	vmul.f32 v62, v45  }
0x26c: {  	v49 =	vsub.f32 $1.500000000e+00, v61;
	v63 =	vmul.f32 v46, v54;
	v53 =	vmul.f32 v53, v47  }
0x26d: {  	v43 =	vmul.f32 v40, v43;
	v52 =	vsub.f32 $1.500000000e+00, v52  }
0x26e: {  	v39 =	vmul.f32 v49, v39;
	v49 =	vmul.f32 v63, v46;
	v53 =	vsub.f32 $1.500000000e+00, v53  }
0x26f: {  	v43 =	vmul.f32 v43, v40;
	v45 =	vmul.f32 v52, v45  }
0x270: {  	v48 =	vmul.f32 v39, v48;
	v47 =	vmul.f32 v53, v47  }
0x271: {  	v49 =	vsub.f32 $1.500000000e+00, v49;
	v43 =	vsub.f32 $1.500000000e+00, v43;
	v51 =	vmul.f32 v45, v51  }
0x272: {  	v48 =	vmul.f32 v48, v39;
	v50 =	vmul.f32 v47, v50  }
0x273: {  	v52 =	vmul.f32 v49, v46;
	v40 =	vmul.f32 v43, v40  }
0x274: {  	v55 =	vmul.f32 v51, v45;
	v53 =	vsub.f32 $1.500000000e+00, v48;
	v56 =	vmul.f32 v50, v47  }
0x275: {  	v57 =	vmul.f32 v52, v54;
	v40 =	vmul.f32 v40, v42  }
0x276: {  	v58 =	vsub.f32 $1.500000000e+00, v55;
	v39 =	vmul.f32 v53, v39;
	v59 =	vsub.f32 $1.500000000e+00, v56  }
0x277: {  	v60 =	vmul.f32 v57, v52;
	v35 =	vmul.f32 v40, v35  }
0x278: {  	v61 =	vld [tilespmem:s24+$0x1BA8];
	v45 =	vmul.f32 v58, v45;
	v62 =	vmul.f32 v59, v47  }
0x279: {  	v39 =	vmul.f32 v39, v44;
	v35 =	vmul.f32 v35, v36  }
0x27a: {  	v63 =	vsub.f32 $1.500000000e+00, v60;
	v44 =	vmul.f32 v45, v37;
	v38 =	vmul.f32 v62, v38  }
0x27b: {  	v35 =	vmul.f32 v39, v35  }
0x27c: {  	v36 =	vmul.f32 v63, v52;
	v45 =	vmul.f32 v38, v44  }
0x27d: {  	(erf) = vrcp.f32 v61;
	v35 =	vadd.f32 v35, v8  }
0x27e: {  	(erf) = vrcp.f32 v25;
	v25 =	vmul.f32 v36, v41;
	v46 =	vadd.f32 v45, v8  }
0x27f: {  	(erf) = vrcp.f32 v35  }
0x280: {  	v47 =	vmul.f32 v25, v44;
	(erf) = vrcp.f32 v46;
	_ =	sdelay $0x1  }
0x281: {  	v35 =	vadd.f32 v47, v8  }
0x282: {  	v49 =	vmul.f32 v27, v17  }
0x283: {  	v48 =	vmul.f32 v30, v18;
	(erf) = vrcp.f32 v35;
	_ =	sdelay $0x1  }
0x284: {  	v50 =	vmul.f32 v28, v19;
	v36 =	vadd.f32 v49, v48;
	v35 =	vpop (erf)  }
0x285: {  	v40 =	vpop (erf)  }
0x286: {  	v51 =	vmul.f32 v22, v18;
	v52 =	vmul.f32 v29, v17;
	v36 =	vadd.f32 v50, v36;
	v41 =	vpop (erf)  }
0x287: {  	v53 =	vpop (erf)  }
0x288: {  	v54 =	vmul.f32 v23, v19;
	v39 =	vadd.f32 v52, v51;
	v43 =	vmul.f32 v53, v36;
	_ =	sdelay $0x1  }
0x289: {  	v39 =	vadd.f32 v54, v39;
	v55 =	vmul.f32 v43, v43  }
0x28a: {  	v56 =	vpop (erf)  }
0x28b: {  	v43 =	vmul.f32 v56, v39;
	v42 =	vsub.f32 $1.000000000e+00, v55;
	_ =	sdelay $0x1  }
0x28c: {  	v43 =	vmul.f32 v43, v43;
	v42 =	vadd.f32 v42, v8;
	_ =	sdelay $0x1  }
0x28d: {  	v43 =	vsub.f32 $1.000000000e+00, v43;
	v57 =	vshra.s32 v42, $0x1;
	v58 =	vmul.f32 $5.000000000e-01, v42  }
0x28e: {  	v44 =	vsub.s32 $0x5F3759DF, v57  }
0x28f: {  	v43 =	vadd.f32 v43, v8;
	v59 =	vmul.f32 v44, v58;
	_ =	sdelay $0x1  }
0x290: {  	v60 =	vshra.s32 v43, $0x1;
	v61 =	vmul.f32 $5.000000000e-01, v43;
	v46 =	vmul.f32 v44, v59  }
0x291: {  	v47 =	vsub.s32 $0x5F3759DF, v60  }
0x292: {  	v62 =	vmul.f32 v47, v61;
	v46 =	vsub.f32 $1.500000000e+00, v46;
	_ =	sdelay $0x1  }
0x293: {  	v63 =	vmul.f32 v47, v62;
	v44 =	vmul.f32 v44, v46;
	_ =	sdelay $0x1  }
0x294: {  	v46 =	vsub.f32 $1.500000000e+00, v63;
	v52 =	vmul.f32 v44, v58;
	_ =	sdelay $0x1  }
0x295: {  	v46 =	vmul.f32 v47, v46;
	v49 =	vmul.f32 v52, v44;
	_ =	sdelay $0x1  }
0x296: {  	v55 =	vld [tilespmem:s8+$0x1BA8];
	v54 =	vmul.f32 v46, v61;
	v53 =	vsub.f32 $1.500000000e+00, v49;
	_ =	sdelay $0x1  }
0x297: {  	v56 =	vmul.f32 v54, v46;
	v44 =	vmul.f32 v53, v44;
	_ =	sdelay $0x1  }
0x298: {  	v47 =	vsub.f32 $1.500000000e+00, v56;
	v45 =	vmul.f32 v44, v58  }
0x299: {  	(erf) = vrcp.f32 v55  }
0x29a: {  	v46 =	vmul.f32 v47, v46;
	v45 =	vmul.f32 v45, v44  }
0x29b: {  	(erf) = vrcp.f32 v37  }
0x29c: {  	v58 =	vmul.f32 v46, v61;
	v57 =	vsub.f32 $1.500000000e+00, v45  }
0x29d: {  	v34 =	vmul.f32 v34, v40  }
0x29e: {  	v59 =	vmul.f32 v58, v46;
	v37 =	vmul.f32 v57, v44  }
0x29f: {  	v33 =	vmul.f32 v33, v40  }
0x2a0: {  	v51 =	vmul.f32 v34, v12;
	v61 =	vsub.f32 $1.500000000e+00, v59;
	v37 =	vmul.f32 v37, v42  }
0x2a1: {  	v60 =	vmul.f32 v33, v12;
	v62 =	vmul.f32 v34, v10  }
0x2a2: {  	v42 =	vmul.f32 v61, v46;
	v37 =	vmul.f32 v37, v38  }
0x2a3: {  	v63 =	vmul.f32 v34, v11;
	v49 =	vpop (erf);
	v47 =	vmul.f32 v33, v11  }
0x2a4: {  	v31 =	vadd.f32 v32, v31;
	v53 =	vpop (erf);
	v50 =	vmul.f32 v42, v43;
	v25 =	vmul.f32 v37, v25  }
0x2a5: {  	v12 =	vsub.f32 v14, v51;
	v54 =	vmul.f32 v39, v53;
	v55 =	vmul.f32 v36, v53  }
0x2a6: {  	v48 =	vsub.f32 v16, v62;
	v52 =	vsub.f32 v15, v63;
	v25 =	vmul.f32 v50, v25  }
0x2a7: {  	v11 =	vsub.f32 v24, v47;
	v56 =	vmul.f32 v54, v18;
	v18 =	vmul.f32 v55, v18  }
0x2a8: {  	v16 =	vmul.f32 v55, v19;
	v46 =	vmul.f32 v33, v10;
	v8 =	vadd.f32 v25, v8  }
0x2a9: {  	v58 =	vsub.f32 v21, v60;
	v15 =	vsub.f32 v22, v56;
	v57 =	vmul.f32 v54, v17  }
0x2aa: {  	v17 =	vmul.f32 v55, v17;
	v10 =	vsub.f32 v20, v46;
	(erf) = vrcp.f32 v8  }
0x2ab: {  	v11 =	vmul.f32 v52, v11;
	v18 =	vsub.f32 v30, v18;
	v14 =	vsub.f32 v29, v57  }
0x2ac: {  	v17 =	vsub.f32 v27, v17;
	v10 =	vmul.f32 v48, v10;
	v8 =	vmul.f32 v54, v19  }
0x2ad: {  	v12 =	vmul.f32 v12, v58;
	v59 =	vsub.f32 v28, v16;
	v15 =	vmul.f32 v15, v18  }
0x2ae: {  	v14 =	vmul.f32 v14, v17;
	v10 =	vadd.f32 v11, v10;
	v8 =	vsub.f32 v23, v8  }
0x2af: {  	v13 =	vmul.f32 v13, v31  }
0x2b0: {  	v60 =	vadd.f32 v14, v15;
	v10 =	vadd.f32 v10, v12;
	v8 =	vmul.f32 v8, v59;
	_ =	sdelay $0x1  }
0x2b1: {  	v61 =	vadd.f32 $1.000000000e+00, v13;
	v10 =	vmul.f32 v41, v10;
	v8 =	vadd.f32 v60, v8  }
0x2b2: {  	v62 =	vpop (erf)  }
0x2b3: {  	v12 =	vmul.f32 v61, v61;
	v10 =	vadd.f32 $1.000000000e+00, v10;
	v8 =	vmul.f32 v62, v8;
	_ =	sdelay $0x1  }
0x2b4: {  	v63 =	vmul.f32 v12, v26;
	v10 =	vmul.f32 v10, v10;
	v8 =	vadd.f32 $1.000000000e+00, v8;
	_ =	sdelay $0x1  }
0x2b5: {  	v9 =	vadd.f32 v63, v9;
	v10 =	vmul.f32 v10, v35;
	v8 =	vmul.f32 v8, v8;
	_ =	sdelay $0x1  }
0x2b6: {  	v9 =	vadd.f32 v10, v9;
	v8 =	vmul.f32 v8, v49;
	_ =	sdelay $0x1  }
0x2b7: {  	s23 =	sadd.s32 $0x1, s23;
	v8 =	vadd.f32 v8, v9  }
0x2b8: {  	p1 =	sne.s32 s23, s30  }
.Ltmp8:
0x2b9: {  	s24 =	simm.s32 $0x52A8;
	[tilespmem:$0x52A8] =	vst v8;
	(pc) =	sbr.rel @p1 .LBB2_1-.Ltmp8, $4  }
0x2ba: {  	[hbm4b:s31+s5] =	stream.linear.scatter [tilespmem:s24], [sflag:$0x4], $0x80, $0x38;
	[tilespmem:$0x5328] =	vst v63  }
0x2bb: {  	_ =	swait.ge [sflag:s4], $0x80  }
0x2bc: {  	[sflag:s4] =	ssyncset.done $0x0  }
0x2bd: {  	s24 =	simm.s32 $0x18A8;
	[sflag:s4] =	ssyncadd.s32 $0xFFFFFF80  }
0x2be: {  	_ =	sfence.sel $0x180000  }
0x2bf: {  	[bflag:$0x0] =	sbarrier.arrive $0xFFFF  }
0x2c0: {  	_ =	strace $0x90000047  }
0x2c1: {  	[bflag:$0x2] =	sbarrier.arrive $0xFFFF  }
0x2c2: {  	s0 =	rddreg [dreg:$0x5]  }
0x2c3: {  	s0 =	sadd.s32 @!p0 $0x100000, s0  }
0x2c4: {  	[sflag:s0] =	ssyncadd.tile.s32 @!p0 $0x1;
	_ =	shalt  }
.Lfunc_end2:
_tile_overlayer_lowered:
.L_overlay_start_2:
0x2c5: {  	(tag) =	ssettag $0x2  }
0x2c6: {  	s0 =	rddreg [dreg:$0x0];
	s2 =	stileid.u32  }
0x2c7: {  	s1 =	rddreg [dreg:$0x1];
	p0 =	sne.s32 s2, $0x0  }
0x2c8: {  	s3 =	rddreg [dreg:$0x2];
	[bflag:$0x3] =	sbarrier.arrive $0xFFFF;
	s2 =	simm.s32 @!p0 $0x1C04  }
0x2c9: {  	[timem:s3], [sflag:s2] =	dma.local @!p0 [hbm:s0], s1  }
0x2ca: {  	s0 =	simm.s32 @!p0 $0x4  }
0x2cb: {  	_ =	swait.ge @!p0 [sflag:s0], s1  }
0x2cc: {  	s1 =	ssub.s32 @!p0 $0x0, s1;
	[sflag:s0] =	ssyncset.done @!p0 $0x0  }
0x2cd: {  	[sflag:s0] =	ssyncadd.s32 @!p0 s1  }
0x2ce: {  	[bflag:$0x3] =	sbarrier.arrive $0xFFFF  }
0x2cf: {  	_ =	shalt  }

</sc_bundles>
